<compile_context>
chip_gen: v7x
topology: tpu7x:2x2x1
jax: 0.10.2.dev20260603
libtpu: 0.0.44.dev20260713+nightly
codegen_flags: <defaults>
</compile_context>

<pallas_src>
import jax
import jax.numpy as jnp
from jax import lax
from jax.experimental import pallas as pl
from jax.experimental.pallas import tpu as pltpu
from jax.experimental.pallas import tpu_sc as plsc

N_NODES = 10000
H = 256
N_RELS = 200
N_TRIP = 160000
NC = 2
NS = 16
NW = NC * NS
PER_W = N_TRIP // NW
B = 40
NCH = PER_W // B
NCHG = N_TRIP // B
VPT = H // 16

_DNUMS = lax.GatherDimensionNumbers(
    offset_dims=(), collapsed_slice_dims=(0,), start_index_map=(0,))


def _body(idx_hbm, emb_hbm, wrel_hbm, out_hbm,
          w_v, s_v, o_v, idx_v, out_v, sem_s, sem_o, sem_i):
    cid = lax.axis_index("c")
    sid = lax.axis_index("s")
    wid = sid * NC + cid
    gc0 = wid * NCH

    pltpu.sync_copy(wrel_hbm, w_v)

    iota = lax.iota(jnp.int32, 16)
    m15 = iota == 15

    def idx_copy(c, ib):
        return pltpu.make_async_copy(
            idx_hbm.at[gc0 + c], idx_v.at[ib], sem_i.at[ib])

    def gather_s(b, ib):
        return pltpu.make_async_copy(
            emb_hbm.at[idx_v.at[ib, pl.ds(0, B)]], s_v.at[b], sem_s.at[b])

    def gather_o(b, ib):
        return pltpu.make_async_copy(
            emb_hbm.at[idx_v.at[ib, pl.ds(2 * B, B)]], o_v.at[b], sem_o.at[b])

    def gather_start(b, ib):
        gather_s(b, ib).start()
        gather_o(b, ib).start()

    def gather_wait(b, ib):
        gather_s(b, ib).wait()
        gather_o(b, ib).wait()

    def compute(c, b, ib):
        out_base = c * B

        def grp(g, carry2):
            half = lax.select(g < 2, jnp.int32(8), jnp.int32((B - 32) // 2))
            rv = idx_v[ib, pl.ds(B + 16 * g, 16)]
            rr = lax.rem(rv, jnp.int32(N_RELS)) * (H // 2)

            def tri(i, carry):
                for ii in (i, i + half):
                    ti = g * 16 + ii
                    rri = lax.gather(
                        rr, (jnp.full((16,), 0, jnp.int32) + ii)[:, None],
                        _DNUMS, (1,), mode=lax.GatherScatterMode.PROMISE_IN_BOUNDS)
                    acc = None
                    for j in range(VPT // 2):
                        sv2 = s_v[b, ti, pl.ds(32 * j, 32)]
                        ov2 = o_v[b, ti, pl.ds(32 * j, 32)]
                        po = sv2 * ov2
                        pa, pb = plsc.unpack(po, format=plsc.PackFormat.INTERLEAVED)
                        rp = plsc.load_gather(w_v, [rri + (iota + 16 * j)])
                        rbf = plsc.bitcast(rp, jnp.bfloat16)
                        ra, rb = plsc.unpack(rbf, format=plsc.PackFormat.INTERLEAVED)
                        term = pa * ra + pb * rb
                        acc = term if acc is None else acc + term
                    cum = jnp.cumsum(acc)
                    pos = out_base + ti
                    plsc.store_scatter(out_v, [jnp.full((16,), 0, jnp.int32) + pos],
                                       cum, mask=m15)
                return carry

            lax.fori_loop(0, half, tri, 0, unroll=False)
            return carry2

        lax.fori_loop(0, 3, grp, 0, unroll=False)

    idx_copy(0, 0).start()
    idx_copy(1, 1).start()
    idx_copy(0, 0).wait()
    idx_copy(1, 1).wait()
    idx_copy(2, 2).start()
    idx_copy(3, 3).start()
    gather_start(0, 0)
    gather_start(1, 1)

    def step(c, carry):
        b4 = lax.rem(c, jnp.int32(4))
        n4 = lax.rem(c + 2, jnp.int32(4))
        idx_copy(c + 2, n4).wait()
        gather_start(n4, n4)
        gather_wait(b4, b4)
        compute(c, b4, b4)
        idx_copy(c + 4, b4).start()
        return carry

    lax.fori_loop(0, NCH - 1, step, 0, unroll=False)
    gather_wait(0, 0)
    compute(NCH - 1, 0, 0)
    gather_wait(1, 1)
    pltpu.sync_copy(out_v, out_hbm.at[pl.ds(wid * PER_W, PER_W)])


def kernel(embedding, w_relation, triplets):
    idx_blocks = triplets.reshape(NCHG, B, 3).transpose(0, 2, 1).reshape(NCHG, 3 * B)
    idx_blocks = jnp.pad(idx_blocks, ((0, 8), (0, 0)))
    mesh = plsc.VectorSubcoreMesh(core_axis_name="c", subcore_axis_name="s",
                                  num_cores=NC, num_subcores=NS)
    f = pl.kernel(
        _body,
        out_type=jax.ShapeDtypeStruct((N_TRIP,), jnp.float32),
        mesh=mesh,
        compiler_params=pltpu.CompilerParams(use_tc_tiling_on_sc=False,
                                             needs_layout_passes=False),
        scratch_types=[
            pltpu.VMEM((N_RELS * H // 2,), jnp.int32),
            pltpu.VMEM((4, B, H), jnp.bfloat16),
            pltpu.VMEM((4, B, H), jnp.bfloat16),
            pltpu.VMEM((4, 3 * B), jnp.int32),
            pltpu.VMEM((PER_W,), jnp.float32),
            pltpu.SemaphoreType.DMA((4,)),
            pltpu.SemaphoreType.DMA((4,)),
            pltpu.SemaphoreType.DMA((4,)),
        ],
    )
    w_pack = jax.lax.bitcast_convert_type(
        w_relation.astype(jnp.bfloat16).reshape(N_RELS * H // 2, 2), jnp.int32)
    return f(idx_blocks, embedding.astype(jnp.bfloat16), w_pack)

# --- scband reference (transcript-rebuilt; emitter-appended) ---
"""Pipeline reference for scband-dist-mult-32160715113081 (READ-ONLY COPY).

The authoritative reference and input builder live on the scoring server;
editing this copy changes nothing except your own understanding.
"""

import jax, jax.numpy as jnp
import numpy as np

NUM_NODES = 10000
H_DIM = 256
NUM_RELS = 200
NUM_TRIPLETS = 160000


def setup_inputs(seed: int = 0) -> dict:
    key = jax.random.key(seed)
    k1, k2, k3 = jax.random.split(key, 3)
    embedding = jax.random.normal(k1, (NUM_NODES, H_DIM), dtype=jnp.float32)
    triplets = jax.random.randint(k2, (NUM_TRIPLETS, 3), 0, NUM_NODES, dtype=jnp.int32)
    # xavier_uniform_ with gain=calculate_gain('relu')=sqrt(2) for w_relation[num_rels, h_dim]
    gain = float(np.sqrt(2.0))
    fan_in, fan_out = H_DIM, NUM_RELS  # torch: fan_in=size(1), fan_out=size(0)
    bound = gain * float(np.sqrt(6.0 / (fan_in + fan_out)))
    w_relation = jax.random.uniform(k3, (NUM_RELS, H_DIM), minval=-bound, maxval=bound, dtype=jnp.float32)
    return {"embedding": embedding, "w_relation": w_relation, "triplets": triplets}


def reference(embedding, w_relation, triplets):
    # DistMult.calc_score: score = sum(s * r * o, dim=1)
    num_rels = w_relation.shape[0]
    s = jnp.take(embedding, triplets[:, 0], axis=0)
    r = jnp.take(w_relation, jnp.mod(triplets[:, 1], num_rels), axis=0)
    o = jnp.take(embedding, triplets[:, 2], axis=0)
    score = jnp.sum(s * r * o, axis=1)
    # isSigmoid=False -> raw logits returned
    return score

if __name__ == "__main__":
    import jax
    _d = setup_inputs()
    print(jax.jit(kernel)(*tuple(_d.values())))

</pallas_src>

<mosaic_0001>
#map = affine_map<(d0, d1) -> (0, 0)>
#map1 = affine_map<(d0, d1) -> (0)>
module attributes {stable_mosaic.version = 14 : i64} {
  func.func @_body(%arg0: i32, %arg1: i32, %arg2: memref<4008x120xi32, #tpu.memory_space<hbm>>, %arg3: memref<10000x256xbf16, #tpu.memory_space<hbm>>, %arg4: memref<25600xi32, #tpu.memory_space<hbm>>, %arg5: memref<160000xf32, #tpu.memory_space<hbm>>, %arg6: memref<25600xi32, #tpu.memory_space<vmem>>, %arg7: memref<4x40x256xbf16, #tpu.memory_space<vmem>>, %arg8: memref<4x40x256xbf16, #tpu.memory_space<vmem>>, %arg9: memref<4x120xi32, #tpu.memory_space<vmem>>, %arg10: memref<5000xf32, #tpu.memory_space<vmem>>, %arg11: memref<4x!tpu.dma_semaphore, #tpu.memory_space<semaphore_mem>>, %arg12: memref<4x!tpu.dma_semaphore, #tpu.memory_space<semaphore_mem>>, %arg13: memref<4x!tpu.dma_semaphore, #tpu.memory_space<semaphore_mem>>) attributes {dimension_semantics = [#tpu.dimension_semantics<core_parallel>, #tpu.dimension_semantics<subcore_parallel>], iteration_bounds = array<i64: 2, 16>, scalar_prefetch = 0 : i64, scratch_operands = 8 : i64, tpu.core_type = #tpu.core_type<sc_vector_subcore>, window_params = [{transform_indices = #map}, {transform_indices = #map}, {transform_indices = #map1}, {transform_indices = #map1}]} {
    %mul3A = arith.constant 2 : i32
    %mul3A_0 = arith.muli %arg1, %mul3A : i32
    %add3A = arith.addi %mul3A_0, %arg0 : i32
    %mul3A_1 = arith.constant 125 : i32
    %mul3A_2 = arith.muli %add3A, %mul3A_1 : i32
    "tpu.region"() ({
      %run_scoped3A = tpu.sem_alloc : memref<!tpu.dma_semaphore, #tpu.memory_space<semaphore_mem>>
      tpu.enqueue_dma source(%arg4 : memref<25600xi32, #tpu.memory_space<hbm>>) target(%arg6 : memref<25600xi32, #tpu.memory_space<vmem>>) target_semaphore(%run_scoped3A : memref<!tpu.dma_semaphore, #tpu.memory_space<semaphore_mem>>)
      tpu.wait_dma2 semaphore(%run_scoped3A : memref<!tpu.dma_semaphore, #tpu.memory_space<semaphore_mem>>) src(%arg4 : memref<25600xi32, #tpu.memory_space<hbm>>) dst(%arg6 : memref<25600xi32, #tpu.memory_space<vmem>>)
      tpu.yield
    }) : () -> ()
    %iota3A = tpu.iota {dimensions = array<i32: 0>} : vector<16xi32>
    %eq3A = arith.constant 15 : i32
    %eq3A_3 = vector.broadcast %eq3A : i32 to vector<16xi32>
    %eq3A_4 = arith.cmpi eq, %iota3A, %eq3A_3 : vector<16xi32>
    %add3A_5 = arith.constant 0 : i32
    %add3A_6 = arith.addi %mul3A_2, %add3A_5 : i32
    %dma_start3A = arith.constant 0 : i32
    %dma_start3A_7 = arith.constant 0 : i32
    %dma_start3A_8 = arith.constant 0 : i32
    %dma_start3A_9 = tpu.memref_slice %arg9[%dma_start3A, %dma_start3A_8] : memref<4x120xi32, #tpu.memory_space<vmem>> -> memref<1x120xi32, #tpu.memory_space<vmem>>
    %dma_start3A_10 = tpu.memref_squeeze %dma_start3A_9 : memref<1x120xi32, #tpu.memory_space<vmem>> -> memref<120xi32, #tpu.memory_space<vmem>>
    %dma_start3A_11 = arith.constant 0 : i32
    %dma_start3A_12 = tpu.memref_slice %arg2[%add3A_6, %dma_start3A_11] : memref<4008x120xi32, #tpu.memory_space<hbm>> -> memref<1x120xi32, #tpu.memory_space<hbm>>
    %dma_start3A_13 = tpu.memref_squeeze %dma_start3A_12 : memref<1x120xi32, #tpu.memory_space<hbm>> -> memref<120xi32, #tpu.memory_space<hbm>>
    %dma_start3A_14 = tpu.memref_slice %arg13[%dma_start3A_7] : memref<4x!tpu.dma_semaphore, #tpu.memory_space<semaphore_mem>> -> memref<1x!tpu.dma_semaphore, #tpu.memory_space<semaphore_mem>>
    %dma_start3A_15 = tpu.memref_squeeze %dma_start3A_14 : memref<1x!tpu.dma_semaphore, #tpu.memory_space<semaphore_mem>> -> memref<!tpu.dma_semaphore, #tpu.memory_space<semaphore_mem>>
    %dma_start3A_16 = arith.constant 0 : i32
    %dma_start3A_17 = tpu.memref_slice %arg9[%dma_start3A, %dma_start3A_16] : memref<4x120xi32, #tpu.memory_space<vmem>> -> memref<1x120xi32, #tpu.memory_space<vmem>>
    %dma_start3A_18 = tpu.memref_squeeze %dma_start3A_17 : memref<1x120xi32, #tpu.memory_space<vmem>> -> memref<120xi32, #tpu.memory_space<vmem>>
    %dma_start3A_19 = arith.constant 0 : i32
    %dma_start3A_20 = tpu.memref_slice %arg2[%add3A_6, %dma_start3A_19] : memref<4008x120xi32, #tpu.memory_space<hbm>> -> memref<1x120xi32, #tpu.memory_space<hbm>>
    %dma_start3A_21 = tpu.memref_squeeze %dma_start3A_20 : memref<1x120xi32, #tpu.memory_space<hbm>> -> memref<120xi32, #tpu.memory_space<hbm>>
    tpu.enqueue_dma source(%dma_start3A_21 : memref<120xi32, #tpu.memory_space<hbm>>) target(%dma_start3A_18 : memref<120xi32, #tpu.memory_space<vmem>>) target_semaphore(%dma_start3A_15 : memref<!tpu.dma_semaphore, #tpu.memory_space<semaphore_mem>>)
    %add3A_22 = arith.constant 1 : i32
    %add3A_23 = arith.addi %mul3A_2, %add3A_22 : i32
    %dma_start3A_24 = arith.constant 1 : i32
    %dma_start3A_25 = arith.constant 1 : i32
    %dma_start3A_26 = arith.constant 0 : i32
    %dma_start3A_27 = tpu.memref_slice %arg9[%dma_start3A_24, %dma_start3A_26] : memref<4x120xi32, #tpu.memory_space<vmem>> -> memref<1x120xi32, #tpu.memory_space<vmem>>
    %dma_start3A_28 = tpu.memref_squeeze %dma_start3A_27 : memref<1x120xi32, #tpu.memory_space<vmem>> -> memref<120xi32, #tpu.memory_space<vmem>>
    %dma_start3A_29 = arith.constant 0 : i32
    %dma_start3A_30 = tpu.memref_slice %arg2[%add3A_23, %dma_start3A_29] : memref<4008x120xi32, #tpu.memory_space<hbm>> -> memref<1x120xi32, #tpu.memory_space<hbm>>
    %dma_start3A_31 = tpu.memref_squeeze %dma_start3A_30 : memref<1x120xi32, #tpu.memory_space<hbm>> -> memref<120xi32, #tpu.memory_space<hbm>>
    %dma_start3A_32 = tpu.memref_slice %arg13[%dma_start3A_25] : memref<4x!tpu.dma_semaphore, #tpu.memory_space<semaphore_mem>> -> memref<1x!tpu.dma_semaphore, #tpu.memory_space<semaphore_mem>>
    %dma_start3A_33 = tpu.memref_squeeze %dma_start3A_32 : memref<1x!tpu.dma_semaphore, #tpu.memory_space<semaphore_mem>> -> memref<!tpu.dma_semaphore, #tpu.memory_space<semaphore_mem>>
    %dma_start3A_34 = arith.constant 0 : i32
    %dma_start3A_35 = tpu.memref_slice %arg9[%dma_start3A_24, %dma_start3A_34] : memref<4x120xi32, #tpu.memory_space<vmem>> -> memref<1x120xi32, #tpu.memory_space<vmem>>
    %dma_start3A_36 = tpu.memref_squeeze %dma_start3A_35 : memref<1x120xi32, #tpu.memory_space<vmem>> -> memref<120xi32, #tpu.memory_space<vmem>>
    %dma_start3A_37 = arith.constant 0 : i32
    %dma_start3A_38 = tpu.memref_slice %arg2[%add3A_23, %dma_start3A_37] : memref<4008x120xi32, #tpu.memory_space<hbm>> -> memref<1x120xi32, #tpu.memory_space<hbm>>
    %dma_start3A_39 = tpu.memref_squeeze %dma_start3A_38 : memref<1x120xi32, #tpu.memory_space<hbm>> -> memref<120xi32, #tpu.memory_space<hbm>>
    tpu.enqueue_dma source(%dma_start3A_39 : memref<120xi32, #tpu.memory_space<hbm>>) target(%dma_start3A_36 : memref<120xi32, #tpu.memory_space<vmem>>) target_semaphore(%dma_start3A_33 : memref<!tpu.dma_semaphore, #tpu.memory_space<semaphore_mem>>)
    %add3A_40 = arith.constant 0 : i32
    %add3A_41 = arith.addi %mul3A_2, %add3A_40 : i32
    %dma_wait3A = arith.constant 0 : i32
    %dma_wait3A_42 = arith.constant 0 : i32
    %dma_wait3A_43 = arith.constant 0 : i32
    %dma_wait3A_44 = tpu.memref_slice %arg9[%dma_wait3A, %dma_wait3A_43] : memref<4x120xi32, #tpu.memory_space<vmem>> -> memref<1x120xi32, #tpu.memory_space<vmem>>
    %dma_wait3A_45 = tpu.memref_squeeze %dma_wait3A_44 : memref<1x120xi32, #tpu.memory_space<vmem>> -> memref<120xi32, #tpu.memory_space<vmem>>
    %dma_wait3A_46 = arith.constant 0 : i32
    %dma_wait3A_47 = tpu.memref_slice %arg2[%add3A_41, %dma_wait3A_46] : memref<4008x120xi32, #tpu.memory_space<hbm>> -> memref<1x120xi32, #tpu.memory_space<hbm>>
    %dma_wait3A_48 = tpu.memref_squeeze %dma_wait3A_47 : memref<1x120xi32, #tpu.memory_space<hbm>> -> memref<120xi32, #tpu.memory_space<hbm>>
    %dma_wait3A_49 = tpu.memref_slice %arg13[%dma_wait3A_42] : memref<4x!tpu.dma_semaphore, #tpu.memory_space<semaphore_mem>> -> memref<1x!tpu.dma_semaphore, #tpu.memory_space<semaphore_mem>>
    %dma_wait3A_50 = tpu.memref_squeeze %dma_wait3A_49 : memref<1x!tpu.dma_semaphore, #tpu.memory_space<semaphore_mem>> -> memref<!tpu.dma_semaphore, #tpu.memory_space<semaphore_mem>>
    %dma_wait3A_51 = arith.constant 0 : i32
    %dma_wait3A_52 = tpu.memref_slice %arg9[%dma_wait3A, %dma_wait3A_51] : memref<4x120xi32, #tpu.memory_space<vmem>> -> memref<1x120xi32, #tpu.memory_space<vmem>>
    %dma_wait3A_53 = tpu.memref_squeeze %dma_wait3A_52 : memref<1x120xi32, #tpu.memory_space<vmem>> -> memref<120xi32, #tpu.memory_space<vmem>>
    %dma_wait3A_54 = arith.constant 0 : i32
    %dma_wait3A_55 = tpu.memref_slice %arg2[%add3A_41, %dma_wait3A_54] : memref<4008x120xi32, #tpu.memory_space<hbm>> -> memref<1x120xi32, #tpu.memory_space<hbm>>
    %dma_wait3A_56 = tpu.memref_squeeze %dma_wait3A_55 : memref<1x120xi32, #tpu.memory_space<hbm>> -> memref<120xi32, #tpu.memory_space<hbm>>
    tpu.wait_dma2 semaphore(%dma_wait3A_50 : memref<!tpu.dma_semaphore, #tpu.memory_space<semaphore_mem>>) src(%dma_wait3A_56 : memref<120xi32, #tpu.memory_space<hbm>>) dst(%dma_wait3A_53 : memref<120xi32, #tpu.memory_space<vmem>>)
    %add3A_57 = arith.constant 1 : i32
    %add3A_58 = arith.addi %mul3A_2, %add3A_57 : i32
    %dma_wait3A_59 = arith.constant 1 : i32
    %dma_wait3A_60 = arith.constant 1 : i32
    %dma_wait3A_61 = arith.constant 0 : i32
    %dma_wait3A_62 = tpu.memref_slice %arg9[%dma_wait3A_59, %dma_wait3A_61] : memref<4x120xi32, #tpu.memory_space<vmem>> -> memref<1x120xi32, #tpu.memory_space<vmem>>
    %dma_wait3A_63 = tpu.memref_squeeze %dma_wait3A_62 : memref<1x120xi32, #tpu.memory_space<vmem>> -> memref<120xi32, #tpu.memory_space<vmem>>
    %dma_wait3A_64 = arith.constant 0 : i32
    %dma_wait3A_65 = tpu.memref_slice %arg2[%add3A_58, %dma_wait3A_64] : memref<4008x120xi32, #tpu.memory_space<hbm>> -> memref<1x120xi32, #tpu.memory_space<hbm>>
    %dma_wait3A_66 = tpu.memref_squeeze %dma_wait3A_65 : memref<1x120xi32, #tpu.memory_space<hbm>> -> memref<120xi32, #tpu.memory_space<hbm>>
    %dma_wait3A_67 = tpu.memref_slice %arg13[%dma_wait3A_60] : memref<4x!tpu.dma_semaphore, #tpu.memory_space<semaphore_mem>> -> memref<1x!tpu.dma_semaphore, #tpu.memory_space<semaphore_mem>>
    %dma_wait3A_68 = tpu.memref_squeeze %dma_wait3A_67 : memref<1x!tpu.dma_semaphore, #tpu.memory_space<semaphore_mem>> -> memref<!tpu.dma_semaphore, #tpu.memory_space<semaphore_mem>>
    %dma_wait3A_69 = arith.constant 0 : i32
    %dma_wait3A_70 = tpu.memref_slice %arg9[%dma_wait3A_59, %dma_wait3A_69] : memref<4x120xi32, #tpu.memory_space<vmem>> -> memref<1x120xi32, #tpu.memory_space<vmem>>
    %dma_wait3A_71 = tpu.memref_squeeze %dma_wait3A_70 : memref<1x120xi32, #tpu.memory_space<vmem>> -> memref<120xi32, #tpu.memory_space<vmem>>
    %dma_wait3A_72 = arith.constant 0 : i32
    %dma_wait3A_73 = tpu.memref_slice %arg2[%add3A_58, %dma_wait3A_72] : memref<4008x120xi32, #tpu.memory_space<hbm>> -> memref<1x120xi32, #tpu.memory_space<hbm>>
    %dma_wait3A_74 = tpu.memref_squeeze %dma_wait3A_73 : memref<1x120xi32, #tpu.memory_space<hbm>> -> memref<120xi32, #tpu.memory_space<hbm>>
    tpu.wait_dma2 semaphore(%dma_wait3A_68 : memref<!tpu.dma_semaphore, #tpu.memory_space<semaphore_mem>>) src(%dma_wait3A_74 : memref<120xi32, #tpu.memory_space<hbm>>) dst(%dma_wait3A_71 : memref<120xi32, #tpu.memory_space<vmem>>)
    %add3A_75 = arith.constant 2 : i32
    %add3A_76 = arith.addi %mul3A_2, %add3A_75 : i32
    %dma_start3A_77 = arith.constant 2 : i32
    %dma_start3A_78 = arith.constant 2 : i32
    %dma_start3A_79 = arith.constant 0 : i32
    %dma_start3A_80 = tpu.memref_slice %arg9[%dma_start3A_77, %dma_start3A_79] : memref<4x120xi32, #tpu.memory_space<vmem>> -> memref<1x120xi32, #tpu.memory_space<vmem>>
    %dma_start3A_81 = tpu.memref_squeeze %dma_start3A_80 : memref<1x120xi32, #tpu.memory_space<vmem>> -> memref<120xi32, #tpu.memory_space<vmem>>
    %dma_start3A_82 = arith.constant 0 : i32
    %dma_start3A_83 = tpu.memref_slice %arg2[%add3A_76, %dma_start3A_82] : memref<4008x120xi32, #tpu.memory_space<hbm>> -> memref<1x120xi32, #tpu.memory_space<hbm>>
    %dma_start3A_84 = tpu.memref_squeeze %dma_start3A_83 : memref<1x120xi32, #tpu.memory_space<hbm>> -> memref<120xi32, #tpu.memory_space<hbm>>
    %dma_start3A_85 = tpu.memref_slice %arg13[%dma_start3A_78] : memref<4x!tpu.dma_semaphore, #tpu.memory_space<semaphore_mem>> -> memref<1x!tpu.dma_semaphore, #tpu.memory_space<semaphore_mem>>
    %dma_start3A_86 = tpu.memref_squeeze %dma_start3A_85 : memref<1x!tpu.dma_semaphore, #tpu.memory_space<semaphore_mem>> -> memref<!tpu.dma_semaphore, #tpu.memory_space<semaphore_mem>>
    %dma_start3A_87 = arith.constant 0 : i32
    %dma_start3A_88 = tpu.memref_slice %arg9[%dma_start3A_77, %dma_start3A_87] : memref<4x120xi32, #tpu.memory_space<vmem>> -> memref<1x120xi32, #tpu.memory_space<vmem>>
    %dma_start3A_89 = tpu.memref_squeeze %dma_start3A_88 : memref<1x120xi32, #tpu.memory_space<vmem>> -> memref<120xi32, #tpu.memory_space<vmem>>
    %dma_start3A_90 = arith.constant 0 : i32
    %dma_start3A_91 = tpu.memref_slice %arg2[%add3A_76, %dma_start3A_90] : memref<4008x120xi32, #tpu.memory_space<hbm>> -> memref<1x120xi32, #tpu.memory_space<hbm>>
    %dma_start3A_92 = tpu.memref_squeeze %dma_start3A_91 : memref<1x120xi32, #tpu.memory_space<hbm>> -> memref<120xi32, #tpu.memory_space<hbm>>
    tpu.enqueue_dma source(%dma_start3A_92 : memref<120xi32, #tpu.memory_space<hbm>>) target(%dma_start3A_89 : memref<120xi32, #tpu.memory_space<vmem>>) target_semaphore(%dma_start3A_86 : memref<!tpu.dma_semaphore, #tpu.memory_space<semaphore_mem>>)
    %add3A_93 = arith.constant 3 : i32
    %add3A_94 = arith.addi %mul3A_2, %add3A_93 : i32
    %dma_start3A_95 = arith.constant 3 : i32
    %dma_start3A_96 = arith.constant 3 : i32
    %dma_start3A_97 = arith.constant 0 : i32
    %dma_start3A_98 = tpu.memref_slice %arg9[%dma_start3A_95, %dma_start3A_97] : memref<4x120xi32, #tpu.memory_space<vmem>> -> memref<1x120xi32, #tpu.memory_space<vmem>>
    %dma_start3A_99 = tpu.memref_squeeze %dma_start3A_98 : memref<1x120xi32, #tpu.memory_space<vmem>> -> memref<120xi32, #tpu.memory_space<vmem>>
    %dma_start3A_100 = arith.constant 0 : i32
    %dma_start3A_101 = tpu.memref_slice %arg2[%add3A_94, %dma_start3A_100] : memref<4008x120xi32, #tpu.memory_space<hbm>> -> memref<1x120xi32, #tpu.memory_space<hbm>>
    %dma_start3A_102 = tpu.memref_squeeze %dma_start3A_101 : memref<1x120xi32, #tpu.memory_space<hbm>> -> memref<120xi32, #tpu.memory_space<hbm>>
    %dma_start3A_103 = tpu.memref_slice %arg13[%dma_start3A_96] : memref<4x!tpu.dma_semaphore, #tpu.memory_space<semaphore_mem>> -> memref<1x!tpu.dma_semaphore, #tpu.memory_space<semaphore_mem>>
    %dma_start3A_104 = tpu.memref_squeeze %dma_start3A_103 : memref<1x!tpu.dma_semaphore, #tpu.memory_space<semaphore_mem>> -> memref<!tpu.dma_semaphore, #tpu.memory_space<semaphore_mem>>
    %dma_start3A_105 = arith.constant 0 : i32
    %dma_start3A_106 = tpu.memref_slice %arg9[%dma_start3A_95, %dma_start3A_105] : memref<4x120xi32, #tpu.memory_space<vmem>> -> memref<1x120xi32, #tpu.memory_space<vmem>>
    %dma_start3A_107 = tpu.memref_squeeze %dma_start3A_106 : memref<1x120xi32, #tpu.memory_space<vmem>> -> memref<120xi32, #tpu.memory_space<vmem>>
    %dma_start3A_108 = arith.constant 0 : i32
    %dma_start3A_109 = tpu.memref_slice %arg2[%add3A_94, %dma_start3A_108] : memref<4008x120xi32, #tpu.memory_space<hbm>> -> memref<1x120xi32, #tpu.memory_space<hbm>>
    %dma_start3A_110 = tpu.memref_squeeze %dma_start3A_109 : memref<1x120xi32, #tpu.memory_space<hbm>> -> memref<120xi32, #tpu.memory_space<hbm>>
    tpu.enqueue_dma source(%dma_start3A_110 : memref<120xi32, #tpu.memory_space<hbm>>) target(%dma_start3A_107 : memref<120xi32, #tpu.memory_space<vmem>>) target_semaphore(%dma_start3A_104 : memref<!tpu.dma_semaphore, #tpu.memory_space<semaphore_mem>>)
    %dma_start3A_111 = arith.constant 0 : i32
    %dma_start3A_112 = arith.constant 0 : i32
    %dma_start3A_113 = arith.constant 0 : i32
    %dma_start3A_114 = arith.constant 0 : i32
    %dma_start3A_115 = arith.constant 0 : i32
    %dma_start3A_116 = tpu.memref_slice %arg7[%dma_start3A_112, %dma_start3A_114, %dma_start3A_115] : memref<4x40x256xbf16, #tpu.memory_space<vmem>> -> memref<1x40x256xbf16, #tpu.memory_space<vmem>>
    %dma_start3A_117 = tpu.memref_squeeze %dma_start3A_116 : memref<1x40x256xbf16, #tpu.memory_space<vmem>> -> memref<40x256xbf16, #tpu.memory_space<vmem>>
    %dma_start3A_118 = arith.constant 0 : i32
    %dma_start3A_119 = tpu.memref_slice %arg9[%dma_start3A_111, %dma_start3A_118] : memref<4x120xi32, #tpu.memory_space<vmem>> -> memref<1x40xi32, #tpu.memory_space<vmem>>
    %dma_start3A_120 = tpu.memref_squeeze %dma_start3A_119 : memref<1x40xi32, #tpu.memory_space<vmem>> -> memref<40xi32, #tpu.memory_space<vmem>>
    %dma_start3A_121 = arith.constant 0 : i32
    %dma_start3A_122 = arith.constant 0 : i32
    %dma_start3A_123 = tpu.memref_slice %arg3[%dma_start3A_121, %dma_start3A_122] : memref<10000x256xbf16, #tpu.memory_space<hbm>> -> memref<10000x256xbf16, #tpu.memory_space<hbm>>
    %dma_start3A_124 = tpu.memref_slice %arg11[%dma_start3A_113] : memref<4x!tpu.dma_semaphore, #tpu.memory_space<semaphore_mem>> -> memref<1x!tpu.dma_semaphore, #tpu.memory_space<semaphore_mem>>
    %dma_start3A_125 = tpu.memref_squeeze %dma_start3A_124 : memref<1x!tpu.dma_semaphore, #tpu.memory_space<semaphore_mem>> -> memref<!tpu.dma_semaphore, #tpu.memory_space<semaphore_mem>>
    tpu.enqueue_indirect_dma source(%dma_start3A_123 : memref<10000x256xbf16, #tpu.memory_space<hbm>>) target(%dma_start3A_117 : memref<40x256xbf16, #tpu.memory_space<vmem>>) offsets(%dma_start3A_120 : memref<40xi32, #tpu.memory_space<vmem>>) semaphore(%dma_start3A_125 : memref<!tpu.dma_semaphore, #tpu.memory_space<semaphore_mem>>)
    %dma_start3A_126 = arith.constant 0 : i32
    %dma_start3A_127 = arith.constant 0 : i32
    %dma_start3A_128 = arith.constant 0 : i32
    %dma_start3A_129 = arith.constant 0 : i32
    %dma_start3A_130 = arith.constant 0 : i32
    %dma_start3A_131 = tpu.memref_slice %arg8[%dma_start3A_127, %dma_start3A_129, %dma_start3A_130] : memref<4x40x256xbf16, #tpu.memory_space<vmem>> -> memref<1x40x256xbf16, #tpu.memory_space<vmem>>
    %dma_start3A_132 = tpu.memref_squeeze %dma_start3A_131 : memref<1x40x256xbf16, #tpu.memory_space<vmem>> -> memref<40x256xbf16, #tpu.memory_space<vmem>>
    %dma_start3A_133 = arith.constant 80 : i32
    %dma_start3A_134 = tpu.memref_slice %arg9[%dma_start3A_126, %dma_start3A_133] : memref<4x120xi32, #tpu.memory_space<vmem>> -> memref<1x40xi32, #tpu.memory_space<vmem>>
    %dma_start3A_135 = tpu.memref_squeeze %dma_start3A_134 : memref<1x40xi32, #tpu.memory_space<vmem>> -> memref<40xi32, #tpu.memory_space<vmem>>
    %dma_start3A_136 = arith.constant 0 : i32
    %dma_start3A_137 = arith.constant 0 : i32
    %dma_start3A_138 = tpu.memref_slice %arg3[%dma_start3A_136, %dma_start3A_137] : memref<10000x256xbf16, #tpu.memory_space<hbm>> -> memref<10000x256xbf16, #tpu.memory_space<hbm>>
    %dma_start3A_139 = tpu.memref_slice %arg12[%dma_start3A_128] : memref<4x!tpu.dma_semaphore, #tpu.memory_space<semaphore_mem>> -> memref<1x!tpu.dma_semaphore, #tpu.memory_space<semaphore_mem>>
    %dma_start3A_140 = tpu.memref_squeeze %dma_start3A_139 : memref<1x!tpu.dma_semaphore, #tpu.memory_space<semaphore_mem>> -> memref<!tpu.dma_semaphore, #tpu.memory_space<semaphore_mem>>
    tpu.enqueue_indirect_dma source(%dma_start3A_138 : memref<10000x256xbf16, #tpu.memory_space<hbm>>) target(%dma_start3A_132 : memref<40x256xbf16, #tpu.memory_space<vmem>>) offsets(%dma_start3A_135 : memref<40xi32, #tpu.memory_space<vmem>>) semaphore(%dma_start3A_140 : memref<!tpu.dma_semaphore, #tpu.memory_space<semaphore_mem>>)
    %dma_start3A_141 = arith.constant 1 : i32
    %dma_start3A_142 = arith.constant 1 : i32
    %dma_start3A_143 = arith.constant 1 : i32
    %dma_start3A_144 = arith.constant 0 : i32
    %dma_start3A_145 = arith.constant 0 : i32
    %dma_start3A_146 = tpu.memref_slice %arg7[%dma_start3A_142, %dma_start3A_144, %dma_start3A_145] : memref<4x40x256xbf16, #tpu.memory_space<vmem>> -> memref<1x40x256xbf16, #tpu.memory_space<vmem>>
    %dma_start3A_147 = tpu.memref_squeeze %dma_start3A_146 : memref<1x40x256xbf16, #tpu.memory_space<vmem>> -> memref<40x256xbf16, #tpu.memory_space<vmem>>
    %dma_start3A_148 = arith.constant 0 : i32
    %dma_start3A_149 = tpu.memref_slice %arg9[%dma_start3A_141, %dma_start3A_148] : memref<4x120xi32, #tpu.memory_space<vmem>> -> memref<1x40xi32, #tpu.memory_space<vmem>>
    %dma_start3A_150 = tpu.memref_squeeze %dma_start3A_149 : memref<1x40xi32, #tpu.memory_space<vmem>> -> memref<40xi32, #tpu.memory_space<vmem>>
    %dma_start3A_151 = arith.constant 0 : i32
    %dma_start3A_152 = arith.constant 0 : i32
    %dma_start3A_153 = tpu.memref_slice %arg3[%dma_start3A_151, %dma_start3A_152] : memref<10000x256xbf16, #tpu.memory_space<hbm>> -> memref<10000x256xbf16, #tpu.memory_space<hbm>>
    %dma_start3A_154 = tpu.memref_slice %arg11[%dma_start3A_143] : memref<4x!tpu.dma_semaphore, #tpu.memory_space<semaphore_mem>> -> memref<1x!tpu.dma_semaphore, #tpu.memory_space<semaphore_mem>>
    %dma_start3A_155 = tpu.memref_squeeze %dma_start3A_154 : memref<1x!tpu.dma_semaphore, #tpu.memory_space<semaphore_mem>> -> memref<!tpu.dma_semaphore, #tpu.memory_space<semaphore_mem>>
    tpu.enqueue_indirect_dma source(%dma_start3A_153 : memref<10000x256xbf16, #tpu.memory_space<hbm>>) target(%dma_start3A_147 : memref<40x256xbf16, #tpu.memory_space<vmem>>) offsets(%dma_start3A_150 : memref<40xi32, #tpu.memory_space<vmem>>) semaphore(%dma_start3A_155 : memref<!tpu.dma_semaphore, #tpu.memory_space<semaphore_mem>>)
    %dma_start3A_156 = arith.constant 1 : i32
    %dma_start3A_157 = arith.constant 1 : i32
    %dma_start3A_158 = arith.constant 1 : i32
    %dma_start3A_159 = arith.constant 0 : i32
    %dma_start3A_160 = arith.constant 0 : i32
    %dma_start3A_161 = tpu.memref_slice %arg8[%dma_start3A_157, %dma_start3A_159, %dma_start3A_160] : memref<4x40x256xbf16, #tpu.memory_space<vmem>> -> memref<1x40x256xbf16, #tpu.memory_space<vmem>>
    %dma_start3A_162 = tpu.memref_squeeze %dma_start3A_161 : memref<1x40x256xbf16, #tpu.memory_space<vmem>> -> memref<40x256xbf16, #tpu.memory_space<vmem>>
    %dma_start3A_163 = arith.constant 80 : i32
    %dma_start3A_164 = tpu.memref_slice %arg9[%dma_start3A_156, %dma_start3A_163] : memref<4x120xi32, #tpu.memory_space<vmem>> -> memref<1x40xi32, #tpu.memory_space<vmem>>
    %dma_start3A_165 = tpu.memref_squeeze %dma_start3A_164 : memref<1x40xi32, #tpu.memory_space<vmem>> -> memref<40xi32, #tpu.memory_space<vmem>>
    %dma_start3A_166 = arith.constant 0 : i32
    %dma_start3A_167 = arith.constant 0 : i32
    %dma_start3A_168 = tpu.memref_slice %arg3[%dma_start3A_166, %dma_start3A_167] : memref<10000x256xbf16, #tpu.memory_space<hbm>> -> memref<10000x256xbf16, #tpu.memory_space<hbm>>
    %dma_start3A_169 = tpu.memref_slice %arg12[%dma_start3A_158] : memref<4x!tpu.dma_semaphore, #tpu.memory_space<semaphore_mem>> -> memref<1x!tpu.dma_semaphore, #tpu.memory_space<semaphore_mem>>
    %dma_start3A_170 = tpu.memref_squeeze %dma_start3A_169 : memref<1x!tpu.dma_semaphore, #tpu.memory_space<semaphore_mem>> -> memref<!tpu.dma_semaphore, #tpu.memory_space<semaphore_mem>>
    tpu.enqueue_indirect_dma source(%dma_start3A_168 : memref<10000x256xbf16, #tpu.memory_space<hbm>>) target(%dma_start3A_162 : memref<40x256xbf16, #tpu.memory_space<vmem>>) offsets(%dma_start3A_165 : memref<40xi32, #tpu.memory_space<vmem>>) semaphore(%dma_start3A_170 : memref<!tpu.dma_semaphore, #tpu.memory_space<semaphore_mem>>)
    %scan3A = arith.constant 0 : i32
    %scan3A_171 = arith.constant 0 : i32
    %scan3A_172 = arith.constant 124 : i32
    %scan3A_173 = arith.addi %scan3A_171, %scan3A_172 : i32
    %scan3A_174 = arith.constant 1 : i32
    scf.for %scan3A_244 = %scan3A_171 to %scan3A_173 step %scan3A_174  : i32 {
      %rem3A = arith.constant 4 : i32
      %rem3A_245 = arith.remsi %scan3A_244, %rem3A : i32
      %add3A_246 = arith.constant 2 : i32
      %add3A_247 = arith.addi %scan3A_244, %add3A_246 : i32
      %rem3A_248 = arith.constant 4 : i32
      %rem3A_249 = arith.remsi %add3A_247, %rem3A_248 : i32
      %add3A_250 = arith.constant 2 : i32
      %add3A_251 = arith.addi %scan3A_244, %add3A_250 : i32
      %add3A_252 = arith.addi %mul3A_2, %add3A_251 : i32
      %dma_wait3A_253 = arith.constant 0 : i32
      %dma_wait3A_254 = tpu.memref_slice %arg9[%rem3A_249, %dma_wait3A_253] : memref<4x120xi32, #tpu.memory_space<vmem>> -> memref<1x120xi32, #tpu.memory_space<vmem>>
      %dma_wait3A_255 = tpu.memref_squeeze %dma_wait3A_254 : memref<1x120xi32, #tpu.memory_space<vmem>> -> memref<120xi32, #tpu.memory_space<vmem>>
      %dma_wait3A_256 = arith.constant 0 : i32
      %dma_wait3A_257 = tpu.memref_slice %arg2[%add3A_252, %dma_wait3A_256] : memref<4008x120xi32, #tpu.memory_space<hbm>> -> memref<1x120xi32, #tpu.memory_space<hbm>>
      %dma_wait3A_258 = tpu.memref_squeeze %dma_wait3A_257 : memref<1x120xi32, #tpu.memory_space<hbm>> -> memref<120xi32, #tpu.memory_space<hbm>>
      %dma_wait3A_259 = tpu.memref_slice %arg13[%rem3A_249] : memref<4x!tpu.dma_semaphore, #tpu.memory_space<semaphore_mem>> -> memref<1x!tpu.dma_semaphore, #tpu.memory_space<semaphore_mem>>
      %dma_wait3A_260 = tpu.memref_squeeze %dma_wait3A_259 : memref<1x!tpu.dma_semaphore, #tpu.memory_space<semaphore_mem>> -> memref<!tpu.dma_semaphore, #tpu.memory_space<semaphore_mem>>
      %dma_wait3A_261 = arith.constant 0 : i32
      %dma_wait3A_262 = tpu.memref_slice %arg9[%rem3A_249, %dma_wait3A_261] : memref<4x120xi32, #tpu.memory_space<vmem>> -> memref<1x120xi32, #tpu.memory_space<vmem>>
      %dma_wait3A_263 = tpu.memref_squeeze %dma_wait3A_262 : memref<1x120xi32, #tpu.memory_space<vmem>> -> memref<120xi32, #tpu.memory_space<vmem>>
      %dma_wait3A_264 = arith.constant 0 : i32
      %dma_wait3A_265 = tpu.memref_slice %arg2[%add3A_252, %dma_wait3A_264] : memref<4008x120xi32, #tpu.memory_space<hbm>> -> memref<1x120xi32, #tpu.memory_space<hbm>>
      %dma_wait3A_266 = tpu.memref_squeeze %dma_wait3A_265 : memref<1x120xi32, #tpu.memory_space<hbm>> -> memref<120xi32, #tpu.memory_space<hbm>>
      tpu.wait_dma2 semaphore(%dma_wait3A_260 : memref<!tpu.dma_semaphore, #tpu.memory_space<semaphore_mem>>) src(%dma_wait3A_266 : memref<120xi32, #tpu.memory_space<hbm>>) dst(%dma_wait3A_263 : memref<120xi32, #tpu.memory_space<vmem>>)
      %dma_start3A_267 = arith.constant 0 : i32
      %dma_start3A_268 = arith.constant 0 : i32
      %dma_start3A_269 = tpu.memref_slice %arg7[%rem3A_249, %dma_start3A_267, %dma_start3A_268] : memref<4x40x256xbf16, #tpu.memory_space<vmem>> -> memref<1x40x256xbf16, #tpu.memory_space<vmem>>
      %dma_start3A_270 = tpu.memref_squeeze %dma_start3A_269 : memref<1x40x256xbf16, #tpu.memory_space<vmem>> -> memref<40x256xbf16, #tpu.memory_space<vmem>>
      %dma_start3A_271 = arith.constant 0 : i32
      %dma_start3A_272 = tpu.memref_slice %arg9[%rem3A_249, %dma_start3A_271] : memref<4x120xi32, #tpu.memory_space<vmem>> -> memref<1x40xi32, #tpu.memory_space<vmem>>
      %dma_start3A_273 = tpu.memref_squeeze %dma_start3A_272 : memref<1x40xi32, #tpu.memory_space<vmem>> -> memref<40xi32, #tpu.memory_space<vmem>>
      %dma_start3A_274 = arith.constant 0 : i32
      %dma_start3A_275 = arith.constant 0 : i32
      %dma_start3A_276 = tpu.memref_slice %arg3[%dma_start3A_274, %dma_start3A_275] : memref<10000x256xbf16, #tpu.memory_space<hbm>> -> memref<10000x256xbf16, #tpu.memory_space<hbm>>
      %dma_start3A_277 = tpu.memref_slice %arg11[%rem3A_249] : memref<4x!tpu.dma_semaphore, #tpu.memory_space<semaphore_mem>> -> memref<1x!tpu.dma_semaphore, #tpu.memory_space<semaphore_mem>>
      %dma_start3A_278 = tpu.memref_squeeze %dma_start3A_277 : memref<1x!tpu.dma_semaphore, #tpu.memory_space<semaphore_mem>> -> memref<!tpu.dma_semaphore, #tpu.memory_space<semaphore_mem>>
      tpu.enqueue_indirect_dma source(%dma_start3A_276 : memref<10000x256xbf16, #tpu.memory_space<hbm>>) target(%dma_start3A_270 : memref<40x256xbf16, #tpu.memory_space<vmem>>) offsets(%dma_start3A_273 : memref<40xi32, #tpu.memory_space<vmem>>) semaphore(%dma_start3A_278 : memref<!tpu.dma_semaphore, #tpu.memory_space<semaphore_mem>>)
      %dma_start3A_279 = arith.constant 0 : i32
      %dma_start3A_280 = arith.constant 0 : i32
      %dma_start3A_281 = tpu.memref_slice %arg8[%rem3A_249, %dma_start3A_279, %dma_start3A_280] : memref<4x40x256xbf16, #tpu.memory_space<vmem>> -> memref<1x40x256xbf16, #tpu.memory_space<vmem>>
      %dma_start3A_282 = tpu.memref_squeeze %dma_start3A_281 : memref<1x40x256xbf16, #tpu.memory_space<vmem>> -> memref<40x256xbf16, #tpu.memory_space<vmem>>
      %dma_start3A_283 = arith.constant 80 : i32
      %dma_start3A_284 = tpu.memref_slice %arg9[%rem3A_249, %dma_start3A_283] : memref<4x120xi32, #tpu.memory_space<vmem>> -> memref<1x40xi32, #tpu.memory_space<vmem>>
      %dma_start3A_285 = tpu.memref_squeeze %dma_start3A_284 : memref<1x40xi32, #tpu.memory_space<vmem>> -> memref<40xi32, #tpu.memory_space<vmem>>
      %dma_start3A_286 = arith.constant 0 : i32
      %dma_start3A_287 = arith.constant 0 : i32
      %dma_start3A_288 = tpu.memref_slice %arg3[%dma_start3A_286, %dma_start3A_287] : memref<10000x256xbf16, #tpu.memory_space<hbm>> -> memref<10000x256xbf16, #tpu.memory_space<hbm>>
      %dma_start3A_289 = tpu.memref_slice %arg12[%rem3A_249] : memref<4x!tpu.dma_semaphore, #tpu.memory_space<semaphore_mem>> -> memref<1x!tpu.dma_semaphore, #tpu.memory_space<semaphore_mem>>
      %dma_start3A_290 = tpu.memref_squeeze %dma_start3A_289 : memref<1x!tpu.dma_semaphore, #tpu.memory_space<semaphore_mem>> -> memref<!tpu.dma_semaphore, #tpu.memory_space<semaphore_mem>>
      tpu.enqueue_indirect_dma source(%dma_start3A_288 : memref<10000x256xbf16, #tpu.memory_space<hbm>>) target(%dma_start3A_282 : memref<40x256xbf16, #tpu.memory_space<vmem>>) offsets(%dma_start3A_285 : memref<40xi32, #tpu.memory_space<vmem>>) semaphore(%dma_start3A_290 : memref<!tpu.dma_semaphore, #tpu.memory_space<semaphore_mem>>)
      %dma_wait3A_291 = arith.constant 0 : i32
      %dma_wait3A_292 = arith.constant 0 : i32
      %dma_wait3A_293 = tpu.memref_slice %arg7[%rem3A_245, %dma_wait3A_291, %dma_wait3A_292] : memref<4x40x256xbf16, #tpu.memory_space<vmem>> -> memref<1x40x256xbf16, #tpu.memory_space<vmem>>
      %dma_wait3A_294 = tpu.memref_squeeze %dma_wait3A_293 : memref<1x40x256xbf16, #tpu.memory_space<vmem>> -> memref<40x256xbf16, #tpu.memory_space<vmem>>
      %dma_wait3A_295 = arith.constant 0 : i32
      %dma_wait3A_296 = tpu.memref_slice %arg9[%rem3A_245, %dma_wait3A_295] : memref<4x120xi32, #tpu.memory_space<vmem>> -> memref<1x40xi32, #tpu.memory_space<vmem>>
      %dma_wait3A_297 = tpu.memref_squeeze %dma_wait3A_296 : memref<1x40xi32, #tpu.memory_space<vmem>> -> memref<40xi32, #tpu.memory_space<vmem>>
      %dma_wait3A_298 = arith.constant 0 : i32
      %dma_wait3A_299 = arith.constant 0 : i32
      %dma_wait3A_300 = tpu.memref_slice %arg3[%dma_wait3A_298, %dma_wait3A_299] : memref<10000x256xbf16, #tpu.memory_space<hbm>> -> memref<10000x256xbf16, #tpu.memory_space<hbm>>
      %dma_wait3A_301 = tpu.memref_slice %arg11[%rem3A_245] : memref<4x!tpu.dma_semaphore, #tpu.memory_space<semaphore_mem>> -> memref<1x!tpu.dma_semaphore, #tpu.memory_space<semaphore_mem>>
      %dma_wait3A_302 = tpu.memref_squeeze %dma_wait3A_301 : memref<1x!tpu.dma_semaphore, #tpu.memory_space<semaphore_mem>> -> memref<!tpu.dma_semaphore, #tpu.memory_space<semaphore_mem>>
      tpu.wait_indirect_dma semaphore(%dma_wait3A_302 : memref<!tpu.dma_semaphore, #tpu.memory_space<semaphore_mem>>) src(%dma_wait3A_300 : memref<10000x256xbf16, #tpu.memory_space<hbm>>) dst(%dma_wait3A_294 : memref<40x256xbf16, #tpu.memory_space<vmem>>)
      %dma_wait3A_303 = arith.constant 0 : i32
      %dma_wait3A_304 = arith.constant 0 : i32
      %dma_wait3A_305 = tpu.memref_slice %arg8[%rem3A_245, %dma_wait3A_303, %dma_wait3A_304] : memref<4x40x256xbf16, #tpu.memory_space<vmem>> -> memref<1x40x256xbf16, #tpu.memory_space<vmem>>
      %dma_wait3A_306 = tpu.memref_squeeze %dma_wait3A_305 : memref<1x40x256xbf16, #tpu.memory_space<vmem>> -> memref<40x256xbf16, #tpu.memory_space<vmem>>
      %dma_wait3A_307 = arith.constant 80 : i32
      %dma_wait3A_308 = tpu.memref_slice %arg9[%rem3A_245, %dma_wait3A_307] : memref<4x120xi32, #tpu.memory_space<vmem>> -> memref<1x40xi32, #tpu.memory_space<vmem>>
      %dma_wait3A_309 = tpu.memref_squeeze %dma_wait3A_308 : memref<1x40xi32, #tpu.memory_space<vmem>> -> memref<40xi32, #tpu.memory_space<vmem>>
      %dma_wait3A_310 = arith.constant 0 : i32
      %dma_wait3A_311 = arith.constant 0 : i32
      %dma_wait3A_312 = tpu.memref_slice %arg3[%dma_wait3A_310, %dma_wait3A_311] : memref<10000x256xbf16, #tpu.memory_space<hbm>> -> memref<10000x256xbf16, #tpu.memory_space<hbm>>
      %dma_wait3A_313 = tpu.memref_slice %arg12[%rem3A_245] : memref<4x!tpu.dma_semaphore, #tpu.memory_space<semaphore_mem>> -> memref<1x!tpu.dma_semaphore, #tpu.memory_space<semaphore_mem>>
      %dma_wait3A_314 = tpu.memref_squeeze %dma_wait3A_313 : memref<1x!tpu.dma_semaphore, #tpu.memory_space<semaphore_mem>> -> memref<!tpu.dma_semaphore, #tpu.memory_space<semaphore_mem>>
      tpu.wait_indirect_dma semaphore(%dma_wait3A_314 : memref<!tpu.dma_semaphore, #tpu.memory_space<semaphore_mem>>) src(%dma_wait3A_312 : memref<10000x256xbf16, #tpu.memory_space<hbm>>) dst(%dma_wait3A_306 : memref<40x256xbf16, #tpu.memory_space<vmem>>)
      %mul3A_315 = arith.constant 40 : i32
      %mul3A_316 = arith.muli %scan3A_244, %mul3A_315 : i32
      %scan3A_317 = arith.constant 0 : i32
      %scan3A_318 = arith.constant 0 : i32
      %scan3A_319 = arith.constant 3 : i32
      %scan3A_320 = arith.addi %scan3A_318, %scan3A_319 : i32
      %scan3A_321 = arith.constant 1 : i32
      scf.for %scan3A_340 = %scan3A_318 to %scan3A_320 step %scan3A_321  : i32 {
        %lt3A = arith.constant 2 : i32
        %lt3A_341 = arith.cmpi slt, %scan3A_340, %lt3A : i32
        %select_n3A = arith.constant 4 : i32
        %select_n3A_342 = arith.constant 8 : i32
        %select_n3A_343 = arith.select %lt3A_341, %select_n3A_342, %select_n3A : i32
        %mul3A_344 = arith.constant 16 : i32
        %mul3A_345 = arith.muli %mul3A_344, %scan3A_340 : i32
        %add3A_346 = arith.constant 40 : i32
        %add3A_347 = arith.addi %add3A_346, %mul3A_345 : i32
        %get3A = arith.index_cast %rem3A_245 : i32 to index
        %get3A_348 = arith.index_cast %add3A_347 : i32 to index
        %get3A_349 = tpu.vector_load %arg9[%get3A, %get3A_348] {strides = array<i32>} : memref<4x120xi32, #tpu.memory_space<vmem>>, vector<16xi32>,
        %rem3A_350 = arith.constant 200 : i32
        %rem3A_351 = vector.broadcast %rem3A_350 : i32 to vector<16xi32>
        %rem3A_352 = arith.remsi %get3A_349, %rem3A_351 : vector<16xi32>
        %mul3A_353 = arith.constant 128 : i32
        %mul3A_354 = vector.broadcast %mul3A_353 : i32 to vector<16xi32>
        %mul3A_355 = arith.muli %rem3A_352, %mul3A_354 : vector<16xi32>
        %while3A = arith.constant 0 : i32
        %while3A_356 = arith.constant 0 : i32
        %while3A_357 = arith.subi %select_n3A_343, %while3A_356 : i32
        %while3A_358 = arith.addi %while3A_356, %while3A_357 : i32
        %while3A_359 = arith.constant 1 : i32
        %while3A_360 = arith.divsi %while3A_357, %while3A_359 : i32
        %while3A_361 = arith.muli %while3A_360, %while3A_359 : i32
        %while3A_362 = arith.addi %while3A_356, %while3A_361 : i32
        %while3A_363 = arith.constant 1 : i32
        scf.for %while3A_365 = %while3A_356 to %while3A_362 step %while3A_363  : i32 {
          %add3A_366 = arith.addi %while3A_365, %select_n3A_343 : i32
          %mul3A_367 = arith.constant 16 : i32
          %mul3A_368 = arith.muli %scan3A_340, %mul3A_367 : i32
          %add3A_369 = arith.addi %mul3A_368, %while3A_365 : i32
          %broadcast_in_dim3A = arith.constant 0 : i32
          %broadcast_in_dim3A_370 = vector.broadcast %broadcast_in_dim3A : i32 to vector<16xi32>
          %add3A_371 = vector.broadcast %while3A_365 : i32 to vector<16xi32>
          %add3A_372 = arith.addi %broadcast_in_dim3A_370, %add3A_371 : vector<16xi32>
          %broadcast_in_dim3A_373 = vector.shape_cast %add3A_372 : vector<16xi32> to vector<16x1xi32>
          %gather3A = vector.shape_cast %broadcast_in_dim3A_373 : vector<16x1xi32> to vector<16xi32>
          %gather3A_374 = tpu.dynamic_gather %mul3A_355[%gather3A] in [0] : vector<16xi32>, vector<16xi32> -> vector<16xi32>
          %get3A_375 = arith.index_cast %rem3A_245 : i32 to index
          %get3A_376 = arith.index_cast %add3A_369 : i32 to index
          %get3A_377 = arith.constant 0 : index
          %get3A_378 = tpu.vector_load %arg7[%get3A_375, %get3A_376, %get3A_377] {strides = array<i32>} : memref<4x40x256xbf16, #tpu.memory_space<vmem>>, vector<32xbf16>,
          %get3A_379 = arith.index_cast %rem3A_245 : i32 to index
          %get3A_380 = arith.index_cast %add3A_369 : i32 to index
          %get3A_381 = arith.constant 0 : index
          %get3A_382 = tpu.vector_load %arg8[%get3A_379, %get3A_380, %get3A_381] {strides = array<i32>} : memref<4x40x256xbf16, #tpu.memory_space<vmem>>, vector<32xbf16>,
          %mul3A_383 = arith.mulf %get3A_378, %get3A_382 : vector<32xbf16>
          %unpack3A = tpu.unpack_subelements %mul3A_383, 0 {pack_format = #tpu.pack_format<interleaved>} : vector<32xbf16> -> vector<16xf32>
          %unpack3A_384 = tpu.unpack_subelements %mul3A_383, 1 {pack_format = #tpu.pack_format<interleaved>} : vector<32xbf16> -> vector<16xf32>
          %add3A_385 = arith.constant 0 : i32
          %add3A_386 = vector.broadcast %add3A_385 : i32 to vector<16xi32>
          %add3A_387 = arith.addi %iota3A, %add3A_386 : vector<16xi32>
          %add3A_388 = arith.addi %gather3A_374, %add3A_387 : vector<16xi32>
          %gather3A_389 = tpu.vector_load_idx %arg6[%add3A_388] : memref<25600xi32, #tpu.memory_space<vmem>>[vector<16xi32>], vector<16xi32>,
          %bitcast3A = vector.bitcast %gather3A_389 : vector<16xi32> to vector<32xbf16>
          %unpack3A_390 = tpu.unpack_subelements %bitcast3A, 0 {pack_format = #tpu.pack_format<interleaved>} : vector<32xbf16> -> vector<16xf32>
          %unpack3A_391 = tpu.unpack_subelements %bitcast3A, 1 {pack_format = #tpu.pack_format<interleaved>} : vector<32xbf16> -> vector<16xf32>
          %mul3A_392 = arith.mulf %unpack3A, %unpack3A_390 : vector<16xf32>
          %mul3A_393 = arith.mulf %unpack3A_384, %unpack3A_391 : vector<16xf32>
          %add3A_394 = arith.addf %mul3A_392, %mul3A_393 : vector<16xf32>
          %get3A_395 = arith.index_cast %rem3A_245 : i32 to index
          %get3A_396 = arith.index_cast %add3A_369 : i32 to index
          %get3A_397 = arith.constant 32 : index
          %get3A_398 = tpu.vector_load %arg7[%get3A_395, %get3A_396, %get3A_397] {strides = array<i32>} : memref<4x40x256xbf16, #tpu.memory_space<vmem>>, vector<32xbf16>,
          %get3A_399 = arith.index_cast %rem3A_245 : i32 to index
          %get3A_400 = arith.index_cast %add3A_369 : i32 to index
          %get3A_401 = arith.constant 32 : index
          %get3A_402 = tpu.vector_load %arg8[%get3A_399, %get3A_400, %get3A_401] {strides = array<i32>} : memref<4x40x256xbf16, #tpu.memory_space<vmem>>, vector<32xbf16>,
          %mul3A_403 = arith.mulf %get3A_398, %get3A_402 : vector<32xbf16>
          %unpack3A_404 = tpu.unpack_subelements %mul3A_403, 0 {pack_format = #tpu.pack_format<interleaved>} : vector<32xbf16> -> vector<16xf32>
          %unpack3A_405 = tpu.unpack_subelements %mul3A_403, 1 {pack_format = #tpu.pack_format<interleaved>} : vector<32xbf16> -> vector<16xf32>
          %add3A_406 = arith.constant 16 : i32
          %add3A_407 = vector.broadcast %add3A_406 : i32 to vector<16xi32>
          %add3A_408 = arith.addi %iota3A, %add3A_407 : vector<16xi32>
          %add3A_409 = arith.addi %gather3A_374, %add3A_408 : vector<16xi32>
          %gather3A_410 = tpu.vector_load_idx %arg6[%add3A_409] : memref<25600xi32, #tpu.memory_space<vmem>>[vector<16xi32>], vector<16xi32>,
          %bitcast3A_411 = vector.bitcast %gather3A_410 : vector<16xi32> to vector<32xbf16>
          %unpack3A_412 = tpu.unpack_subelements %bitcast3A_411, 0 {pack_format = #tpu.pack_format<interleaved>} : vector<32xbf16> -> vector<16xf32>
          %unpack3A_413 = tpu.unpack_subelements %bitcast3A_411, 1 {pack_format = #tpu.pack_format<interleaved>} : vector<32xbf16> -> vector<16xf32>
          %mul3A_414 = arith.mulf %unpack3A_404, %unpack3A_412 : vector<16xf32>
          %mul3A_415 = arith.mulf %unpack3A_405, %unpack3A_413 : vector<16xf32>
          %add3A_416 = arith.addf %mul3A_414, %mul3A_415 : vector<16xf32>
          %add3A_417 = arith.addf %add3A_394, %add3A_416 : vector<16xf32>
          %get3A_418 = arith.index_cast %rem3A_245 : i32 to index
          %get3A_419 = arith.index_cast %add3A_369 : i32 to index
          %get3A_420 = arith.constant 64 : index
          %get3A_421 = tpu.vector_load %arg7[%get3A_418, %get3A_419, %get3A_420] {strides = array<i32>} : memref<4x40x256xbf16, #tpu.memory_space<vmem>>, vector<32xbf16>,
          %get3A_422 = arith.index_cast %rem3A_245 : i32 to index
          %get3A_423 = arith.index_cast %add3A_369 : i32 to index
          %get3A_424 = arith.constant 64 : index
          %get3A_425 = tpu.vector_load %arg8[%get3A_422, %get3A_423, %get3A_424] {strides = array<i32>} : memref<4x40x256xbf16, #tpu.memory_space<vmem>>, vector<32xbf16>,
          %mul3A_426 = arith.mulf %get3A_421, %get3A_425 : vector<32xbf16>
          %unpack3A_427 = tpu.unpack_subelements %mul3A_426, 0 {pack_format = #tpu.pack_format<interleaved>} : vector<32xbf16> -> vector<16xf32>
          %unpack3A_428 = tpu.unpack_subelements %mul3A_426, 1 {pack_format = #tpu.pack_format<interleaved>} : vector<32xbf16> -> vector<16xf32>
          %add3A_429 = arith.constant 32 : i32
          %add3A_430 = vector.broadcast %add3A_429 : i32 to vector<16xi32>
          %add3A_431 = arith.addi %iota3A, %add3A_430 : vector<16xi32>
          %add3A_432 = arith.addi %gather3A_374, %add3A_431 : vector<16xi32>
          %gather3A_433 = tpu.vector_load_idx %arg6[%add3A_432] : memref<25600xi32, #tpu.memory_space<vmem>>[vector<16xi32>], vector<16xi32>,
          %bitcast3A_434 = vector.bitcast %gather3A_433 : vector<16xi32> to vector<32xbf16>
          %unpack3A_435 = tpu.unpack_subelements %bitcast3A_434, 0 {pack_format = #tpu.pack_format<interleaved>} : vector<32xbf16> -> vector<16xf32>
          %unpack3A_436 = tpu.unpack_subelements %bitcast3A_434, 1 {pack_format = #tpu.pack_format<interleaved>} : vector<32xbf16> -> vector<16xf32>
          %mul3A_437 = arith.mulf %unpack3A_427, %unpack3A_435 : vector<16xf32>
          %mul3A_438 = arith.mulf %unpack3A_428, %unpack3A_436 : vector<16xf32>
          %add3A_439 = arith.addf %mul3A_437, %mul3A_438 : vector<16xf32>
          %add3A_440 = arith.addf %add3A_417, %add3A_439 : vector<16xf32>
          %get3A_441 = arith.index_cast %rem3A_245 : i32 to index
          %get3A_442 = arith.index_cast %add3A_369 : i32 to index
          %get3A_443 = arith.constant 96 : index
          %get3A_444 = tpu.vector_load %arg7[%get3A_441, %get3A_442, %get3A_443] {strides = array<i32>} : memref<4x40x256xbf16, #tpu.memory_space<vmem>>, vector<32xbf16>,
          %get3A_445 = arith.index_cast %rem3A_245 : i32 to index
          %get3A_446 = arith.index_cast %add3A_369 : i32 to index
          %get3A_447 = arith.constant 96 : index
          %get3A_448 = tpu.vector_load %arg8[%get3A_445, %get3A_446, %get3A_447] {strides = array<i32>} : memref<4x40x256xbf16, #tpu.memory_space<vmem>>, vector<32xbf16>,
          %mul3A_449 = arith.mulf %get3A_444, %get3A_448 : vector<32xbf16>
          %unpack3A_450 = tpu.unpack_subelements %mul3A_449, 0 {pack_format = #tpu.pack_format<interleaved>} : vector<32xbf16> -> vector<16xf32>
          %unpack3A_451 = tpu.unpack_subelements %mul3A_449, 1 {pack_format = #tpu.pack_format<interleaved>} : vector<32xbf16> -> vector<16xf32>
          %add3A_452 = arith.constant 48 : i32
          %add3A_453 = vector.broadcast %add3A_452 : i32 to vector<16xi32>
          %add3A_454 = arith.addi %iota3A, %add3A_453 : vector<16xi32>
          %add3A_455 = arith.addi %gather3A_374, %add3A_454 : vector<16xi32>
          %gather3A_456 = tpu.vector_load_idx %arg6[%add3A_455] : memref<25600xi32, #tpu.memory_space<vmem>>[vector<16xi32>], vector<16xi32>,
          %bitcast3A_457 = vector.bitcast %gather3A_456 : vector<16xi32> to vector<32xbf16>
          %unpack3A_458 = tpu.unpack_subelements %bitcast3A_457, 0 {pack_format = #tpu.pack_format<interleaved>} : vector<32xbf16> -> vector<16xf32>
          %unpack3A_459 = tpu.unpack_subelements %bitcast3A_457, 1 {pack_format = #tpu.pack_format<interleaved>} : vector<32xbf16> -> vector<16xf32>
          %mul3A_460 = arith.mulf %unpack3A_450, %unpack3A_458 : vector<16xf32>
          %mul3A_461 = arith.mulf %unpack3A_451, %unpack3A_459 : vector<16xf32>
          %add3A_462 = arith.addf %mul3A_460, %mul3A_461 : vector<16xf32>
          %add3A_463 = arith.addf %add3A_440, %add3A_462 : vector<16xf32>
          %get3A_464 = arith.index_cast %rem3A_245 : i32 to index
          %get3A_465 = arith.index_cast %add3A_369 : i32 to index
          %get3A_466 = arith.constant 128 : index
          %get3A_467 = tpu.vector_load %arg7[%get3A_464, %get3A_465, %get3A_466] {strides = array<i32>} : memref<4x40x256xbf16, #tpu.memory_space<vmem>>, vector<32xbf16>,
          %get3A_468 = arith.index_cast %rem3A_245 : i32 to index
          %get3A_469 = arith.index_cast %add3A_369 : i32 to index
          %get3A_470 = arith.constant 128 : index
          %get3A_471 = tpu.vector_load %arg8[%get3A_468, %get3A_469, %get3A_470] {strides = array<i32>} : memref<4x40x256xbf16, #tpu.memory_space<vmem>>, vector<32xbf16>,
          %mul3A_472 = arith.mulf %get3A_467, %get3A_471 : vector<32xbf16>
          %unpack3A_473 = tpu.unpack_subelements %mul3A_472, 0 {pack_format = #tpu.pack_format<interleaved>} : vector<32xbf16> -> vector<16xf32>
          %unpack3A_474 = tpu.unpack_subelements %mul3A_472, 1 {pack_format = #tpu.pack_format<interleaved>} : vector<32xbf16> -> vector<16xf32>
          %add3A_475 = arith.constant 64 : i32
          %add3A_476 = vector.broadcast %add3A_475 : i32 to vector<16xi32>
          %add3A_477 = arith.addi %iota3A, %add3A_476 : vector<16xi32>
          %add3A_478 = arith.addi %gather3A_374, %add3A_477 : vector<16xi32>
          %gather3A_479 = tpu.vector_load_idx %arg6[%add3A_478] : memref<25600xi32, #tpu.memory_space<vmem>>[vector<16xi32>], vector<16xi32>,
          %bitcast3A_480 = vector.bitcast %gather3A_479 : vector<16xi32> to vector<32xbf16>
          %unpack3A_481 = tpu.unpack_subelements %bitcast3A_480, 0 {pack_format = #tpu.pack_format<interleaved>} : vector<32xbf16> -> vector<16xf32>
          %unpack3A_482 = tpu.unpack_subelements %bitcast3A_480, 1 {pack_format = #tpu.pack_format<interleaved>} : vector<32xbf16> -> vector<16xf32>
          %mul3A_483 = arith.mulf %unpack3A_473, %unpack3A_481 : vector<16xf32>
          %mul3A_484 = arith.mulf %unpack3A_474, %unpack3A_482 : vector<16xf32>
          %add3A_485 = arith.addf %mul3A_483, %mul3A_484 : vector<16xf32>
          %add3A_486 = arith.addf %add3A_463, %add3A_485 : vector<16xf32>
          %get3A_487 = arith.index_cast %rem3A_245 : i32 to index
          %get3A_488 = arith.index_cast %add3A_369 : i32 to index
          %get3A_489 = arith.constant 160 : index
          %get3A_490 = tpu.vector_load %arg7[%get3A_487, %get3A_488, %get3A_489] {strides = array<i32>} : memref<4x40x256xbf16, #tpu.memory_space<vmem>>, vector<32xbf16>,
          %get3A_491 = arith.index_cast %rem3A_245 : i32 to index
          %get3A_492 = arith.index_cast %add3A_369 : i32 to index
          %get3A_493 = arith.constant 160 : index
          %get3A_494 = tpu.vector_load %arg8[%get3A_491, %get3A_492, %get3A_493] {strides = array<i32>} : memref<4x40x256xbf16, #tpu.memory_space<vmem>>, vector<32xbf16>,
          %mul3A_495 = arith.mulf %get3A_490, %get3A_494 : vector<32xbf16>
          %unpack3A_496 = tpu.unpack_subelements %mul3A_495, 0 {pack_format = #tpu.pack_format<interleaved>} : vector<32xbf16> -> vector<16xf32>
          %unpack3A_497 = tpu.unpack_subelements %mul3A_495, 1 {pack_format = #tpu.pack_format<interleaved>} : vector<32xbf16> -> vector<16xf32>
          %add3A_498 = arith.constant 80 : i32
          %add3A_499 = vector.broadcast %add3A_498 : i32 to vector<16xi32>
          %add3A_500 = arith.addi %iota3A, %add3A_499 : vector<16xi32>
          %add3A_501 = arith.addi %gather3A_374, %add3A_500 : vector<16xi32>
          %gather3A_502 = tpu.vector_load_idx %arg6[%add3A_501] : memref<25600xi32, #tpu.memory_space<vmem>>[vector<16xi32>], vector<16xi32>,
          %bitcast3A_503 = vector.bitcast %gather3A_502 : vector<16xi32> to vector<32xbf16>
          %unpack3A_504 = tpu.unpack_subelements %bitcast3A_503, 0 {pack_format = #tpu.pack_format<interleaved>} : vector<32xbf16> -> vector<16xf32>
          %unpack3A_505 = tpu.unpack_subelements %bitcast3A_503, 1 {pack_format = #tpu.pack_format<interleaved>} : vector<32xbf16> -> vector<16xf32>
          %mul3A_506 = arith.mulf %unpack3A_496, %unpack3A_504 : vector<16xf32>
          %mul3A_507 = arith.mulf %unpack3A_497, %unpack3A_505 : vector<16xf32>
          %add3A_508 = arith.addf %mul3A_506, %mul3A_507 : vector<16xf32>
          %add3A_509 = arith.addf %add3A_486, %add3A_508 : vector<16xf32>
          %get3A_510 = arith.index_cast %rem3A_245 : i32 to index
          %get3A_511 = arith.index_cast %add3A_369 : i32 to index
          %get3A_512 = arith.constant 192 : index
          %get3A_513 = tpu.vector_load %arg7[%get3A_510, %get3A_511, %get3A_512] {strides = array<i32>} : memref<4x40x256xbf16, #tpu.memory_space<vmem>>, vector<32xbf16>,
          %get3A_514 = arith.index_cast %rem3A_245 : i32 to index
          %get3A_515 = arith.index_cast %add3A_369 : i32 to index
          %get3A_516 = arith.constant 192 : index
          %get3A_517 = tpu.vector_load %arg8[%get3A_514, %get3A_515, %get3A_516] {strides = array<i32>} : memref<4x40x256xbf16, #tpu.memory_space<vmem>>, vector<32xbf16>,
          %mul3A_518 = arith.mulf %get3A_513, %get3A_517 : vector<32xbf16>
          %unpack3A_519 = tpu.unpack_subelements %mul3A_518, 0 {pack_format = #tpu.pack_format<interleaved>} : vector<32xbf16> -> vector<16xf32>
          %unpack3A_520 = tpu.unpack_subelements %mul3A_518, 1 {pack_format = #tpu.pack_format<interleaved>} : vector<32xbf16> -> vector<16xf32>
          %add3A_521 = arith.constant 96 : i32
          %add3A_522 = vector.broadcast %add3A_521 : i32 to vector<16xi32>
          %add3A_523 = arith.addi %iota3A, %add3A_522 : vector<16xi32>
          %add3A_524 = arith.addi %gather3A_374, %add3A_523 : vector<16xi32>
          %gather3A_525 = tpu.vector_load_idx %arg6[%add3A_524] : memref<25600xi32, #tpu.memory_space<vmem>>[vector<16xi32>], vector<16xi32>,
          %bitcast3A_526 = vector.bitcast %gather3A_525 : vector<16xi32> to vector<32xbf16>
          %unpack3A_527 = tpu.unpack_subelements %bitcast3A_526, 0 {pack_format = #tpu.pack_format<interleaved>} : vector<32xbf16> -> vector<16xf32>
          %unpack3A_528 = tpu.unpack_subelements %bitcast3A_526, 1 {pack_format = #tpu.pack_format<interleaved>} : vector<32xbf16> -> vector<16xf32>
          %mul3A_529 = arith.mulf %unpack3A_519, %unpack3A_527 : vector<16xf32>
          %mul3A_530 = arith.mulf %unpack3A_520, %unpack3A_528 : vector<16xf32>
          %add3A_531 = arith.addf %mul3A_529, %mul3A_530 : vector<16xf32>
          %add3A_532 = arith.addf %add3A_509, %add3A_531 : vector<16xf32>
          %get3A_533 = arith.index_cast %rem3A_245 : i32 to index
          %get3A_534 = arith.index_cast %add3A_369 : i32 to index
          %get3A_535 = arith.constant 224 : index
          %get3A_536 = tpu.vector_load %arg7[%get3A_533, %get3A_534, %get3A_535] {strides = array<i32>} : memref<4x40x256xbf16, #tpu.memory_space<vmem>>, vector<32xbf16>,
          %get3A_537 = arith.index_cast %rem3A_245 : i32 to index
          %get3A_538 = arith.index_cast %add3A_369 : i32 to index
          %get3A_539 = arith.constant 224 : index
          %get3A_540 = tpu.vector_load %arg8[%get3A_537, %get3A_538, %get3A_539] {strides = array<i32>} : memref<4x40x256xbf16, #tpu.memory_space<vmem>>, vector<32xbf16>,
          %mul3A_541 = arith.mulf %get3A_536, %get3A_540 : vector<32xbf16>
          %unpack3A_542 = tpu.unpack_subelements %mul3A_541, 0 {pack_format = #tpu.pack_format<interleaved>} : vector<32xbf16> -> vector<16xf32>
          %unpack3A_543 = tpu.unpack_subelements %mul3A_541, 1 {pack_format = #tpu.pack_format<interleaved>} : vector<32xbf16> -> vector<16xf32>
          %add3A_544 = arith.constant 112 : i32
          %add3A_545 = vector.broadcast %add3A_544 : i32 to vector<16xi32>
          %add3A_546 = arith.addi %iota3A, %add3A_545 : vector<16xi32>
          %add3A_547 = arith.addi %gather3A_374, %add3A_546 : vector<16xi32>
          %gather3A_548 = tpu.vector_load_idx %arg6[%add3A_547] : memref<25600xi32, #tpu.memory_space<vmem>>[vector<16xi32>], vector<16xi32>,
          %bitcast3A_549 = vector.bitcast %gather3A_548 : vector<16xi32> to vector<32xbf16>
          %unpack3A_550 = tpu.unpack_subelements %bitcast3A_549, 0 {pack_format = #tpu.pack_format<interleaved>} : vector<32xbf16> -> vector<16xf32>
          %unpack3A_551 = tpu.unpack_subelements %bitcast3A_549, 1 {pack_format = #tpu.pack_format<interleaved>} : vector<32xbf16> -> vector<16xf32>
          %mul3A_552 = arith.mulf %unpack3A_542, %unpack3A_550 : vector<16xf32>
          %mul3A_553 = arith.mulf %unpack3A_543, %unpack3A_551 : vector<16xf32>
          %add3A_554 = arith.addf %mul3A_552, %mul3A_553 : vector<16xf32>
          %add3A_555 = arith.addf %add3A_532, %add3A_554 : vector<16xf32>
          %cumsum3A = arith.constant true
          %cumsum3A_556 = vector.broadcast %cumsum3A : i1 to vector<16xi1>
          %cumsum3A_557 = tpu.scan <sum>, %add3A_555 masked %cumsum3A_556 : vector<16xf32>, vector<16xi1> -> vector<16xf32>
          %add3A_558 = arith.addi %mul3A_316, %add3A_369 : i32
          %broadcast_in_dim3A_559 = arith.constant 0 : i32
          %broadcast_in_dim3A_560 = vector.broadcast %broadcast_in_dim3A_559 : i32 to vector<16xi32>
          %add3A_561 = vector.broadcast %add3A_558 : i32 to vector<16xi32>
          %add3A_562 = arith.addi %broadcast_in_dim3A_560, %add3A_561 : vector<16xi32>
          tpu.vector_store_idx %arg10[%add3A_562], %cumsum3A_557 masked %eq3A_4 : memref<5000xf32, #tpu.memory_space<vmem>>[vector<16xi32>], vector<16xf32>, vector<16xi1>
          %mul3A_563 = arith.constant 16 : i32
          %mul3A_564 = arith.muli %scan3A_340, %mul3A_563 : i32
          %add3A_565 = arith.addi %mul3A_564, %add3A_366 : i32
          %broadcast_in_dim3A_566 = arith.constant 0 : i32
          %broadcast_in_dim3A_567 = vector.broadcast %broadcast_in_dim3A_566 : i32 to vector<16xi32>
          %add3A_568 = vector.broadcast %add3A_366 : i32 to vector<16xi32>
          %add3A_569 = arith.addi %broadcast_in_dim3A_567, %add3A_568 : vector<16xi32>
          %broadcast_in_dim3A_570 = vector.shape_cast %add3A_569 : vector<16xi32> to vector<16x1xi32>
          %gather3A_571 = vector.shape_cast %broadcast_in_dim3A_570 : vector<16x1xi32> to vector<16xi32>
          %gather3A_572 = tpu.dynamic_gather %mul3A_355[%gather3A_571] in [0] : vector<16xi32>, vector<16xi32> -> vector<16xi32>
          %get3A_573 = arith.index_cast %rem3A_245 : i32 to index
          %get3A_574 = arith.index_cast %add3A_565 : i32 to index
          %get3A_575 = arith.constant 0 : index
          %get3A_576 = tpu.vector_load %arg7[%get3A_573, %get3A_574, %get3A_575] {strides = array<i32>} : memref<4x40x256xbf16, #tpu.memory_space<vmem>>, vector<32xbf16>,
          %get3A_577 = arith.index_cast %rem3A_245 : i32 to index
          %get3A_578 = arith.index_cast %add3A_565 : i32 to index
          %get3A_579 = arith.constant 0 : index
          %get3A_580 = tpu.vector_load %arg8[%get3A_577, %get3A_578, %get3A_579] {strides = array<i32>} : memref<4x40x256xbf16, #tpu.memory_space<vmem>>, vector<32xbf16>,
          %mul3A_581 = arith.mulf %get3A_576, %get3A_580 : vector<32xbf16>
          %unpack3A_582 = tpu.unpack_subelements %mul3A_581, 0 {pack_format = #tpu.pack_format<interleaved>} : vector<32xbf16> -> vector<16xf32>
          %unpack3A_583 = tpu.unpack_subelements %mul3A_581, 1 {pack_format = #tpu.pack_format<interleaved>} : vector<32xbf16> -> vector<16xf32>
          %add3A_584 = arith.constant 0 : i32
          %add3A_585 = vector.broadcast %add3A_584 : i32 to vector<16xi32>
          %add3A_586 = arith.addi %iota3A, %add3A_585 : vector<16xi32>
          %add3A_587 = arith.addi %gather3A_572, %add3A_586 : vector<16xi32>
          %gather3A_588 = tpu.vector_load_idx %arg6[%add3A_587] : memref<25600xi32, #tpu.memory_space<vmem>>[vector<16xi32>], vector<16xi32>,
          %bitcast3A_589 = vector.bitcast %gather3A_588 : vector<16xi32> to vector<32xbf16>
          %unpack3A_590 = tpu.unpack_subelements %bitcast3A_589, 0 {pack_format = #tpu.pack_format<interleaved>} : vector<32xbf16> -> vector<16xf32>
          %unpack3A_591 = tpu.unpack_subelements %bitcast3A_589, 1 {pack_format = #tpu.pack_format<interleaved>} : vector<32xbf16> -> vector<16xf32>
          %mul3A_592 = arith.mulf %unpack3A_582, %unpack3A_590 : vector<16xf32>
          %mul3A_593 = arith.mulf %unpack3A_583, %unpack3A_591 : vector<16xf32>
          %add3A_594 = arith.addf %mul3A_592, %mul3A_593 : vector<16xf32>
          %get3A_595 = arith.index_cast %rem3A_245 : i32 to index
          %get3A_596 = arith.index_cast %add3A_565 : i32 to index
          %get3A_597 = arith.constant 32 : index
          %get3A_598 = tpu.vector_load %arg7[%get3A_595, %get3A_596, %get3A_597] {strides = array<i32>} : memref<4x40x256xbf16, #tpu.memory_space<vmem>>, vector<32xbf16>,
          %get3A_599 = arith.index_cast %rem3A_245 : i32 to index
          %get3A_600 = arith.index_cast %add3A_565 : i32 to index
          %get3A_601 = arith.constant 32 : index
          %get3A_602 = tpu.vector_load %arg8[%get3A_599, %get3A_600, %get3A_601] {strides = array<i32>} : memref<4x40x256xbf16, #tpu.memory_space<vmem>>, vector<32xbf16>,
          %mul3A_603 = arith.mulf %get3A_598, %get3A_602 : vector<32xbf16>
          %unpack3A_604 = tpu.unpack_subelements %mul3A_603, 0 {pack_format = #tpu.pack_format<interleaved>} : vector<32xbf16> -> vector<16xf32>
          %unpack3A_605 = tpu.unpack_subelements %mul3A_603, 1 {pack_format = #tpu.pack_format<interleaved>} : vector<32xbf16> -> vector<16xf32>
          %add3A_606 = arith.constant 16 : i32
          %add3A_607 = vector.broadcast %add3A_606 : i32 to vector<16xi32>
          %add3A_608 = arith.addi %iota3A, %add3A_607 : vector<16xi32>
          %add3A_609 = arith.addi %gather3A_572, %add3A_608 : vector<16xi32>
          %gather3A_610 = tpu.vector_load_idx %arg6[%add3A_609] : memref<25600xi32, #tpu.memory_space<vmem>>[vector<16xi32>], vector<16xi32>,
          %bitcast3A_611 = vector.bitcast %gather3A_610 : vector<16xi32> to vector<32xbf16>
          %unpack3A_612 = tpu.unpack_subelements %bitcast3A_611, 0 {pack_format = #tpu.pack_format<interleaved>} : vector<32xbf16> -> vector<16xf32>
          %unpack3A_613 = tpu.unpack_subelements %bitcast3A_611, 1 {pack_format = #tpu.pack_format<interleaved>} : vector<32xbf16> -> vector<16xf32>
          %mul3A_614 = arith.mulf %unpack3A_604, %unpack3A_612 : vector<16xf32>
          %mul3A_615 = arith.mulf %unpack3A_605, %unpack3A_613 : vector<16xf32>
          %add3A_616 = arith.addf %mul3A_614, %mul3A_615 : vector<16xf32>
          %add3A_617 = arith.addf %add3A_594, %add3A_616 : vector<16xf32>
          %get3A_618 = arith.index_cast %rem3A_245 : i32 to index
          %get3A_619 = arith.index_cast %add3A_565 : i32 to index
          %get3A_620 = arith.constant 64 : index
          %get3A_621 = tpu.vector_load %arg7[%get3A_618, %get3A_619, %get3A_620] {strides = array<i32>} : memref<4x40x256xbf16, #tpu.memory_space<vmem>>, vector<32xbf16>,
          %get3A_622 = arith.index_cast %rem3A_245 : i32 to index
          %get3A_623 = arith.index_cast %add3A_565 : i32 to index
          %get3A_624 = arith.constant 64 : index
          %get3A_625 = tpu.vector_load %arg8[%get3A_622, %get3A_623, %get3A_624] {strides = array<i32>} : memref<4x40x256xbf16, #tpu.memory_space<vmem>>, vector<32xbf16>,
          %mul3A_626 = arith.mulf %get3A_621, %get3A_625 : vector<32xbf16>
          %unpack3A_627 = tpu.unpack_subelements %mul3A_626, 0 {pack_format = #tpu.pack_format<interleaved>} : vector<32xbf16> -> vector<16xf32>
          %unpack3A_628 = tpu.unpack_subelements %mul3A_626, 1 {pack_format = #tpu.pack_format<interleaved>} : vector<32xbf16> -> vector<16xf32>
          %add3A_629 = arith.constant 32 : i32
          %add3A_630 = vector.broadcast %add3A_629 : i32 to vector<16xi32>
          %add3A_631 = arith.addi %iota3A, %add3A_630 : vector<16xi32>
          %add3A_632 = arith.addi %gather3A_572, %add3A_631 : vector<16xi32>
          %gather3A_633 = tpu.vector_load_idx %arg6[%add3A_632] : memref<25600xi32, #tpu.memory_space<vmem>>[vector<16xi32>], vector<16xi32>,
          %bitcast3A_634 = vector.bitcast %gather3A_633 : vector<16xi32> to vector<32xbf16>
          %unpack3A_635 = tpu.unpack_subelements %bitcast3A_634, 0 {pack_format = #tpu.pack_format<interleaved>} : vector<32xbf16> -> vector<16xf32>
          %unpack3A_636 = tpu.unpack_subelements %bitcast3A_634, 1 {pack_format = #tpu.pack_format<interleaved>} : vector<32xbf16> -> vector<16xf32>
          %mul3A_637 = arith.mulf %unpack3A_627, %unpack3A_635 : vector<16xf32>
          %mul3A_638 = arith.mulf %unpack3A_628, %unpack3A_636 : vector<16xf32>
          %add3A_639 = arith.addf %mul3A_637, %mul3A_638 : vector<16xf32>
          %add3A_640 = arith.addf %add3A_617, %add3A_639 : vector<16xf32>
          %get3A_641 = arith.index_cast %rem3A_245 : i32 to index
          %get3A_642 = arith.index_cast %add3A_565 : i32 to index
          %get3A_643 = arith.constant 96 : index
          %get3A_644 = tpu.vector_load %arg7[%get3A_641, %get3A_642, %get3A_643] {strides = array<i32>} : memref<4x40x256xbf16, #tpu.memory_space<vmem>>, vector<32xbf16>,
          %get3A_645 = arith.index_cast %rem3A_245 : i32 to index
          %get3A_646 = arith.index_cast %add3A_565 : i32 to index
          %get3A_647 = arith.constant 96 : index
          %get3A_648 = tpu.vector_load %arg8[%get3A_645, %get3A_646, %get3A_647] {strides = array<i32>} : memref<4x40x256xbf16, #tpu.memory_space<vmem>>, vector<32xbf16>,
          %mul3A_649 = arith.mulf %get3A_644, %get3A_648 : vector<32xbf16>
          %unpack3A_650 = tpu.unpack_subelements %mul3A_649, 0 {pack_format = #tpu.pack_format<interleaved>} : vector<32xbf16> -> vector<16xf32>
          %unpack3A_651 = tpu.unpack_subelements %mul3A_649, 1 {pack_format = #tpu.pack_format<interleaved>} : vector<32xbf16> -> vector<16xf32>
          %add3A_652 = arith.constant 48 : i32
          %add3A_653 = vector.broadcast %add3A_652 : i32 to vector<16xi32>
          %add3A_654 = arith.addi %iota3A, %add3A_653 : vector<16xi32>
          %add3A_655 = arith.addi %gather3A_572, %add3A_654 : vector<16xi32>
          %gather3A_656 = tpu.vector_load_idx %arg6[%add3A_655] : memref<25600xi32, #tpu.memory_space<vmem>>[vector<16xi32>], vector<16xi32>,
          %bitcast3A_657 = vector.bitcast %gather3A_656 : vector<16xi32> to vector<32xbf16>
          %unpack3A_658 = tpu.unpack_subelements %bitcast3A_657, 0 {pack_format = #tpu.pack_format<interleaved>} : vector<32xbf16> -> vector<16xf32>
          %unpack3A_659 = tpu.unpack_subelements %bitcast3A_657, 1 {pack_format = #tpu.pack_format<interleaved>} : vector<32xbf16> -> vector<16xf32>
          %mul3A_660 = arith.mulf %unpack3A_650, %unpack3A_658 : vector<16xf32>
          %mul3A_661 = arith.mulf %unpack3A_651, %unpack3A_659 : vector<16xf32>
          %add3A_662 = arith.addf %mul3A_660, %mul3A_661 : vector<16xf32>
          %add3A_663 = arith.addf %add3A_640, %add3A_662 : vector<16xf32>
          %get3A_664 = arith.index_cast %rem3A_245 : i32 to index
          %get3A_665 = arith.index_cast %add3A_565 : i32 to index
          %get3A_666 = arith.constant 128 : index
          %get3A_667 = tpu.vector_load %arg7[%get3A_664, %get3A_665, %get3A_666] {strides = array<i32>} : memref<4x40x256xbf16, #tpu.memory_space<vmem>>, vector<32xbf16>,
          %get3A_668 = arith.index_cast %rem3A_245 : i32 to index
          %get3A_669 = arith.index_cast %add3A_565 : i32 to index
          %get3A_670 = arith.constant 128 : index
          %get3A_671 = tpu.vector_load %arg8[%get3A_668, %get3A_669, %get3A_670] {strides = array<i32>} : memref<4x40x256xbf16, #tpu.memory_space<vmem>>, vector<32xbf16>,
          %mul3A_672 = arith.mulf %get3A_667, %get3A_671 : vector<32xbf16>
          %unpack3A_673 = tpu.unpack_subelements %mul3A_672, 0 {pack_format = #tpu.pack_format<interleaved>} : vector<32xbf16> -> vector<16xf32>
          %unpack3A_674 = tpu.unpack_subelements %mul3A_672, 1 {pack_format = #tpu.pack_format<interleaved>} : vector<32xbf16> -> vector<16xf32>
          %add3A_675 = arith.constant 64 : i32
          %add3A_676 = vector.broadcast %add3A_675 : i32 to vector<16xi32>
          %add3A_677 = arith.addi %iota3A, %add3A_676 : vector<16xi32>
          %add3A_678 = arith.addi %gather3A_572, %add3A_677 : vector<16xi32>
          %gather3A_679 = tpu.vector_load_idx %arg6[%add3A_678] : memref<25600xi32, #tpu.memory_space<vmem>>[vector<16xi32>], vector<16xi32>,
          %bitcast3A_680 = vector.bitcast %gather3A_679 : vector<16xi32> to vector<32xbf16>
          %unpack3A_681 = tpu.unpack_subelements %bitcast3A_680, 0 {pack_format = #tpu.pack_format<interleaved>} : vector<32xbf16> -> vector<16xf32>
          %unpack3A_682 = tpu.unpack_subelements %bitcast3A_680, 1 {pack_format = #tpu.pack_format<interleaved>} : vector<32xbf16> -> vector<16xf32>
          %mul3A_683 = arith.mulf %unpack3A_673, %unpack3A_681 : vector<16xf32>
          %mul3A_684 = arith.mulf %unpack3A_674, %unpack3A_682 : vector<16xf32>
          %add3A_685 = arith.addf %mul3A_683, %mul3A_684 : vector<16xf32>
          %add3A_686 = arith.addf %add3A_663, %add3A_685 : vector<16xf32>
          %get3A_687 = arith.index_cast %rem3A_245 : i32 to index
          %get3A_688 = arith.index_cast %add3A_565 : i32 to index
          %get3A_689 = arith.constant 160 : index
          %get3A_690 = tpu.vector_load %arg7[%get3A_687, %get3A_688, %get3A_689] {strides = array<i32>} : memref<4x40x256xbf16, #tpu.memory_space<vmem>>, vector<32xbf16>,
          %get3A_691 = arith.index_cast %rem3A_245 : i32 to index
          %get3A_692 = arith.index_cast %add3A_565 : i32 to index
          %get3A_693 = arith.constant 160 : index
          %get3A_694 = tpu.vector_load %arg8[%get3A_691, %get3A_692, %get3A_693] {strides = array<i32>} : memref<4x40x256xbf16, #tpu.memory_space<vmem>>, vector<32xbf16>,
          %mul3A_695 = arith.mulf %get3A_690, %get3A_694 : vector<32xbf16>
          %unpack3A_696 = tpu.unpack_subelements %mul3A_695, 0 {pack_format = #tpu.pack_format<interleaved>} : vector<32xbf16> -> vector<16xf32>
          %unpack3A_697 = tpu.unpack_subelements %mul3A_695, 1 {pack_format = #tpu.pack_format<interleaved>} : vector<32xbf16> -> vector<16xf32>
          %add3A_698 = arith.constant 80 : i32
          %add3A_699 = vector.broadcast %add3A_698 : i32 to vector<16xi32>
          %add3A_700 = arith.addi %iota3A, %add3A_699 : vector<16xi32>
          %add3A_701 = arith.addi %gather3A_572, %add3A_700 : vector<16xi32>
          %gather3A_702 = tpu.vector_load_idx %arg6[%add3A_701] : memref<25600xi32, #tpu.memory_space<vmem>>[vector<16xi32>], vector<16xi32>,
          %bitcast3A_703 = vector.bitcast %gather3A_702 : vector<16xi32> to vector<32xbf16>
          %unpack3A_704 = tpu.unpack_subelements %bitcast3A_703, 0 {pack_format = #tpu.pack_format<interleaved>} : vector<32xbf16> -> vector<16xf32>
          %unpack3A_705 = tpu.unpack_subelements %bitcast3A_703, 1 {pack_format = #tpu.pack_format<interleaved>} : vector<32xbf16> -> vector<16xf32>
          %mul3A_706 = arith.mulf %unpack3A_696, %unpack3A_704 : vector<16xf32>
          %mul3A_707 = arith.mulf %unpack3A_697, %unpack3A_705 : vector<16xf32>
          %add3A_708 = arith.addf %mul3A_706, %mul3A_707 : vector<16xf32>
          %add3A_709 = arith.addf %add3A_686, %add3A_708 : vector<16xf32>
          %get3A_710 = arith.index_cast %rem3A_245 : i32 to index
          %get3A_711 = arith.index_cast %add3A_565 : i32 to index
          %get3A_712 = arith.constant 192 : index
          %get3A_713 = tpu.vector_load %arg7[%get3A_710, %get3A_711, %get3A_712] {strides = array<i32>} : memref<4x40x256xbf16, #tpu.memory_space<vmem>>, vector<32xbf16>,
          %get3A_714 = arith.index_cast %rem3A_245 : i32 to index
          %get3A_715 = arith.index_cast %add3A_565 : i32 to index
          %get3A_716 = arith.constant 192 : index
          %get3A_717 = tpu.vector_load %arg8[%get3A_714, %get3A_715, %get3A_716] {strides = array<i32>} : memref<4x40x256xbf16, #tpu.memory_space<vmem>>, vector<32xbf16>,
          %mul3A_718 = arith.mulf %get3A_713, %get3A_717 : vector<32xbf16>
          %unpack3A_719 = tpu.unpack_subelements %mul3A_718, 0 {pack_format = #tpu.pack_format<interleaved>} : vector<32xbf16> -> vector<16xf32>
          %unpack3A_720 = tpu.unpack_subelements %mul3A_718, 1 {pack_format = #tpu.pack_format<interleaved>} : vector<32xbf16> -> vector<16xf32>
          %add3A_721 = arith.constant 96 : i32
          %add3A_722 = vector.broadcast %add3A_721 : i32 to vector<16xi32>
          %add3A_723 = arith.addi %iota3A, %add3A_722 : vector<16xi32>
          %add3A_724 = arith.addi %gather3A_572, %add3A_723 : vector<16xi32>
          %gather3A_725 = tpu.vector_load_idx %arg6[%add3A_724] : memref<25600xi32, #tpu.memory_space<vmem>>[vector<16xi32>], vector<16xi32>,
          %bitcast3A_726 = vector.bitcast %gather3A_725 : vector<16xi32> to vector<32xbf16>
          %unpack3A_727 = tpu.unpack_subelements %bitcast3A_726, 0 {pack_format = #tpu.pack_format<interleaved>} : vector<32xbf16> -> vector<16xf32>
          %unpack3A_728 = tpu.unpack_subelements %bitcast3A_726, 1 {pack_format = #tpu.pack_format<interleaved>} : vector<32xbf16> -> vector<16xf32>
          %mul3A_729 = arith.mulf %unpack3A_719, %unpack3A_727 : vector<16xf32>
          %mul3A_730 = arith.mulf %unpack3A_720, %unpack3A_728 : vector<16xf32>
          %add3A_731 = arith.addf %mul3A_729, %mul3A_730 : vector<16xf32>
          %add3A_732 = arith.addf %add3A_709, %add3A_731 : vector<16xf32>
          %get3A_733 = arith.index_cast %rem3A_245 : i32 to index
          %get3A_734 = arith.index_cast %add3A_565 : i32 to index
          %get3A_735 = arith.constant 224 : index
          %get3A_736 = tpu.vector_load %arg7[%get3A_733, %get3A_734, %get3A_735] {strides = array<i32>} : memref<4x40x256xbf16, #tpu.memory_space<vmem>>, vector<32xbf16>,
          %get3A_737 = arith.index_cast %rem3A_245 : i32 to index
          %get3A_738 = arith.index_cast %add3A_565 : i32 to index
          %get3A_739 = arith.constant 224 : index
          %get3A_740 = tpu.vector_load %arg8[%get3A_737, %get3A_738, %get3A_739] {strides = array<i32>} : memref<4x40x256xbf16, #tpu.memory_space<vmem>>, vector<32xbf16>,
          %mul3A_741 = arith.mulf %get3A_736, %get3A_740 : vector<32xbf16>
          %unpack3A_742 = tpu.unpack_subelements %mul3A_741, 0 {pack_format = #tpu.pack_format<interleaved>} : vector<32xbf16> -> vector<16xf32>
          %unpack3A_743 = tpu.unpack_subelements %mul3A_741, 1 {pack_format = #tpu.pack_format<interleaved>} : vector<32xbf16> -> vector<16xf32>
          %add3A_744 = arith.constant 112 : i32
          %add3A_745 = vector.broadcast %add3A_744 : i32 to vector<16xi32>
          %add3A_746 = arith.addi %iota3A, %add3A_745 : vector<16xi32>
          %add3A_747 = arith.addi %gather3A_572, %add3A_746 : vector<16xi32>
          %gather3A_748 = tpu.vector_load_idx %arg6[%add3A_747] : memref<25600xi32, #tpu.memory_space<vmem>>[vector<16xi32>], vector<16xi32>,
          %bitcast3A_749 = vector.bitcast %gather3A_748 : vector<16xi32> to vector<32xbf16>
          %unpack3A_750 = tpu.unpack_subelements %bitcast3A_749, 0 {pack_format = #tpu.pack_format<interleaved>} : vector<32xbf16> -> vector<16xf32>
          %unpack3A_751 = tpu.unpack_subelements %bitcast3A_749, 1 {pack_format = #tpu.pack_format<interleaved>} : vector<32xbf16> -> vector<16xf32>
          %mul3A_752 = arith.mulf %unpack3A_742, %unpack3A_750 : vector<16xf32>
          %mul3A_753 = arith.mulf %unpack3A_743, %unpack3A_751 : vector<16xf32>
          %add3A_754 = arith.addf %mul3A_752, %mul3A_753 : vector<16xf32>
          %add3A_755 = arith.addf %add3A_732, %add3A_754 : vector<16xf32>
          %cumsum3A_756 = arith.constant true
          %cumsum3A_757 = vector.broadcast %cumsum3A_756 : i1 to vector<16xi1>
          %cumsum3A_758 = tpu.scan <sum>, %add3A_755 masked %cumsum3A_757 : vector<16xf32>, vector<16xi1> -> vector<16xf32>
          %add3A_759 = arith.addi %mul3A_316, %add3A_565 : i32
          %broadcast_in_dim3A_760 = arith.constant 0 : i32
          %broadcast_in_dim3A_761 = vector.broadcast %broadcast_in_dim3A_760 : i32 to vector<16xi32>
          %add3A_762 = vector.broadcast %add3A_759 : i32 to vector<16xi32>
          %add3A_763 = arith.addi %broadcast_in_dim3A_761, %add3A_762 : vector<16xi32>
          tpu.vector_store_idx %arg10[%add3A_763], %cumsum3A_758 masked %eq3A_4 : memref<5000xf32, #tpu.memory_space<vmem>>[vector<16xi32>], vector<16xf32>, vector<16xi1>
        }
        %while3A_364 = arith.constant 1 : i32
        scf.for %while3A_365 = %while3A_362 to %while3A_358 step %while3A_364  : i32 {
          %add3A_366 = arith.addi %while3A_365, %select_n3A_343 : i32
          %mul3A_367 = arith.constant 16 : i32
          %mul3A_368 = arith.muli %scan3A_340, %mul3A_367 : i32
          %add3A_369 = arith.addi %mul3A_368, %while3A_365 : i32
          %broadcast_in_dim3A = arith.constant 0 : i32
          %broadcast_in_dim3A_370 = vector.broadcast %broadcast_in_dim3A : i32 to vector<16xi32>
          %add3A_371 = vector.broadcast %while3A_365 : i32 to vector<16xi32>
          %add3A_372 = arith.addi %broadcast_in_dim3A_370, %add3A_371 : vector<16xi32>
          %broadcast_in_dim3A_373 = vector.shape_cast %add3A_372 : vector<16xi32> to vector<16x1xi32>
          %gather3A = vector.shape_cast %broadcast_in_dim3A_373 : vector<16x1xi32> to vector<16xi32>
          %gather3A_374 = tpu.dynamic_gather %mul3A_355[%gather3A] in [0] : vector<16xi32>, vector<16xi32> -> vector<16xi32>
          %get3A_375 = arith.index_cast %rem3A_245 : i32 to index
          %get3A_376 = arith.index_cast %add3A_369 : i32 to index
          %get3A_377 = arith.constant 0 : index
          %get3A_378 = tpu.vector_load %arg7[%get3A_375, %get3A_376, %get3A_377] {strides = array<i32>} : memref<4x40x256xbf16, #tpu.memory_space<vmem>>, vector<32xbf16>,
          %get3A_379 = arith.index_cast %rem3A_245 : i32 to index
          %get3A_380 = arith.index_cast %add3A_369 : i32 to index
          %get3A_381 = arith.constant 0 : index
          %get3A_382 = tpu.vector_load %arg8[%get3A_379, %get3A_380, %get3A_381] {strides = array<i32>} : memref<4x40x256xbf16, #tpu.memory_space<vmem>>, vector<32xbf16>,
          %mul3A_383 = arith.mulf %get3A_378, %get3A_382 : vector<32xbf16>
          %unpack3A = tpu.unpack_subelements %mul3A_383, 0 {pack_format = #tpu.pack_format<interleaved>} : vector<32xbf16> -> vector<16xf32>
          %unpack3A_384 = tpu.unpack_subelements %mul3A_383, 1 {pack_format = #tpu.pack_format<interleaved>} : vector<32xbf16> -> vector<16xf32>
          %add3A_385 = arith.constant 0 : i32
          %add3A_386 = vector.broadcast %add3A_385 : i32 to vector<16xi32>
          %add3A_387 = arith.addi %iota3A, %add3A_386 : vector<16xi32>
          %add3A_388 = arith.addi %gather3A_374, %add3A_387 : vector<16xi32>
          %gather3A_389 = tpu.vector_load_idx %arg6[%add3A_388] : memref<25600xi32, #tpu.memory_space<vmem>>[vector<16xi32>], vector<16xi32>,
          %bitcast3A = vector.bitcast %gather3A_389 : vector<16xi32> to vector<32xbf16>
          %unpack3A_390 = tpu.unpack_subelements %bitcast3A, 0 {pack_format = #tpu.pack_format<interleaved>} : vector<32xbf16> -> vector<16xf32>
          %unpack3A_391 = tpu.unpack_subelements %bitcast3A, 1 {pack_format = #tpu.pack_format<interleaved>} : vector<32xbf16> -> vector<16xf32>
          %mul3A_392 = arith.mulf %unpack3A, %unpack3A_390 : vector<16xf32>
          %mul3A_393 = arith.mulf %unpack3A_384, %unpack3A_391 : vector<16xf32>
          %add3A_394 = arith.addf %mul3A_392, %mul3A_393 : vector<16xf32>
          %get3A_395 = arith.index_cast %rem3A_245 : i32 to index
          %get3A_396 = arith.index_cast %add3A_369 : i32 to index
          %get3A_397 = arith.constant 32 : index
          %get3A_398 = tpu.vector_load %arg7[%get3A_395, %get3A_396, %get3A_397] {strides = array<i32>} : memref<4x40x256xbf16, #tpu.memory_space<vmem>>, vector<32xbf16>,
          %get3A_399 = arith.index_cast %rem3A_245 : i32 to index
          %get3A_400 = arith.index_cast %add3A_369 : i32 to index
          %get3A_401 = arith.constant 32 : index
          %get3A_402 = tpu.vector_load %arg8[%get3A_399, %get3A_400, %get3A_401] {strides = array<i32>} : memref<4x40x256xbf16, #tpu.memory_space<vmem>>, vector<32xbf16>,
          %mul3A_403 = arith.mulf %get3A_398, %get3A_402 : vector<32xbf16>
          %unpack3A_404 = tpu.unpack_subelements %mul3A_403, 0 {pack_format = #tpu.pack_format<interleaved>} : vector<32xbf16> -> vector<16xf32>
          %unpack3A_405 = tpu.unpack_subelements %mul3A_403, 1 {pack_format = #tpu.pack_format<interleaved>} : vector<32xbf16> -> vector<16xf32>
          %add3A_406 = arith.constant 16 : i32
          %add3A_407 = vector.broadcast %add3A_406 : i32 to vector<16xi32>
          %add3A_408 = arith.addi %iota3A, %add3A_407 : vector<16xi32>
          %add3A_409 = arith.addi %gather3A_374, %add3A_408 : vector<16xi32>
          %gather3A_410 = tpu.vector_load_idx %arg6[%add3A_409] : memref<25600xi32, #tpu.memory_space<vmem>>[vector<16xi32>], vector<16xi32>,
          %bitcast3A_411 = vector.bitcast %gather3A_410 : vector<16xi32> to vector<32xbf16>
          %unpack3A_412 = tpu.unpack_subelements %bitcast3A_411, 0 {pack_format = #tpu.pack_format<interleaved>} : vector<32xbf16> -> vector<16xf32>
          %unpack3A_413 = tpu.unpack_subelements %bitcast3A_411, 1 {pack_format = #tpu.pack_format<interleaved>} : vector<32xbf16> -> vector<16xf32>
          %mul3A_414 = arith.mulf %unpack3A_404, %unpack3A_412 : vector<16xf32>
          %mul3A_415 = arith.mulf %unpack3A_405, %unpack3A_413 : vector<16xf32>
          %add3A_416 = arith.addf %mul3A_414, %mul3A_415 : vector<16xf32>
          %add3A_417 = arith.addf %add3A_394, %add3A_416 : vector<16xf32>
          %get3A_418 = arith.index_cast %rem3A_245 : i32 to index
          %get3A_419 = arith.index_cast %add3A_369 : i32 to index
          %get3A_420 = arith.constant 64 : index
          %get3A_421 = tpu.vector_load %arg7[%get3A_418, %get3A_419, %get3A_420] {strides = array<i32>} : memref<4x40x256xbf16, #tpu.memory_space<vmem>>, vector<32xbf16>,
          %get3A_422 = arith.index_cast %rem3A_245 : i32 to index
          %get3A_423 = arith.index_cast %add3A_369 : i32 to index
          %get3A_424 = arith.constant 64 : index
          %get3A_425 = tpu.vector_load %arg8[%get3A_422, %get3A_423, %get3A_424] {strides = array<i32>} : memref<4x40x256xbf16, #tpu.memory_space<vmem>>, vector<32xbf16>,
          %mul3A_426 = arith.mulf %get3A_421, %get3A_425 : vector<32xbf16>
          %unpack3A_427 = tpu.unpack_subelements %mul3A_426, 0 {pack_format = #tpu.pack_format<interleaved>} : vector<32xbf16> -> vector<16xf32>
          %unpack3A_428 = tpu.unpack_subelements %mul3A_426, 1 {pack_format = #tpu.pack_format<interleaved>} : vector<32xbf16> -> vector<16xf32>
          %add3A_429 = arith.constant 32 : i32
          %add3A_430 = vector.broadcast %add3A_429 : i32 to vector<16xi32>
          %add3A_431 = arith.addi %iota3A, %add3A_430 : vector<16xi32>
          %add3A_432 = arith.addi %gather3A_374, %add3A_431 : vector<16xi32>
          %gather3A_433 = tpu.vector_load_idx %arg6[%add3A_432] : memref<25600xi32, #tpu.memory_space<vmem>>[vector<16xi32>], vector<16xi32>,
          %bitcast3A_434 = vector.bitcast %gather3A_433 : vector<16xi32> to vector<32xbf16>
          %unpack3A_435 = tpu.unpack_subelements %bitcast3A_434, 0 {pack_format = #tpu.pack_format<interleaved>} : vector<32xbf16> -> vector<16xf32>
          %unpack3A_436 = tpu.unpack_subelements %bitcast3A_434, 1 {pack_format = #tpu.pack_format<interleaved>} : vector<32xbf16> -> vector<16xf32>
          %mul3A_437 = arith.mulf %unpack3A_427, %unpack3A_435 : vector<16xf32>
          %mul3A_438 = arith.mulf %unpack3A_428, %unpack3A_436 : vector<16xf32>
          %add3A_439 = arith.addf %mul3A_437, %mul3A_438 : vector<16xf32>
          %add3A_440 = arith.addf %add3A_417, %add3A_439 : vector<16xf32>
          %get3A_441 = arith.index_cast %rem3A_245 : i32 to index
          %get3A_442 = arith.index_cast %add3A_369 : i32 to index
          %get3A_443 = arith.constant 96 : index
          %get3A_444 = tpu.vector_load %arg7[%get3A_441, %get3A_442, %get3A_443] {strides = array<i32>} : memref<4x40x256xbf16, #tpu.memory_space<vmem>>, vector<32xbf16>,
          %get3A_445 = arith.index_cast %rem3A_245 : i32 to index
          %get3A_446 = arith.index_cast %add3A_369 : i32 to index
          %get3A_447 = arith.constant 96 : index
          %get3A_448 = tpu.vector_load %arg8[%get3A_445, %get3A_446, %get3A_447] {strides = array<i32>} : memref<4x40x256xbf16, #tpu.memory_space<vmem>>, vector<32xbf16>,
          %mul3A_449 = arith.mulf %get3A_444, %get3A_448 : vector<32xbf16>
          %unpack3A_450 = tpu.unpack_subelements %mul3A_449, 0 {pack_format = #tpu.pack_format<interleaved>} : vector<32xbf16> -> vector<16xf32>
          %unpack3A_451 = tpu.unpack_subelements %mul3A_449, 1 {pack_format = #tpu.pack_format<interleaved>} : vector<32xbf16> -> vector<16xf32>
          %add3A_452 = arith.constant 48 : i32
          %add3A_453 = vector.broadcast %add3A_452 : i32 to vector<16xi32>
          %add3A_454 = arith.addi %iota3A, %add3A_453 : vector<16xi32>
          %add3A_455 = arith.addi %gather3A_374, %add3A_454 : vector<16xi32>
          %gather3A_456 = tpu.vector_load_idx %arg6[%add3A_455] : memref<25600xi32, #tpu.memory_space<vmem>>[vector<16xi32>], vector<16xi32>,
          %bitcast3A_457 = vector.bitcast %gather3A_456 : vector<16xi32> to vector<32xbf16>
          %unpack3A_458 = tpu.unpack_subelements %bitcast3A_457, 0 {pack_format = #tpu.pack_format<interleaved>} : vector<32xbf16> -> vector<16xf32>
          %unpack3A_459 = tpu.unpack_subelements %bitcast3A_457, 1 {pack_format = #tpu.pack_format<interleaved>} : vector<32xbf16> -> vector<16xf32>
          %mul3A_460 = arith.mulf %unpack3A_450, %unpack3A_458 : vector<16xf32>
          %mul3A_461 = arith.mulf %unpack3A_451, %unpack3A_459 : vector<16xf32>
          %add3A_462 = arith.addf %mul3A_460, %mul3A_461 : vector<16xf32>
          %add3A_463 = arith.addf %add3A_440, %add3A_462 : vector<16xf32>
          %get3A_464 = arith.index_cast %rem3A_245 : i32 to index
          %get3A_465 = arith.index_cast %add3A_369 : i32 to index
          %get3A_466 = arith.constant 128 : index
          %get3A_467 = tpu.vector_load %arg7[%get3A_464, %get3A_465, %get3A_466] {strides = array<i32>} : memref<4x40x256xbf16, #tpu.memory_space<vmem>>, vector<32xbf16>,
          %get3A_468 = arith.index_cast %rem3A_245 : i32 to index
          %get3A_469 = arith.index_cast %add3A_369 : i32 to index
          %get3A_470 = arith.constant 128 : index
          %get3A_471 = tpu.vector_load %arg8[%get3A_468, %get3A_469, %get3A_470] {strides = array<i32>} : memref<4x40x256xbf16, #tpu.memory_space<vmem>>, vector<32xbf16>,
          %mul3A_472 = arith.mulf %get3A_467, %get3A_471 : vector<32xbf16>
          %unpack3A_473 = tpu.unpack_subelements %mul3A_472, 0 {pack_format = #tpu.pack_format<interleaved>} : vector<32xbf16> -> vector<16xf32>
          %unpack3A_474 = tpu.unpack_subelements %mul3A_472, 1 {pack_format = #tpu.pack_format<interleaved>} : vector<32xbf16> -> vector<16xf32>
          %add3A_475 = arith.constant 64 : i32
          %add3A_476 = vector.broadcast %add3A_475 : i32 to vector<16xi32>
          %add3A_477 = arith.addi %iota3A, %add3A_476 : vector<16xi32>
          %add3A_478 = arith.addi %gather3A_374, %add3A_477 : vector<16xi32>
          %gather3A_479 = tpu.vector_load_idx %arg6[%add3A_478] : memref<25600xi32, #tpu.memory_space<vmem>>[vector<16xi32>], vector<16xi32>,
          %bitcast3A_480 = vector.bitcast %gather3A_479 : vector<16xi32> to vector<32xbf16>
          %unpack3A_481 = tpu.unpack_subelements %bitcast3A_480, 0 {pack_format = #tpu.pack_format<interleaved>} : vector<32xbf16> -> vector<16xf32>
          %unpack3A_482 = tpu.unpack_subelements %bitcast3A_480, 1 {pack_format = #tpu.pack_format<interleaved>} : vector<32xbf16> -> vector<16xf32>
          %mul3A_483 = arith.mulf %unpack3A_473, %unpack3A_481 : vector<16xf32>
          %mul3A_484 = arith.mulf %unpack3A_474, %unpack3A_482 : vector<16xf32>
          %add3A_485 = arith.addf %mul3A_483, %mul3A_484 : vector<16xf32>
          %add3A_486 = arith.addf %add3A_463, %add3A_485 : vector<16xf32>
          %get3A_487 = arith.index_cast %rem3A_245 : i32 to index
          %get3A_488 = arith.index_cast %add3A_369 : i32 to index
          %get3A_489 = arith.constant 160 : index
          %get3A_490 = tpu.vector_load %arg7[%get3A_487, %get3A_488, %get3A_489] {strides = array<i32>} : memref<4x40x256xbf16, #tpu.memory_space<vmem>>, vector<32xbf16>,
          %get3A_491 = arith.index_cast %rem3A_245 : i32 to index
          %get3A_492 = arith.index_cast %add3A_369 : i32 to index
          %get3A_493 = arith.constant 160 : index
          %get3A_494 = tpu.vector_load %arg8[%get3A_491, %get3A_492, %get3A_493] {strides = array<i32>} : memref<4x40x256xbf16, #tpu.memory_space<vmem>>, vector<32xbf16>,
          %mul3A_495 = arith.mulf %get3A_490, %get3A_494 : vector<32xbf16>
          %unpack3A_496 = tpu.unpack_subelements %mul3A_495, 0 {pack_format = #tpu.pack_format<interleaved>} : vector<32xbf16> -> vector<16xf32>
          %unpack3A_497 = tpu.unpack_subelements %mul3A_495, 1 {pack_format = #tpu.pack_format<interleaved>} : vector<32xbf16> -> vector<16xf32>
          %add3A_498 = arith.constant 80 : i32
          %add3A_499 = vector.broadcast %add3A_498 : i32 to vector<16xi32>
          %add3A_500 = arith.addi %iota3A, %add3A_499 : vector<16xi32>
          %add3A_501 = arith.addi %gather3A_374, %add3A_500 : vector<16xi32>
          %gather3A_502 = tpu.vector_load_idx %arg6[%add3A_501] : memref<25600xi32, #tpu.memory_space<vmem>>[vector<16xi32>], vector<16xi32>,
          %bitcast3A_503 = vector.bitcast %gather3A_502 : vector<16xi32> to vector<32xbf16>
          %unpack3A_504 = tpu.unpack_subelements %bitcast3A_503, 0 {pack_format = #tpu.pack_format<interleaved>} : vector<32xbf16> -> vector<16xf32>
          %unpack3A_505 = tpu.unpack_subelements %bitcast3A_503, 1 {pack_format = #tpu.pack_format<interleaved>} : vector<32xbf16> -> vector<16xf32>
          %mul3A_506 = arith.mulf %unpack3A_496, %unpack3A_504 : vector<16xf32>
          %mul3A_507 = arith.mulf %unpack3A_497, %unpack3A_505 : vector<16xf32>
          %add3A_508 = arith.addf %mul3A_506, %mul3A_507 : vector<16xf32>
          %add3A_509 = arith.addf %add3A_486, %add3A_508 : vector<16xf32>
          %get3A_510 = arith.index_cast %rem3A_245 : i32 to index
          %get3A_511 = arith.index_cast %add3A_369 : i32 to index
          %get3A_512 = arith.constant 192 : index
          %get3A_513 = tpu.vector_load %arg7[%get3A_510, %get3A_511, %get3A_512] {strides = array<i32>} : memref<4x40x256xbf16, #tpu.memory_space<vmem>>, vector<32xbf16>,
          %get3A_514 = arith.index_cast %rem3A_245 : i32 to index
          %get3A_515 = arith.index_cast %add3A_369 : i32 to index
          %get3A_516 = arith.constant 192 : index
          %get3A_517 = tpu.vector_load %arg8[%get3A_514, %get3A_515, %get3A_516] {strides = array<i32>} : memref<4x40x256xbf16, #tpu.memory_space<vmem>>, vector<32xbf16>,
          %mul3A_518 = arith.mulf %get3A_513, %get3A_517 : vector<32xbf16>
          %unpack3A_519 = tpu.unpack_subelements %mul3A_518, 0 {pack_format = #tpu.pack_format<interleaved>} : vector<32xbf16> -> vector<16xf32>
          %unpack3A_520 = tpu.unpack_subelements %mul3A_518, 1 {pack_format = #tpu.pack_format<interleaved>} : vector<32xbf16> -> vector<16xf32>
          %add3A_521 = arith.constant 96 : i32
          %add3A_522 = vector.broadcast %add3A_521 : i32 to vector<16xi32>
          %add3A_523 = arith.addi %iota3A, %add3A_522 : vector<16xi32>
          %add3A_524 = arith.addi %gather3A_374, %add3A_523 : vector<16xi32>
          %gather3A_525 = tpu.vector_load_idx %arg6[%add3A_524] : memref<25600xi32, #tpu.memory_space<vmem>>[vector<16xi32>], vector<16xi32>,
          %bitcast3A_526 = vector.bitcast %gather3A_525 : vector<16xi32> to vector<32xbf16>
          %unpack3A_527 = tpu.unpack_subelements %bitcast3A_526, 0 {pack_format = #tpu.pack_format<interleaved>} : vector<32xbf16> -> vector<16xf32>
          %unpack3A_528 = tpu.unpack_subelements %bitcast3A_526, 1 {pack_format = #tpu.pack_format<interleaved>} : vector<32xbf16> -> vector<16xf32>
          %mul3A_529 = arith.mulf %unpack3A_519, %unpack3A_527 : vector<16xf32>
          %mul3A_530 = arith.mulf %unpack3A_520, %unpack3A_528 : vector<16xf32>
          %add3A_531 = arith.addf %mul3A_529, %mul3A_530 : vector<16xf32>
          %add3A_532 = arith.addf %add3A_509, %add3A_531 : vector<16xf32>
          %get3A_533 = arith.index_cast %rem3A_245 : i32 to index
          %get3A_534 = arith.index_cast %add3A_369 : i32 to index
          %get3A_535 = arith.constant 224 : index
          %get3A_536 = tpu.vector_load %arg7[%get3A_533, %get3A_534, %get3A_535] {strides = array<i32>} : memref<4x40x256xbf16, #tpu.memory_space<vmem>>, vector<32xbf16>,
          %get3A_537 = arith.index_cast %rem3A_245 : i32 to index
          %get3A_538 = arith.index_cast %add3A_369 : i32 to index
          %get3A_539 = arith.constant 224 : index
          %get3A_540 = tpu.vector_load %arg8[%get3A_537, %get3A_538, %get3A_539] {strides = array<i32>} : memref<4x40x256xbf16, #tpu.memory_space<vmem>>, vector<32xbf16>,
          %mul3A_541 = arith.mulf %get3A_536, %get3A_540 : vector<32xbf16>
          %unpack3A_542 = tpu.unpack_subelements %mul3A_541, 0 {pack_format = #tpu.pack_format<interleaved>} : vector<32xbf16> -> vector<16xf32>
          %unpack3A_543 = tpu.unpack_subelements %mul3A_541, 1 {pack_format = #tpu.pack_format<interleaved>} : vector<32xbf16> -> vector<16xf32>
          %add3A_544 = arith.constant 112 : i32
          %add3A_545 = vector.broadcast %add3A_544 : i32 to vector<16xi32>
          %add3A_546 = arith.addi %iota3A, %add3A_545 : vector<16xi32>
          %add3A_547 = arith.addi %gather3A_374, %add3A_546 : vector<16xi32>
          %gather3A_548 = tpu.vector_load_idx %arg6[%add3A_547] : memref<25600xi32, #tpu.memory_space<vmem>>[vector<16xi32>], vector<16xi32>,
          %bitcast3A_549 = vector.bitcast %gather3A_548 : vector<16xi32> to vector<32xbf16>
          %unpack3A_550 = tpu.unpack_subelements %bitcast3A_549, 0 {pack_format = #tpu.pack_format<interleaved>} : vector<32xbf16> -> vector<16xf32>
          %unpack3A_551 = tpu.unpack_subelements %bitcast3A_549, 1 {pack_format = #tpu.pack_format<interleaved>} : vector<32xbf16> -> vector<16xf32>
          %mul3A_552 = arith.mulf %unpack3A_542, %unpack3A_550 : vector<16xf32>
          %mul3A_553 = arith.mulf %unpack3A_543, %unpack3A_551 : vector<16xf32>
          %add3A_554 = arith.addf %mul3A_552, %mul3A_553 : vector<16xf32>
          %add3A_555 = arith.addf %add3A_532, %add3A_554 : vector<16xf32>
          %cumsum3A = arith.constant true
          %cumsum3A_556 = vector.broadcast %cumsum3A : i1 to vector<16xi1>
          %cumsum3A_557 = tpu.scan <sum>, %add3A_555 masked %cumsum3A_556 : vector<16xf32>, vector<16xi1> -> vector<16xf32>
          %add3A_558 = arith.addi %mul3A_316, %add3A_369 : i32
          %broadcast_in_dim3A_559 = arith.constant 0 : i32
          %broadcast_in_dim3A_560 = vector.broadcast %broadcast_in_dim3A_559 : i32 to vector<16xi32>
          %add3A_561 = vector.broadcast %add3A_558 : i32 to vector<16xi32>
          %add3A_562 = arith.addi %broadcast_in_dim3A_560, %add3A_561 : vector<16xi32>
          tpu.vector_store_idx %arg10[%add3A_562], %cumsum3A_557 masked %eq3A_4 : memref<5000xf32, #tpu.memory_space<vmem>>[vector<16xi32>], vector<16xf32>, vector<16xi1>
          %mul3A_563 = arith.constant 16 : i32
          %mul3A_564 = arith.muli %scan3A_340, %mul3A_563 : i32
          %add3A_565 = arith.addi %mul3A_564, %add3A_366 : i32
          %broadcast_in_dim3A_566 = arith.constant 0 : i32
          %broadcast_in_dim3A_567 = vector.broadcast %broadcast_in_dim3A_566 : i32 to vector<16xi32>
          %add3A_568 = vector.broadcast %add3A_366 : i32 to vector<16xi32>
          %add3A_569 = arith.addi %broadcast_in_dim3A_567, %add3A_568 : vector<16xi32>
          %broadcast_in_dim3A_570 = vector.shape_cast %add3A_569 : vector<16xi32> to vector<16x1xi32>
          %gather3A_571 = vector.shape_cast %broadcast_in_dim3A_570 : vector<16x1xi32> to vector<16xi32>
          %gather3A_572 = tpu.dynamic_gather %mul3A_355[%gather3A_571] in [0] : vector<16xi32>, vector<16xi32> -> vector<16xi32>
          %get3A_573 = arith.index_cast %rem3A_245 : i32 to index
          %get3A_574 = arith.index_cast %add3A_565 : i32 to index
          %get3A_575 = arith.constant 0 : index
          %get3A_576 = tpu.vector_load %arg7[%get3A_573, %get3A_574, %get3A_575] {strides = array<i32>} : memref<4x40x256xbf16, #tpu.memory_space<vmem>>, vector<32xbf16>,
          %get3A_577 = arith.index_cast %rem3A_245 : i32 to index
          %get3A_578 = arith.index_cast %add3A_565 : i32 to index
          %get3A_579 = arith.constant 0 : index
          %get3A_580 = tpu.vector_load %arg8[%get3A_577, %get3A_578, %get3A_579] {strides = array<i32>} : memref<4x40x256xbf16, #tpu.memory_space<vmem>>, vector<32xbf16>,
          %mul3A_581 = arith.mulf %get3A_576, %get3A_580 : vector<32xbf16>
          %unpack3A_582 = tpu.unpack_subelements %mul3A_581, 0 {pack_format = #tpu.pack_format<interleaved>} : vector<32xbf16> -> vector<16xf32>
          %unpack3A_583 = tpu.unpack_subelements %mul3A_581, 1 {pack_format = #tpu.pack_format<interleaved>} : vector<32xbf16> -> vector<16xf32>
          %add3A_584 = arith.constant 0 : i32
          %add3A_585 = vector.broadcast %add3A_584 : i32 to vector<16xi32>
          %add3A_586 = arith.addi %iota3A, %add3A_585 : vector<16xi32>
          %add3A_587 = arith.addi %gather3A_572, %add3A_586 : vector<16xi32>
          %gather3A_588 = tpu.vector_load_idx %arg6[%add3A_587] : memref<25600xi32, #tpu.memory_space<vmem>>[vector<16xi32>], vector<16xi32>,
          %bitcast3A_589 = vector.bitcast %gather3A_588 : vector<16xi32> to vector<32xbf16>
          %unpack3A_590 = tpu.unpack_subelements %bitcast3A_589, 0 {pack_format = #tpu.pack_format<interleaved>} : vector<32xbf16> -> vector<16xf32>
          %unpack3A_591 = tpu.unpack_subelements %bitcast3A_589, 1 {pack_format = #tpu.pack_format<interleaved>} : vector<32xbf16> -> vector<16xf32>
          %mul3A_592 = arith.mulf %unpack3A_582, %unpack3A_590 : vector<16xf32>
          %mul3A_593 = arith.mulf %unpack3A_583, %unpack3A_591 : vector<16xf32>
          %add3A_594 = arith.addf %mul3A_592, %mul3A_593 : vector<16xf32>
          %get3A_595 = arith.index_cast %rem3A_245 : i32 to index
          %get3A_596 = arith.index_cast %add3A_565 : i32 to index
          %get3A_597 = arith.constant 32 : index
          %get3A_598 = tpu.vector_load %arg7[%get3A_595, %get3A_596, %get3A_597] {strides = array<i32>} : memref<4x40x256xbf16, #tpu.memory_space<vmem>>, vector<32xbf16>,
          %get3A_599 = arith.index_cast %rem3A_245 : i32 to index
          %get3A_600 = arith.index_cast %add3A_565 : i32 to index
          %get3A_601 = arith.constant 32 : index
          %get3A_602 = tpu.vector_load %arg8[%get3A_599, %get3A_600, %get3A_601] {strides = array<i32>} : memref<4x40x256xbf16, #tpu.memory_space<vmem>>, vector<32xbf16>,
          %mul3A_603 = arith.mulf %get3A_598, %get3A_602 : vector<32xbf16>
          %unpack3A_604 = tpu.unpack_subelements %mul3A_603, 0 {pack_format = #tpu.pack_format<interleaved>} : vector<32xbf16> -> vector<16xf32>
          %unpack3A_605 = tpu.unpack_subelements %mul3A_603, 1 {pack_format = #tpu.pack_format<interleaved>} : vector<32xbf16> -> vector<16xf32>
          %add3A_606 = arith.constant 16 : i32
          %add3A_607 = vector.broadcast %add3A_606 : i32 to vector<16xi32>
          %add3A_608 = arith.addi %iota3A, %add3A_607 : vector<16xi32>
          %add3A_609 = arith.addi %gather3A_572, %add3A_608 : vector<16xi32>
          %gather3A_610 = tpu.vector_load_idx %arg6[%add3A_609] : memref<25600xi32, #tpu.memory_space<vmem>>[vector<16xi32>], vector<16xi32>,
          %bitcast3A_611 = vector.bitcast %gather3A_610 : vector<16xi32> to vector<32xbf16>
          %unpack3A_612 = tpu.unpack_subelements %bitcast3A_611, 0 {pack_format = #tpu.pack_format<interleaved>} : vector<32xbf16> -> vector<16xf32>
          %unpack3A_613 = tpu.unpack_subelements %bitcast3A_611, 1 {pack_format = #tpu.pack_format<interleaved>} : vector<32xbf16> -> vector<16xf32>
          %mul3A_614 = arith.mulf %unpack3A_604, %unpack3A_612 : vector<16xf32>
          %mul3A_615 = arith.mulf %unpack3A_605, %unpack3A_613 : vector<16xf32>
          %add3A_616 = arith.addf %mul3A_614, %mul3A_615 : vector<16xf32>
          %add3A_617 = arith.addf %add3A_594, %add3A_616 : vector<16xf32>
          %get3A_618 = arith.index_cast %rem3A_245 : i32 to index
          %get3A_619 = arith.index_cast %add3A_565 : i32 to index
          %get3A_620 = arith.constant 64 : index
          %get3A_621 = tpu.vector_load %arg7[%get3A_618, %get3A_619, %get3A_620] {strides = array<i32>} : memref<4x40x256xbf16, #tpu.memory_space<vmem>>, vector<32xbf16>,
          %get3A_622 = arith.index_cast %rem3A_245 : i32 to index
          %get3A_623 = arith.index_cast %add3A_565 : i32 to index
          %get3A_624 = arith.constant 64 : index
          %get3A_625 = tpu.vector_load %arg8[%get3A_622, %get3A_623, %get3A_624] {strides = array<i32>} : memref<4x40x256xbf16, #tpu.memory_space<vmem>>, vector<32xbf16>,
          %mul3A_626 = arith.mulf %get3A_621, %get3A_625 : vector<32xbf16>
          %unpack3A_627 = tpu.unpack_subelements %mul3A_626, 0 {pack_format = #tpu.pack_format<interleaved>} : vector<32xbf16> -> vector<16xf32>
          %unpack3A_628 = tpu.unpack_subelements %mul3A_626, 1 {pack_format = #tpu.pack_format<interleaved>} : vector<32xbf16> -> vector<16xf32>
          %add3A_629 = arith.constant 32 : i32
          %add3A_630 = vector.broadcast %add3A_629 : i32 to vector<16xi32>
          %add3A_631 = arith.addi %iota3A, %add3A_630 : vector<16xi32>
          %add3A_632 = arith.addi %gather3A_572, %add3A_631 : vector<16xi32>
          %gather3A_633 = tpu.vector_load_idx %arg6[%add3A_632] : memref<25600xi32, #tpu.memory_space<vmem>>[vector<16xi32>], vector<16xi32>,
          %bitcast3A_634 = vector.bitcast %gather3A_633 : vector<16xi32> to vector<32xbf16>
          %unpack3A_635 = tpu.unpack_subelements %bitcast3A_634, 0 {pack_format = #tpu.pack_format<interleaved>} : vector<32xbf16> -> vector<16xf32>
          %unpack3A_636 = tpu.unpack_subelements %bitcast3A_634, 1 {pack_format = #tpu.pack_format<interleaved>} : vector<32xbf16> -> vector<16xf32>
          %mul3A_637 = arith.mulf %unpack3A_627, %unpack3A_635 : vector<16xf32>
          %mul3A_638 = arith.mulf %unpack3A_628, %unpack3A_636 : vector<16xf32>
          %add3A_639 = arith.addf %mul3A_637, %mul3A_638 : vector<16xf32>
          %add3A_640 = arith.addf %add3A_617, %add3A_639 : vector<16xf32>
          %get3A_641 = arith.index_cast %rem3A_245 : i32 to index
          %get3A_642 = arith.index_cast %add3A_565 : i32 to index
          %get3A_643 = arith.constant 96 : index
          %get3A_644 = tpu.vector_load %arg7[%get3A_641, %get3A_642, %get3A_643] {strides = array<i32>} : memref<4x40x256xbf16, #tpu.memory_space<vmem>>, vector<32xbf16>,
          %get3A_645 = arith.index_cast %rem3A_245 : i32 to index
          %get3A_646 = arith.index_cast %add3A_565 : i32 to index
          %get3A_647 = arith.constant 96 : index
          %get3A_648 = tpu.vector_load %arg8[%get3A_645, %get3A_646, %get3A_647] {strides = array<i32>} : memref<4x40x256xbf16, #tpu.memory_space<vmem>>, vector<32xbf16>,
          %mul3A_649 = arith.mulf %get3A_644, %get3A_648 : vector<32xbf16>
          %unpack3A_650 = tpu.unpack_subelements %mul3A_649, 0 {pack_format = #tpu.pack_format<interleaved>} : vector<32xbf16> -> vector<16xf32>
          %unpack3A_651 = tpu.unpack_subelements %mul3A_649, 1 {pack_format = #tpu.pack_format<interleaved>} : vector<32xbf16> -> vector<16xf32>
          %add3A_652 = arith.constant 48 : i32
          %add3A_653 = vector.broadcast %add3A_652 : i32 to vector<16xi32>
          %add3A_654 = arith.addi %iota3A, %add3A_653 : vector<16xi32>
          %add3A_655 = arith.addi %gather3A_572, %add3A_654 : vector<16xi32>
          %gather3A_656 = tpu.vector_load_idx %arg6[%add3A_655] : memref<25600xi32, #tpu.memory_space<vmem>>[vector<16xi32>], vector<16xi32>,
          %bitcast3A_657 = vector.bitcast %gather3A_656 : vector<16xi32> to vector<32xbf16>
          %unpack3A_658 = tpu.unpack_subelements %bitcast3A_657, 0 {pack_format = #tpu.pack_format<interleaved>} : vector<32xbf16> -> vector<16xf32>
          %unpack3A_659 = tpu.unpack_subelements %bitcast3A_657, 1 {pack_format = #tpu.pack_format<interleaved>} : vector<32xbf16> -> vector<16xf32>
          %mul3A_660 = arith.mulf %unpack3A_650, %unpack3A_658 : vector<16xf32>
          %mul3A_661 = arith.mulf %unpack3A_651, %unpack3A_659 : vector<16xf32>
          %add3A_662 = arith.addf %mul3A_660, %mul3A_661 : vector<16xf32>
          %add3A_663 = arith.addf %add3A_640, %add3A_662 : vector<16xf32>
          %get3A_664 = arith.index_cast %rem3A_245 : i32 to index
          %get3A_665 = arith.index_cast %add3A_565 : i32 to index
          %get3A_666 = arith.constant 128 : index
          %get3A_667 = tpu.vector_load %arg7[%get3A_664, %get3A_665, %get3A_666] {strides = array<i32>} : memref<4x40x256xbf16, #tpu.memory_space<vmem>>, vector<32xbf16>,
          %get3A_668 = arith.index_cast %rem3A_245 : i32 to index
          %get3A_669 = arith.index_cast %add3A_565 : i32 to index
          %get3A_670 = arith.constant 128 : index
          %get3A_671 = tpu.vector_load %arg8[%get3A_668, %get3A_669, %get3A_670] {strides = array<i32>} : memref<4x40x256xbf16, #tpu.memory_space<vmem>>, vector<32xbf16>,
          %mul3A_672 = arith.mulf %get3A_667, %get3A_671 : vector<32xbf16>
          %unpack3A_673 = tpu.unpack_subelements %mul3A_672, 0 {pack_format = #tpu.pack_format<interleaved>} : vector<32xbf16> -> vector<16xf32>
          %unpack3A_674 = tpu.unpack_subelements %mul3A_672, 1 {pack_format = #tpu.pack_format<interleaved>} : vector<32xbf16> -> vector<16xf32>
          %add3A_675 = arith.constant 64 : i32
          %add3A_676 = vector.broadcast %add3A_675 : i32 to vector<16xi32>
          %add3A_677 = arith.addi %iota3A, %add3A_676 : vector<16xi32>
          %add3A_678 = arith.addi %gather3A_572, %add3A_677 : vector<16xi32>
          %gather3A_679 = tpu.vector_load_idx %arg6[%add3A_678] : memref<25600xi32, #tpu.memory_space<vmem>>[vector<16xi32>], vector<16xi32>,
          %bitcast3A_680 = vector.bitcast %gather3A_679 : vector<16xi32> to vector<32xbf16>
          %unpack3A_681 = tpu.unpack_subelements %bitcast3A_680, 0 {pack_format = #tpu.pack_format<interleaved>} : vector<32xbf16> -> vector<16xf32>
          %unpack3A_682 = tpu.unpack_subelements %bitcast3A_680, 1 {pack_format = #tpu.pack_format<interleaved>} : vector<32xbf16> -> vector<16xf32>
          %mul3A_683 = arith.mulf %unpack3A_673, %unpack3A_681 : vector<16xf32>
          %mul3A_684 = arith.mulf %unpack3A_674, %unpack3A_682 : vector<16xf32>
          %add3A_685 = arith.addf %mul3A_683, %mul3A_684 : vector<16xf32>
          %add3A_686 = arith.addf %add3A_663, %add3A_685 : vector<16xf32>
          %get3A_687 = arith.index_cast %rem3A_245 : i32 to index
          %get3A_688 = arith.index_cast %add3A_565 : i32 to index
          %get3A_689 = arith.constant 160 : index
          %get3A_690 = tpu.vector_load %arg7[%get3A_687, %get3A_688, %get3A_689] {strides = array<i32>} : memref<4x40x256xbf16, #tpu.memory_space<vmem>>, vector<32xbf16>,
          %get3A_691 = arith.index_cast %rem3A_245 : i32 to index
          %get3A_692 = arith.index_cast %add3A_565 : i32 to index
          %get3A_693 = arith.constant 160 : index
          %get3A_694 = tpu.vector_load %arg8[%get3A_691, %get3A_692, %get3A_693] {strides = array<i32>} : memref<4x40x256xbf16, #tpu.memory_space<vmem>>, vector<32xbf16>,
          %mul3A_695 = arith.mulf %get3A_690, %get3A_694 : vector<32xbf16>
          %unpack3A_696 = tpu.unpack_subelements %mul3A_695, 0 {pack_format = #tpu.pack_format<interleaved>} : vector<32xbf16> -> vector<16xf32>
          %unpack3A_697 = tpu.unpack_subelements %mul3A_695, 1 {pack_format = #tpu.pack_format<interleaved>} : vector<32xbf16> -> vector<16xf32>
          %add3A_698 = arith.constant 80 : i32
          %add3A_699 = vector.broadcast %add3A_698 : i32 to vector<16xi32>
          %add3A_700 = arith.addi %iota3A, %add3A_699 : vector<16xi32>
          %add3A_701 = arith.addi %gather3A_572, %add3A_700 : vector<16xi32>
          %gather3A_702 = tpu.vector_load_idx %arg6[%add3A_701] : memref<25600xi32, #tpu.memory_space<vmem>>[vector<16xi32>], vector<16xi32>,
          %bitcast3A_703 = vector.bitcast %gather3A_702 : vector<16xi32> to vector<32xbf16>
          %unpack3A_704 = tpu.unpack_subelements %bitcast3A_703, 0 {pack_format = #tpu.pack_format<interleaved>} : vector<32xbf16> -> vector<16xf32>
          %unpack3A_705 = tpu.unpack_subelements %bitcast3A_703, 1 {pack_format = #tpu.pack_format<interleaved>} : vector<32xbf16> -> vector<16xf32>
          %mul3A_706 = arith.mulf %unpack3A_696, %unpack3A_704 : vector<16xf32>
          %mul3A_707 = arith.mulf %unpack3A_697, %unpack3A_705 : vector<16xf32>
          %add3A_708 = arith.addf %mul3A_706, %mul3A_707 : vector<16xf32>
          %add3A_709 = arith.addf %add3A_686, %add3A_708 : vector<16xf32>
          %get3A_710 = arith.index_cast %rem3A_245 : i32 to index
          %get3A_711 = arith.index_cast %add3A_565 : i32 to index
          %get3A_712 = arith.constant 192 : index
          %get3A_713 = tpu.vector_load %arg7[%get3A_710, %get3A_711, %get3A_712] {strides = array<i32>} : memref<4x40x256xbf16, #tpu.memory_space<vmem>>, vector<32xbf16>,
          %get3A_714 = arith.index_cast %rem3A_245 : i32 to index
          %get3A_715 = arith.index_cast %add3A_565 : i32 to index
          %get3A_716 = arith.constant 192 : index
          %get3A_717 = tpu.vector_load %arg8[%get3A_714, %get3A_715, %get3A_716] {strides = array<i32>} : memref<4x40x256xbf16, #tpu.memory_space<vmem>>, vector<32xbf16>,
          %mul3A_718 = arith.mulf %get3A_713, %get3A_717 : vector<32xbf16>
          %unpack3A_719 = tpu.unpack_subelements %mul3A_718, 0 {pack_format = #tpu.pack_format<interleaved>} : vector<32xbf16> -> vector<16xf32>
          %unpack3A_720 = tpu.unpack_subelements %mul3A_718, 1 {pack_format = #tpu.pack_format<interleaved>} : vector<32xbf16> -> vector<16xf32>
          %add3A_721 = arith.constant 96 : i32
          %add3A_722 = vector.broadcast %add3A_721 : i32 to vector<16xi32>
          %add3A_723 = arith.addi %iota3A, %add3A_722 : vector<16xi32>
          %add3A_724 = arith.addi %gather3A_572, %add3A_723 : vector<16xi32>
          %gather3A_725 = tpu.vector_load_idx %arg6[%add3A_724] : memref<25600xi32, #tpu.memory_space<vmem>>[vector<16xi32>], vector<16xi32>,
          %bitcast3A_726 = vector.bitcast %gather3A_725 : vector<16xi32> to vector<32xbf16>
          %unpack3A_727 = tpu.unpack_subelements %bitcast3A_726, 0 {pack_format = #tpu.pack_format<interleaved>} : vector<32xbf16> -> vector<16xf32>
          %unpack3A_728 = tpu.unpack_subelements %bitcast3A_726, 1 {pack_format = #tpu.pack_format<interleaved>} : vector<32xbf16> -> vector<16xf32>
          %mul3A_729 = arith.mulf %unpack3A_719, %unpack3A_727 : vector<16xf32>
          %mul3A_730 = arith.mulf %unpack3A_720, %unpack3A_728 : vector<16xf32>
          %add3A_731 = arith.addf %mul3A_729, %mul3A_730 : vector<16xf32>
          %add3A_732 = arith.addf %add3A_709, %add3A_731 : vector<16xf32>
          %get3A_733 = arith.index_cast %rem3A_245 : i32 to index
          %get3A_734 = arith.index_cast %add3A_565 : i32 to index
          %get3A_735 = arith.constant 224 : index
          %get3A_736 = tpu.vector_load %arg7[%get3A_733, %get3A_734, %get3A_735] {strides = array<i32>} : memref<4x40x256xbf16, #tpu.memory_space<vmem>>, vector<32xbf16>,
          %get3A_737 = arith.index_cast %rem3A_245 : i32 to index
          %get3A_738 = arith.index_cast %add3A_565 : i32 to index
          %get3A_739 = arith.constant 224 : index
          %get3A_740 = tpu.vector_load %arg8[%get3A_737, %get3A_738, %get3A_739] {strides = array<i32>} : memref<4x40x256xbf16, #tpu.memory_space<vmem>>, vector<32xbf16>,
          %mul3A_741 = arith.mulf %get3A_736, %get3A_740 : vector<32xbf16>
          %unpack3A_742 = tpu.unpack_subelements %mul3A_741, 0 {pack_format = #tpu.pack_format<interleaved>} : vector<32xbf16> -> vector<16xf32>
          %unpack3A_743 = tpu.unpack_subelements %mul3A_741, 1 {pack_format = #tpu.pack_format<interleaved>} : vector<32xbf16> -> vector<16xf32>
          %add3A_744 = arith.constant 112 : i32
          %add3A_745 = vector.broadcast %add3A_744 : i32 to vector<16xi32>
          %add3A_746 = arith.addi %iota3A, %add3A_745 : vector<16xi32>
          %add3A_747 = arith.addi %gather3A_572, %add3A_746 : vector<16xi32>
          %gather3A_748 = tpu.vector_load_idx %arg6[%add3A_747] : memref<25600xi32, #tpu.memory_space<vmem>>[vector<16xi32>], vector<16xi32>,
          %bitcast3A_749 = vector.bitcast %gather3A_748 : vector<16xi32> to vector<32xbf16>
          %unpack3A_750 = tpu.unpack_subelements %bitcast3A_749, 0 {pack_format = #tpu.pack_format<interleaved>} : vector<32xbf16> -> vector<16xf32>
          %unpack3A_751 = tpu.unpack_subelements %bitcast3A_749, 1 {pack_format = #tpu.pack_format<interleaved>} : vector<32xbf16> -> vector<16xf32>
          %mul3A_752 = arith.mulf %unpack3A_742, %unpack3A_750 : vector<16xf32>
          %mul3A_753 = arith.mulf %unpack3A_743, %unpack3A_751 : vector<16xf32>
          %add3A_754 = arith.addf %mul3A_752, %mul3A_753 : vector<16xf32>
          %add3A_755 = arith.addf %add3A_732, %add3A_754 : vector<16xf32>
          %cumsum3A_756 = arith.constant true
          %cumsum3A_757 = vector.broadcast %cumsum3A_756 : i1 to vector<16xi1>
          %cumsum3A_758 = tpu.scan <sum>, %add3A_755 masked %cumsum3A_757 : vector<16xf32>, vector<16xi1> -> vector<16xf32>
          %add3A_759 = arith.addi %mul3A_316, %add3A_565 : i32
          %broadcast_in_dim3A_760 = arith.constant 0 : i32
          %broadcast_in_dim3A_761 = vector.broadcast %broadcast_in_dim3A_760 : i32 to vector<16xi32>
          %add3A_762 = vector.broadcast %add3A_759 : i32 to vector<16xi32>
          %add3A_763 = arith.addi %broadcast_in_dim3A_761, %add3A_762 : vector<16xi32>
          tpu.vector_store_idx %arg10[%add3A_763], %cumsum3A_758 masked %eq3A_4 : memref<5000xf32, #tpu.memory_space<vmem>>[vector<16xi32>], vector<16xf32>, vector<16xi1>
        }
      }
      %scan3A_322 = arith.constant 3 : i32
      %add3A_323 = arith.constant 4 : i32
      %add3A_324 = arith.addi %scan3A_244, %add3A_323 : i32
      %add3A_325 = arith.addi %mul3A_2, %add3A_324 : i32
      %dma_start3A_326 = arith.constant 0 : i32
      %dma_start3A_327 = tpu.memref_slice %arg9[%rem3A_245, %dma_start3A_326] : memref<4x120xi32, #tpu.memory_space<vmem>> -> memref<1x120xi32, #tpu.memory_space<vmem>>
      %dma_start3A_328 = tpu.memref_squeeze %dma_start3A_327 : memref<1x120xi32, #tpu.memory_space<vmem>> -> memref<120xi32, #tpu.memory_space<vmem>>
      %dma_start3A_329 = arith.constant 0 : i32
      %dma_start3A_330 = tpu.memref_slice %arg2[%add3A_325, %dma_start3A_329] : memref<4008x120xi32, #tpu.memory_space<hbm>> -> memref<1x120xi32, #tpu.memory_space<hbm>>
      %dma_start3A_331 = tpu.memref_squeeze %dma_start3A_330 : memref<1x120xi32, #tpu.memory_space<hbm>> -> memref<120xi32, #tpu.memory_space<hbm>>
      %dma_start3A_332 = tpu.memref_slice %arg13[%rem3A_245] : memref<4x!tpu.dma_semaphore, #tpu.memory_space<semaphore_mem>> -> memref<1x!tpu.dma_semaphore, #tpu.memory_space<semaphore_mem>>
      %dma_start3A_333 = tpu.memref_squeeze %dma_start3A_332 : memref<1x!tpu.dma_semaphore, #tpu.memory_space<semaphore_mem>> -> memref<!tpu.dma_semaphore, #tpu.memory_space<semaphore_mem>>
      %dma_start3A_334 = arith.constant 0 : i32
      %dma_start3A_335 = tpu.memref_slice %arg9[%rem3A_245, %dma_start3A_334] : memref<4x120xi32, #tpu.memory_space<vmem>> -> memref<1x120xi32, #tpu.memory_space<vmem>>
      %dma_start3A_336 = tpu.memref_squeeze %dma_start3A_335 : memref<1x120xi32, #tpu.memory_space<vmem>> -> memref<120xi32, #tpu.memory_space<vmem>>
      %dma_start3A_337 = arith.constant 0 : i32
      %dma_start3A_338 = tpu.memref_slice %arg2[%add3A_325, %dma_start3A_337] : memref<4008x120xi32, #tpu.memory_space<hbm>> -> memref<1x120xi32, #tpu.memory_space<hbm>>
      %dma_start3A_339 = tpu.memref_squeeze %dma_start3A_338 : memref<1x120xi32, #tpu.memory_space<hbm>> -> memref<120xi32, #tpu.memory_space<hbm>>
      tpu.enqueue_dma source(%dma_start3A_339 : memref<120xi32, #tpu.memory_space<hbm>>) target(%dma_start3A_336 : memref<120xi32, #tpu.memory_space<vmem>>) target_semaphore(%dma_start3A_333 : memref<!tpu.dma_semaphore, #tpu.memory_space<semaphore_mem>>)
    }
    %scan3A_175 = arith.constant 124 : i32
    %dma_wait3A_176 = arith.constant 0 : i32
    %dma_wait3A_177 = arith.constant 0 : i32
    %dma_wait3A_178 = arith.constant 0 : i32
    %dma_wait3A_179 = arith.constant 0 : i32
    %dma_wait3A_180 = arith.constant 0 : i32
    %dma_wait3A_181 = tpu.memref_slice %arg7[%dma_wait3A_177, %dma_wait3A_179, %dma_wait3A_180] : memref<4x40x256xbf16, #tpu.memory_space<vmem>> -> memref<1x40x256xbf16, #tpu.memory_space<vmem>>
    %dma_wait3A_182 = tpu.memref_squeeze %dma_wait3A_181 : memref<1x40x256xbf16, #tpu.memory_space<vmem>> -> memref<40x256xbf16, #tpu.memory_space<vmem>>
    %dma_wait3A_183 = arith.constant 0 : i32
    %dma_wait3A_184 = tpu.memref_slice %arg9[%dma_wait3A_176, %dma_wait3A_183] : memref<4x120xi32, #tpu.memory_space<vmem>> -> memref<1x40xi32, #tpu.memory_space<vmem>>
    %dma_wait3A_185 = tpu.memref_squeeze %dma_wait3A_184 : memref<1x40xi32, #tpu.memory_space<vmem>> -> memref<40xi32, #tpu.memory_space<vmem>>
    %dma_wait3A_186 = arith.constant 0 : i32
    %dma_wait3A_187 = arith.constant 0 : i32
    %dma_wait3A_188 = tpu.memref_slice %arg3[%dma_wait3A_186, %dma_wait3A_187] : memref<10000x256xbf16, #tpu.memory_space<hbm>> -> memref<10000x256xbf16, #tpu.memory_space<hbm>>
    %dma_wait3A_189 = tpu.memref_slice %arg11[%dma_wait3A_178] : memref<4x!tpu.dma_semaphore, #tpu.memory_space<semaphore_mem>> -> memref<1x!tpu.dma_semaphore, #tpu.memory_space<semaphore_mem>>
    %dma_wait3A_190 = tpu.memref_squeeze %dma_wait3A_189 : memref<1x!tpu.dma_semaphore, #tpu.memory_space<semaphore_mem>> -> memref<!tpu.dma_semaphore, #tpu.memory_space<semaphore_mem>>
    tpu.wait_indirect_dma semaphore(%dma_wait3A_190 : memref<!tpu.dma_semaphore, #tpu.memory_space<semaphore_mem>>) src(%dma_wait3A_188 : memref<10000x256xbf16, #tpu.memory_space<hbm>>) dst(%dma_wait3A_182 : memref<40x256xbf16, #tpu.memory_space<vmem>>)
    %dma_wait3A_191 = arith.constant 0 : i32
    %dma_wait3A_192 = arith.constant 0 : i32
    %dma_wait3A_193 = arith.constant 0 : i32
    %dma_wait3A_194 = arith.constant 0 : i32
    %dma_wait3A_195 = arith.constant 0 : i32
    %dma_wait3A_196 = tpu.memref_slice %arg8[%dma_wait3A_192, %dma_wait3A_194, %dma_wait3A_195] : memref<4x40x256xbf16, #tpu.memory_space<vmem>> -> memref<1x40x256xbf16, #tpu.memory_space<vmem>>
    %dma_wait3A_197 = tpu.memref_squeeze %dma_wait3A_196 : memref<1x40x256xbf16, #tpu.memory_space<vmem>> -> memref<40x256xbf16, #tpu.memory_space<vmem>>
    %dma_wait3A_198 = arith.constant 80 : i32
    %dma_wait3A_199 = tpu.memref_slice %arg9[%dma_wait3A_191, %dma_wait3A_198] : memref<4x120xi32, #tpu.memory_space<vmem>> -> memref<1x40xi32, #tpu.memory_space<vmem>>
    %dma_wait3A_200 = tpu.memref_squeeze %dma_wait3A_199 : memref<1x40xi32, #tpu.memory_space<vmem>> -> memref<40xi32, #tpu.memory_space<vmem>>
    %dma_wait3A_201 = arith.constant 0 : i32
    %dma_wait3A_202 = arith.constant 0 : i32
    %dma_wait3A_203 = tpu.memref_slice %arg3[%dma_wait3A_201, %dma_wait3A_202] : memref<10000x256xbf16, #tpu.memory_space<hbm>> -> memref<10000x256xbf16, #tpu.memory_space<hbm>>
    %dma_wait3A_204 = tpu.memref_slice %arg12[%dma_wait3A_193] : memref<4x!tpu.dma_semaphore, #tpu.memory_space<semaphore_mem>> -> memref<1x!tpu.dma_semaphore, #tpu.memory_space<semaphore_mem>>
    %dma_wait3A_205 = tpu.memref_squeeze %dma_wait3A_204 : memref<1x!tpu.dma_semaphore, #tpu.memory_space<semaphore_mem>> -> memref<!tpu.dma_semaphore, #tpu.memory_space<semaphore_mem>>
    tpu.wait_indirect_dma semaphore(%dma_wait3A_205 : memref<!tpu.dma_semaphore, #tpu.memory_space<semaphore_mem>>) src(%dma_wait3A_203 : memref<10000x256xbf16, #tpu.memory_space<hbm>>) dst(%dma_wait3A_197 : memref<40x256xbf16, #tpu.memory_space<vmem>>)
    %scan3A_206 = arith.constant 0 : i32
    %scan3A_207 = arith.constant 0 : i32
    %scan3A_208 = arith.constant 3 : i32
    %scan3A_209 = arith.addi %scan3A_207, %scan3A_208 : i32
    %scan3A_210 = arith.constant 1 : i32
    scf.for %scan3A_244 = %scan3A_207 to %scan3A_209 step %scan3A_210  : i32 {
      %lt3A = arith.constant 2 : i32
      %lt3A_245 = arith.cmpi slt, %scan3A_244, %lt3A : i32
      %select_n3A = arith.constant 4 : i32
      %select_n3A_246 = arith.constant 8 : i32
      %select_n3A_247 = arith.select %lt3A_245, %select_n3A_246, %select_n3A : i32
      %mul3A_248 = arith.constant 16 : i32
      %mul3A_249 = arith.muli %mul3A_248, %scan3A_244 : i32
      %add3A_250 = arith.constant 40 : i32
      %add3A_251 = arith.addi %add3A_250, %mul3A_249 : i32
      %get3A = arith.constant 0 : i32
      %get3A_252 = arith.index_cast %get3A : i32 to index
      %get3A_253 = arith.index_cast %add3A_251 : i32 to index
      %get3A_254 = tpu.vector_load %arg9[%get3A_252, %get3A_253] {strides = array<i32>} : memref<4x120xi32, #tpu.memory_space<vmem>>, vector<16xi32>,
      %rem3A = arith.constant 200 : i32
      %rem3A_255 = vector.broadcast %rem3A : i32 to vector<16xi32>
      %rem3A_256 = arith.remsi %get3A_254, %rem3A_255 : vector<16xi32>
      %mul3A_257 = arith.constant 128 : i32
      %mul3A_258 = vector.broadcast %mul3A_257 : i32 to vector<16xi32>
      %mul3A_259 = arith.muli %rem3A_256, %mul3A_258 : vector<16xi32>
      %while3A = arith.constant 0 : i32
      %while3A_260 = arith.constant 0 : i32
      %while3A_261 = arith.subi %select_n3A_247, %while3A_260 : i32
      %while3A_262 = arith.addi %while3A_260, %while3A_261 : i32
      %while3A_263 = arith.constant 1 : i32
      %while3A_264 = arith.divsi %while3A_261, %while3A_263 : i32
      %while3A_265 = arith.muli %while3A_264, %while3A_263 : i32
      %while3A_266 = arith.addi %while3A_260, %while3A_265 : i32
      %while3A_267 = arith.constant 1 : i32
      scf.for %while3A_269 = %while3A_260 to %while3A_266 step %while3A_267  : i32 {
        %add3A_270 = arith.addi %while3A_269, %select_n3A_247 : i32
        %mul3A_271 = arith.constant 16 : i32
        %mul3A_272 = arith.muli %scan3A_244, %mul3A_271 : i32
        %add3A_273 = arith.addi %mul3A_272, %while3A_269 : i32
        %broadcast_in_dim3A = arith.constant 0 : i32
        %broadcast_in_dim3A_274 = vector.broadcast %broadcast_in_dim3A : i32 to vector<16xi32>
        %add3A_275 = vector.broadcast %while3A_269 : i32 to vector<16xi32>
        %add3A_276 = arith.addi %broadcast_in_dim3A_274, %add3A_275 : vector<16xi32>
        %broadcast_in_dim3A_277 = vector.shape_cast %add3A_276 : vector<16xi32> to vector<16x1xi32>
        %gather3A = vector.shape_cast %broadcast_in_dim3A_277 : vector<16x1xi32> to vector<16xi32>
        %gather3A_278 = tpu.dynamic_gather %mul3A_259[%gather3A] in [0] : vector<16xi32>, vector<16xi32> -> vector<16xi32>
        %get3A_279 = arith.constant 0 : i32
        %get3A_280 = arith.index_cast %get3A_279 : i32 to index
        %get3A_281 = arith.index_cast %add3A_273 : i32 to index
        %get3A_282 = arith.constant 0 : index
        %get3A_283 = tpu.vector_load %arg7[%get3A_280, %get3A_281, %get3A_282] {strides = array<i32>} : memref<4x40x256xbf16, #tpu.memory_space<vmem>>, vector<32xbf16>,
        %get3A_284 = arith.constant 0 : i32
        %get3A_285 = arith.index_cast %get3A_284 : i32 to index
        %get3A_286 = arith.index_cast %add3A_273 : i32 to index
        %get3A_287 = arith.constant 0 : index
        %get3A_288 = tpu.vector_load %arg8[%get3A_285, %get3A_286, %get3A_287] {strides = array<i32>} : memref<4x40x256xbf16, #tpu.memory_space<vmem>>, vector<32xbf16>,
        %mul3A_289 = arith.mulf %get3A_283, %get3A_288 : vector<32xbf16>
        %unpack3A = tpu.unpack_subelements %mul3A_289, 0 {pack_format = #tpu.pack_format<interleaved>} : vector<32xbf16> -> vector<16xf32>
        %unpack3A_290 = tpu.unpack_subelements %mul3A_289, 1 {pack_format = #tpu.pack_format<interleaved>} : vector<32xbf16> -> vector<16xf32>
        %add3A_291 = arith.constant 0 : i32
        %add3A_292 = vector.broadcast %add3A_291 : i32 to vector<16xi32>
        %add3A_293 = arith.addi %iota3A, %add3A_292 : vector<16xi32>
        %add3A_294 = arith.addi %gather3A_278, %add3A_293 : vector<16xi32>
        %gather3A_295 = tpu.vector_load_idx %arg6[%add3A_294] : memref<25600xi32, #tpu.memory_space<vmem>>[vector<16xi32>], vector<16xi32>,
        %bitcast3A = vector.bitcast %gather3A_295 : vector<16xi32> to vector<32xbf16>
        %unpack3A_296 = tpu.unpack_subelements %bitcast3A, 0 {pack_format = #tpu.pack_format<interleaved>} : vector<32xbf16> -> vector<16xf32>
        %unpack3A_297 = tpu.unpack_subelements %bitcast3A, 1 {pack_format = #tpu.pack_format<interleaved>} : vector<32xbf16> -> vector<16xf32>
        %mul3A_298 = arith.mulf %unpack3A, %unpack3A_296 : vector<16xf32>
        %mul3A_299 = arith.mulf %unpack3A_290, %unpack3A_297 : vector<16xf32>
        %add3A_300 = arith.addf %mul3A_298, %mul3A_299 : vector<16xf32>
        %get3A_301 = arith.constant 0 : i32
        %get3A_302 = arith.index_cast %get3A_301 : i32 to index
        %get3A_303 = arith.index_cast %add3A_273 : i32 to index
        %get3A_304 = arith.constant 32 : index
        %get3A_305 = tpu.vector_load %arg7[%get3A_302, %get3A_303, %get3A_304] {strides = array<i32>} : memref<4x40x256xbf16, #tpu.memory_space<vmem>>, vector<32xbf16>,
        %get3A_306 = arith.constant 0 : i32
        %get3A_307 = arith.index_cast %get3A_306 : i32 to index
        %get3A_308 = arith.index_cast %add3A_273 : i32 to index
        %get3A_309 = arith.constant 32 : index
        %get3A_310 = tpu.vector_load %arg8[%get3A_307, %get3A_308, %get3A_309] {strides = array<i32>} : memref<4x40x256xbf16, #tpu.memory_space<vmem>>, vector<32xbf16>,
        %mul3A_311 = arith.mulf %get3A_305, %get3A_310 : vector<32xbf16>
        %unpack3A_312 = tpu.unpack_subelements %mul3A_311, 0 {pack_format = #tpu.pack_format<interleaved>} : vector<32xbf16> -> vector<16xf32>
        %unpack3A_313 = tpu.unpack_subelements %mul3A_311, 1 {pack_format = #tpu.pack_format<interleaved>} : vector<32xbf16> -> vector<16xf32>
        %add3A_314 = arith.constant 16 : i32
        %add3A_315 = vector.broadcast %add3A_314 : i32 to vector<16xi32>
        %add3A_316 = arith.addi %iota3A, %add3A_315 : vector<16xi32>
        %add3A_317 = arith.addi %gather3A_278, %add3A_316 : vector<16xi32>
        %gather3A_318 = tpu.vector_load_idx %arg6[%add3A_317] : memref<25600xi32, #tpu.memory_space<vmem>>[vector<16xi32>], vector<16xi32>,
        %bitcast3A_319 = vector.bitcast %gather3A_318 : vector<16xi32> to vector<32xbf16>
        %unpack3A_320 = tpu.unpack_subelements %bitcast3A_319, 0 {pack_format = #tpu.pack_format<interleaved>} : vector<32xbf16> -> vector<16xf32>
        %unpack3A_321 = tpu.unpack_subelements %bitcast3A_319, 1 {pack_format = #tpu.pack_format<interleaved>} : vector<32xbf16> -> vector<16xf32>
        %mul3A_322 = arith.mulf %unpack3A_312, %unpack3A_320 : vector<16xf32>
        %mul3A_323 = arith.mulf %unpack3A_313, %unpack3A_321 : vector<16xf32>
        %add3A_324 = arith.addf %mul3A_322, %mul3A_323 : vector<16xf32>
        %add3A_325 = arith.addf %add3A_300, %add3A_324 : vector<16xf32>
        %get3A_326 = arith.constant 0 : i32
        %get3A_327 = arith.index_cast %get3A_326 : i32 to index
        %get3A_328 = arith.index_cast %add3A_273 : i32 to index
        %get3A_329 = arith.constant 64 : index
        %get3A_330 = tpu.vector_load %arg7[%get3A_327, %get3A_328, %get3A_329] {strides = array<i32>} : memref<4x40x256xbf16, #tpu.memory_space<vmem>>, vector<32xbf16>,
        %get3A_331 = arith.constant 0 : i32
        %get3A_332 = arith.index_cast %get3A_331 : i32 to index
        %get3A_333 = arith.index_cast %add3A_273 : i32 to index
        %get3A_334 = arith.constant 64 : index
        %get3A_335 = tpu.vector_load %arg8[%get3A_332, %get3A_333, %get3A_334] {strides = array<i32>} : memref<4x40x256xbf16, #tpu.memory_space<vmem>>, vector<32xbf16>,
        %mul3A_336 = arith.mulf %get3A_330, %get3A_335 : vector<32xbf16>
        %unpack3A_337 = tpu.unpack_subelements %mul3A_336, 0 {pack_format = #tpu.pack_format<interleaved>} : vector<32xbf16> -> vector<16xf32>
        %unpack3A_338 = tpu.unpack_subelements %mul3A_336, 1 {pack_format = #tpu.pack_format<interleaved>} : vector<32xbf16> -> vector<16xf32>
        %add3A_339 = arith.constant 32 : i32
        %add3A_340 = vector.broadcast %add3A_339 : i32 to vector<16xi32>
        %add3A_341 = arith.addi %iota3A, %add3A_340 : vector<16xi32>
        %add3A_342 = arith.addi %gather3A_278, %add3A_341 : vector<16xi32>
        %gather3A_343 = tpu.vector_load_idx %arg6[%add3A_342] : memref<25600xi32, #tpu.memory_space<vmem>>[vector<16xi32>], vector<16xi32>,
        %bitcast3A_344 = vector.bitcast %gather3A_343 : vector<16xi32> to vector<32xbf16>
        %unpack3A_345 = tpu.unpack_subelements %bitcast3A_344, 0 {pack_format = #tpu.pack_format<interleaved>} : vector<32xbf16> -> vector<16xf32>
        %unpack3A_346 = tpu.unpack_subelements %bitcast3A_344, 1 {pack_format = #tpu.pack_format<interleaved>} : vector<32xbf16> -> vector<16xf32>
        %mul3A_347 = arith.mulf %unpack3A_337, %unpack3A_345 : vector<16xf32>
        %mul3A_348 = arith.mulf %unpack3A_338, %unpack3A_346 : vector<16xf32>
        %add3A_349 = arith.addf %mul3A_347, %mul3A_348 : vector<16xf32>
        %add3A_350 = arith.addf %add3A_325, %add3A_349 : vector<16xf32>
        %get3A_351 = arith.constant 0 : i32
        %get3A_352 = arith.index_cast %get3A_351 : i32 to index
        %get3A_353 = arith.index_cast %add3A_273 : i32 to index
        %get3A_354 = arith.constant 96 : index
        %get3A_355 = tpu.vector_load %arg7[%get3A_352, %get3A_353, %get3A_354] {strides = array<i32>} : memref<4x40x256xbf16, #tpu.memory_space<vmem>>, vector<32xbf16>,
        %get3A_356 = arith.constant 0 : i32
        %get3A_357 = arith.index_cast %get3A_356 : i32 to index
        %get3A_358 = arith.index_cast %add3A_273 : i32 to index
        %get3A_359 = arith.constant 96 : index
        %get3A_360 = tpu.vector_load %arg8[%get3A_357, %get3A_358, %get3A_359] {strides = array<i32>} : memref<4x40x256xbf16, #tpu.memory_space<vmem>>, vector<32xbf16>,
        %mul3A_361 = arith.mulf %get3A_355, %get3A_360 : vector<32xbf16>
        %unpack3A_362 = tpu.unpack_subelements %mul3A_361, 0 {pack_format = #tpu.pack_format<interleaved>} : vector<32xbf16> -> vector<16xf32>
        %unpack3A_363 = tpu.unpack_subelements %mul3A_361, 1 {pack_format = #tpu.pack_format<interleaved>} : vector<32xbf16> -> vector<16xf32>
        %add3A_364 = arith.constant 48 : i32
        %add3A_365 = vector.broadcast %add3A_364 : i32 to vector<16xi32>
        %add3A_366 = arith.addi %iota3A, %add3A_365 : vector<16xi32>
        %add3A_367 = arith.addi %gather3A_278, %add3A_366 : vector<16xi32>
        %gather3A_368 = tpu.vector_load_idx %arg6[%add3A_367] : memref<25600xi32, #tpu.memory_space<vmem>>[vector<16xi32>], vector<16xi32>,
        %bitcast3A_369 = vector.bitcast %gather3A_368 : vector<16xi32> to vector<32xbf16>
        %unpack3A_370 = tpu.unpack_subelements %bitcast3A_369, 0 {pack_format = #tpu.pack_format<interleaved>} : vector<32xbf16> -> vector<16xf32>
        %unpack3A_371 = tpu.unpack_subelements %bitcast3A_369, 1 {pack_format = #tpu.pack_format<interleaved>} : vector<32xbf16> -> vector<16xf32>
        %mul3A_372 = arith.mulf %unpack3A_362, %unpack3A_370 : vector<16xf32>
        %mul3A_373 = arith.mulf %unpack3A_363, %unpack3A_371 : vector<16xf32>
        %add3A_374 = arith.addf %mul3A_372, %mul3A_373 : vector<16xf32>
        %add3A_375 = arith.addf %add3A_350, %add3A_374 : vector<16xf32>
        %get3A_376 = arith.constant 0 : i32
        %get3A_377 = arith.index_cast %get3A_376 : i32 to index
        %get3A_378 = arith.index_cast %add3A_273 : i32 to index
        %get3A_379 = arith.constant 128 : index
        %get3A_380 = tpu.vector_load %arg7[%get3A_377, %get3A_378, %get3A_379] {strides = array<i32>} : memref<4x40x256xbf16, #tpu.memory_space<vmem>>, vector<32xbf16>,
        %get3A_381 = arith.constant 0 : i32
        %get3A_382 = arith.index_cast %get3A_381 : i32 to index
        %get3A_383 = arith.index_cast %add3A_273 : i32 to index
        %get3A_384 = arith.constant 128 : index
        %get3A_385 = tpu.vector_load %arg8[%get3A_382, %get3A_383, %get3A_384] {strides = array<i32>} : memref<4x40x256xbf16, #tpu.memory_space<vmem>>, vector<32xbf16>,
        %mul3A_386 = arith.mulf %get3A_380, %get3A_385 : vector<32xbf16>
        %unpack3A_387 = tpu.unpack_subelements %mul3A_386, 0 {pack_format = #tpu.pack_format<interleaved>} : vector<32xbf16> -> vector<16xf32>
        %unpack3A_388 = tpu.unpack_subelements %mul3A_386, 1 {pack_format = #tpu.pack_format<interleaved>} : vector<32xbf16> -> vector<16xf32>
        %add3A_389 = arith.constant 64 : i32
        %add3A_390 = vector.broadcast %add3A_389 : i32 to vector<16xi32>
        %add3A_391 = arith.addi %iota3A, %add3A_390 : vector<16xi32>
        %add3A_392 = arith.addi %gather3A_278, %add3A_391 : vector<16xi32>
        %gather3A_393 = tpu.vector_load_idx %arg6[%add3A_392] : memref<25600xi32, #tpu.memory_space<vmem>>[vector<16xi32>], vector<16xi32>,
        %bitcast3A_394 = vector.bitcast %gather3A_393 : vector<16xi32> to vector<32xbf16>
        %unpack3A_395 = tpu.unpack_subelements %bitcast3A_394, 0 {pack_format = #tpu.pack_format<interleaved>} : vector<32xbf16> -> vector<16xf32>
        %unpack3A_396 = tpu.unpack_subelements %bitcast3A_394, 1 {pack_format = #tpu.pack_format<interleaved>} : vector<32xbf16> -> vector<16xf32>
        %mul3A_397 = arith.mulf %unpack3A_387, %unpack3A_395 : vector<16xf32>
        %mul3A_398 = arith.mulf %unpack3A_388, %unpack3A_396 : vector<16xf32>
        %add3A_399 = arith.addf %mul3A_397, %mul3A_398 : vector<16xf32>
        %add3A_400 = arith.addf %add3A_375, %add3A_399 : vector<16xf32>
        %get3A_401 = arith.constant 0 : i32
        %get3A_402 = arith.index_cast %get3A_401 : i32 to index
        %get3A_403 = arith.index_cast %add3A_273 : i32 to index
        %get3A_404 = arith.constant 160 : index
        %get3A_405 = tpu.vector_load %arg7[%get3A_402, %get3A_403, %get3A_404] {strides = array<i32>} : memref<4x40x256xbf16, #tpu.memory_space<vmem>>, vector<32xbf16>,
        %get3A_406 = arith.constant 0 : i32
        %get3A_407 = arith.index_cast %get3A_406 : i32 to index
        %get3A_408 = arith.index_cast %add3A_273 : i32 to index
        %get3A_409 = arith.constant 160 : index
        %get3A_410 = tpu.vector_load %arg8[%get3A_407, %get3A_408, %get3A_409] {strides = array<i32>} : memref<4x40x256xbf16, #tpu.memory_space<vmem>>, vector<32xbf16>,
        %mul3A_411 = arith.mulf %get3A_405, %get3A_410 : vector<32xbf16>
        %unpack3A_412 = tpu.unpack_subelements %mul3A_411, 0 {pack_format = #tpu.pack_format<interleaved>} : vector<32xbf16> -> vector<16xf32>
        %unpack3A_413 = tpu.unpack_subelements %mul3A_411, 1 {pack_format = #tpu.pack_format<interleaved>} : vector<32xbf16> -> vector<16xf32>
        %add3A_414 = arith.constant 80 : i32
        %add3A_415 = vector.broadcast %add3A_414 : i32 to vector<16xi32>
        %add3A_416 = arith.addi %iota3A, %add3A_415 : vector<16xi32>
        %add3A_417 = arith.addi %gather3A_278, %add3A_416 : vector<16xi32>
        %gather3A_418 = tpu.vector_load_idx %arg6[%add3A_417] : memref<25600xi32, #tpu.memory_space<vmem>>[vector<16xi32>], vector<16xi32>,
        %bitcast3A_419 = vector.bitcast %gather3A_418 : vector<16xi32> to vector<32xbf16>
        %unpack3A_420 = tpu.unpack_subelements %bitcast3A_419, 0 {pack_format = #tpu.pack_format<interleaved>} : vector<32xbf16> -> vector<16xf32>
        %unpack3A_421 = tpu.unpack_subelements %bitcast3A_419, 1 {pack_format = #tpu.pack_format<interleaved>} : vector<32xbf16> -> vector<16xf32>
        %mul3A_422 = arith.mulf %unpack3A_412, %unpack3A_420 : vector<16xf32>
        %mul3A_423 = arith.mulf %unpack3A_413, %unpack3A_421 : vector<16xf32>
        %add3A_424 = arith.addf %mul3A_422, %mul3A_423 : vector<16xf32>
        %add3A_425 = arith.addf %add3A_400, %add3A_424 : vector<16xf32>
        %get3A_426 = arith.constant 0 : i32
        %get3A_427 = arith.index_cast %get3A_426 : i32 to index
        %get3A_428 = arith.index_cast %add3A_273 : i32 to index
        %get3A_429 = arith.constant 192 : index
        %get3A_430 = tpu.vector_load %arg7[%get3A_427, %get3A_428, %get3A_429] {strides = array<i32>} : memref<4x40x256xbf16, #tpu.memory_space<vmem>>, vector<32xbf16>,
        %get3A_431 = arith.constant 0 : i32
        %get3A_432 = arith.index_cast %get3A_431 : i32 to index
        %get3A_433 = arith.index_cast %add3A_273 : i32 to index
        %get3A_434 = arith.constant 192 : index
        %get3A_435 = tpu.vector_load %arg8[%get3A_432, %get3A_433, %get3A_434] {strides = array<i32>} : memref<4x40x256xbf16, #tpu.memory_space<vmem>>, vector<32xbf16>,
        %mul3A_436 = arith.mulf %get3A_430, %get3A_435 : vector<32xbf16>
        %unpack3A_437 = tpu.unpack_subelements %mul3A_436, 0 {pack_format = #tpu.pack_format<interleaved>} : vector<32xbf16> -> vector<16xf32>
        %unpack3A_438 = tpu.unpack_subelements %mul3A_436, 1 {pack_format = #tpu.pack_format<interleaved>} : vector<32xbf16> -> vector<16xf32>
        %add3A_439 = arith.constant 96 : i32
        %add3A_440 = vector.broadcast %add3A_439 : i32 to vector<16xi32>
        %add3A_441 = arith.addi %iota3A, %add3A_440 : vector<16xi32>
        %add3A_442 = arith.addi %gather3A_278, %add3A_441 : vector<16xi32>
        %gather3A_443 = tpu.vector_load_idx %arg6[%add3A_442] : memref<25600xi32, #tpu.memory_space<vmem>>[vector<16xi32>], vector<16xi32>,
        %bitcast3A_444 = vector.bitcast %gather3A_443 : vector<16xi32> to vector<32xbf16>
        %unpack3A_445 = tpu.unpack_subelements %bitcast3A_444, 0 {pack_format = #tpu.pack_format<interleaved>} : vector<32xbf16> -> vector<16xf32>
        %unpack3A_446 = tpu.unpack_subelements %bitcast3A_444, 1 {pack_format = #tpu.pack_format<interleaved>} : vector<32xbf16> -> vector<16xf32>
        %mul3A_447 = arith.mulf %unpack3A_437, %unpack3A_445 : vector<16xf32>
        %mul3A_448 = arith.mulf %unpack3A_438, %unpack3A_446 : vector<16xf32>
        %add3A_449 = arith.addf %mul3A_447, %mul3A_448 : vector<16xf32>
        %add3A_450 = arith.addf %add3A_425, %add3A_449 : vector<16xf32>
        %get3A_451 = arith.constant 0 : i32
        %get3A_452 = arith.index_cast %get3A_451 : i32 to index
        %get3A_453 = arith.index_cast %add3A_273 : i32 to index
        %get3A_454 = arith.constant 224 : index
        %get3A_455 = tpu.vector_load %arg7[%get3A_452, %get3A_453, %get3A_454] {strides = array<i32>} : memref<4x40x256xbf16, #tpu.memory_space<vmem>>, vector<32xbf16>,
        %get3A_456 = arith.constant 0 : i32
        %get3A_457 = arith.index_cast %get3A_456 : i32 to index
        %get3A_458 = arith.index_cast %add3A_273 : i32 to index
        %get3A_459 = arith.constant 224 : index
        %get3A_460 = tpu.vector_load %arg8[%get3A_457, %get3A_458, %get3A_459] {strides = array<i32>} : memref<4x40x256xbf16, #tpu.memory_space<vmem>>, vector<32xbf16>,
        %mul3A_461 = arith.mulf %get3A_455, %get3A_460 : vector<32xbf16>
        %unpack3A_462 = tpu.unpack_subelements %mul3A_461, 0 {pack_format = #tpu.pack_format<interleaved>} : vector<32xbf16> -> vector<16xf32>
        %unpack3A_463 = tpu.unpack_subelements %mul3A_461, 1 {pack_format = #tpu.pack_format<interleaved>} : vector<32xbf16> -> vector<16xf32>
        %add3A_464 = arith.constant 112 : i32
        %add3A_465 = vector.broadcast %add3A_464 : i32 to vector<16xi32>
        %add3A_466 = arith.addi %iota3A, %add3A_465 : vector<16xi32>
        %add3A_467 = arith.addi %gather3A_278, %add3A_466 : vector<16xi32>
        %gather3A_468 = tpu.vector_load_idx %arg6[%add3A_467] : memref<25600xi32, #tpu.memory_space<vmem>>[vector<16xi32>], vector<16xi32>,
        %bitcast3A_469 = vector.bitcast %gather3A_468 : vector<16xi32> to vector<32xbf16>
        %unpack3A_470 = tpu.unpack_subelements %bitcast3A_469, 0 {pack_format = #tpu.pack_format<interleaved>} : vector<32xbf16> -> vector<16xf32>
        %unpack3A_471 = tpu.unpack_subelements %bitcast3A_469, 1 {pack_format = #tpu.pack_format<interleaved>} : vector<32xbf16> -> vector<16xf32>
        %mul3A_472 = arith.mulf %unpack3A_462, %unpack3A_470 : vector<16xf32>
        %mul3A_473 = arith.mulf %unpack3A_463, %unpack3A_471 : vector<16xf32>
        %add3A_474 = arith.addf %mul3A_472, %mul3A_473 : vector<16xf32>
        %add3A_475 = arith.addf %add3A_450, %add3A_474 : vector<16xf32>
        %cumsum3A = arith.constant true
        %cumsum3A_476 = vector.broadcast %cumsum3A : i1 to vector<16xi1>
        %cumsum3A_477 = tpu.scan <sum>, %add3A_475 masked %cumsum3A_476 : vector<16xf32>, vector<16xi1> -> vector<16xf32>
        %add3A_478 = arith.constant 4960 : i32
        %add3A_479 = arith.addi %add3A_478, %add3A_273 : i32
        %broadcast_in_dim3A_480 = arith.constant 0 : i32
        %broadcast_in_dim3A_481 = vector.broadcast %broadcast_in_dim3A_480 : i32 to vector<16xi32>
        %add3A_482 = vector.broadcast %add3A_479 : i32 to vector<16xi32>
        %add3A_483 = arith.addi %broadcast_in_dim3A_481, %add3A_482 : vector<16xi32>
        tpu.vector_store_idx %arg10[%add3A_483], %cumsum3A_477 masked %eq3A_4 : memref<5000xf32, #tpu.memory_space<vmem>>[vector<16xi32>], vector<16xf32>, vector<16xi1>
        %mul3A_484 = arith.constant 16 : i32
        %mul3A_485 = arith.muli %scan3A_244, %mul3A_484 : i32
        %add3A_486 = arith.addi %mul3A_485, %add3A_270 : i32
        %broadcast_in_dim3A_487 = arith.constant 0 : i32
        %broadcast_in_dim3A_488 = vector.broadcast %broadcast_in_dim3A_487 : i32 to vector<16xi32>
        %add3A_489 = vector.broadcast %add3A_270 : i32 to vector<16xi32>
        %add3A_490 = arith.addi %broadcast_in_dim3A_488, %add3A_489 : vector<16xi32>
        %broadcast_in_dim3A_491 = vector.shape_cast %add3A_490 : vector<16xi32> to vector<16x1xi32>
        %gather3A_492 = vector.shape_cast %broadcast_in_dim3A_491 : vector<16x1xi32> to vector<16xi32>
        %gather3A_493 = tpu.dynamic_gather %mul3A_259[%gather3A_492] in [0] : vector<16xi32>, vector<16xi32> -> vector<16xi32>
        %get3A_494 = arith.constant 0 : i32
        %get3A_495 = arith.index_cast %get3A_494 : i32 to index
        %get3A_496 = arith.index_cast %add3A_486 : i32 to index
        %get3A_497 = arith.constant 0 : index
        %get3A_498 = tpu.vector_load %arg7[%get3A_495, %get3A_496, %get3A_497] {strides = array<i32>} : memref<4x40x256xbf16, #tpu.memory_space<vmem>>, vector<32xbf16>,
        %get3A_499 = arith.constant 0 : i32
        %get3A_500 = arith.index_cast %get3A_499 : i32 to index
        %get3A_501 = arith.index_cast %add3A_486 : i32 to index
        %get3A_502 = arith.constant 0 : index
        %get3A_503 = tpu.vector_load %arg8[%get3A_500, %get3A_501, %get3A_502] {strides = array<i32>} : memref<4x40x256xbf16, #tpu.memory_space<vmem>>, vector<32xbf16>,
        %mul3A_504 = arith.mulf %get3A_498, %get3A_503 : vector<32xbf16>
        %unpack3A_505 = tpu.unpack_subelements %mul3A_504, 0 {pack_format = #tpu.pack_format<interleaved>} : vector<32xbf16> -> vector<16xf32>
        %unpack3A_506 = tpu.unpack_subelements %mul3A_504, 1 {pack_format = #tpu.pack_format<interleaved>} : vector<32xbf16> -> vector<16xf32>
        %add3A_507 = arith.constant 0 : i32
        %add3A_508 = vector.broadcast %add3A_507 : i32 to vector<16xi32>
        %add3A_509 = arith.addi %iota3A, %add3A_508 : vector<16xi32>
        %add3A_510 = arith.addi %gather3A_493, %add3A_509 : vector<16xi32>
        %gather3A_511 = tpu.vector_load_idx %arg6[%add3A_510] : memref<25600xi32, #tpu.memory_space<vmem>>[vector<16xi32>], vector<16xi32>,
        %bitcast3A_512 = vector.bitcast %gather3A_511 : vector<16xi32> to vector<32xbf16>
        %unpack3A_513 = tpu.unpack_subelements %bitcast3A_512, 0 {pack_format = #tpu.pack_format<interleaved>} : vector<32xbf16> -> vector<16xf32>
        %unpack3A_514 = tpu.unpack_subelements %bitcast3A_512, 1 {pack_format = #tpu.pack_format<interleaved>} : vector<32xbf16> -> vector<16xf32>
        %mul3A_515 = arith.mulf %unpack3A_505, %unpack3A_513 : vector<16xf32>
        %mul3A_516 = arith.mulf %unpack3A_506, %unpack3A_514 : vector<16xf32>
        %add3A_517 = arith.addf %mul3A_515, %mul3A_516 : vector<16xf32>
        %get3A_518 = arith.constant 0 : i32
        %get3A_519 = arith.index_cast %get3A_518 : i32 to index
        %get3A_520 = arith.index_cast %add3A_486 : i32 to index
        %get3A_521 = arith.constant 32 : index
        %get3A_522 = tpu.vector_load %arg7[%get3A_519, %get3A_520, %get3A_521] {strides = array<i32>} : memref<4x40x256xbf16, #tpu.memory_space<vmem>>, vector<32xbf16>,
        %get3A_523 = arith.constant 0 : i32
        %get3A_524 = arith.index_cast %get3A_523 : i32 to index
        %get3A_525 = arith.index_cast %add3A_486 : i32 to index
        %get3A_526 = arith.constant 32 : index
        %get3A_527 = tpu.vector_load %arg8[%get3A_524, %get3A_525, %get3A_526] {strides = array<i32>} : memref<4x40x256xbf16, #tpu.memory_space<vmem>>, vector<32xbf16>,
        %mul3A_528 = arith.mulf %get3A_522, %get3A_527 : vector<32xbf16>
        %unpack3A_529 = tpu.unpack_subelements %mul3A_528, 0 {pack_format = #tpu.pack_format<interleaved>} : vector<32xbf16> -> vector<16xf32>
        %unpack3A_530 = tpu.unpack_subelements %mul3A_528, 1 {pack_format = #tpu.pack_format<interleaved>} : vector<32xbf16> -> vector<16xf32>
        %add3A_531 = arith.constant 16 : i32
        %add3A_532 = vector.broadcast %add3A_531 : i32 to vector<16xi32>
        %add3A_533 = arith.addi %iota3A, %add3A_532 : vector<16xi32>
        %add3A_534 = arith.addi %gather3A_493, %add3A_533 : vector<16xi32>
        %gather3A_535 = tpu.vector_load_idx %arg6[%add3A_534] : memref<25600xi32, #tpu.memory_space<vmem>>[vector<16xi32>], vector<16xi32>,
        %bitcast3A_536 = vector.bitcast %gather3A_535 : vector<16xi32> to vector<32xbf16>
        %unpack3A_537 = tpu.unpack_subelements %bitcast3A_536, 0 {pack_format = #tpu.pack_format<interleaved>} : vector<32xbf16> -> vector<16xf32>
        %unpack3A_538 = tpu.unpack_subelements %bitcast3A_536, 1 {pack_format = #tpu.pack_format<interleaved>} : vector<32xbf16> -> vector<16xf32>
        %mul3A_539 = arith.mulf %unpack3A_529, %unpack3A_537 : vector<16xf32>
        %mul3A_540 = arith.mulf %unpack3A_530, %unpack3A_538 : vector<16xf32>
        %add3A_541 = arith.addf %mul3A_539, %mul3A_540 : vector<16xf32>
        %add3A_542 = arith.addf %add3A_517, %add3A_541 : vector<16xf32>
        %get3A_543 = arith.constant 0 : i32
        %get3A_544 = arith.index_cast %get3A_543 : i32 to index
        %get3A_545 = arith.index_cast %add3A_486 : i32 to index
        %get3A_546 = arith.constant 64 : index
        %get3A_547 = tpu.vector_load %arg7[%get3A_544, %get3A_545, %get3A_546] {strides = array<i32>} : memref<4x40x256xbf16, #tpu.memory_space<vmem>>, vector<32xbf16>,
        %get3A_548 = arith.constant 0 : i32
        %get3A_549 = arith.index_cast %get3A_548 : i32 to index
        %get3A_550 = arith.index_cast %add3A_486 : i32 to index
        %get3A_551 = arith.constant 64 : index
        %get3A_552 = tpu.vector_load %arg8[%get3A_549, %get3A_550, %get3A_551] {strides = array<i32>} : memref<4x40x256xbf16, #tpu.memory_space<vmem>>, vector<32xbf16>,
        %mul3A_553 = arith.mulf %get3A_547, %get3A_552 : vector<32xbf16>
        %unpack3A_554 = tpu.unpack_subelements %mul3A_553, 0 {pack_format = #tpu.pack_format<interleaved>} : vector<32xbf16> -> vector<16xf32>
        %unpack3A_555 = tpu.unpack_subelements %mul3A_553, 1 {pack_format = #tpu.pack_format<interleaved>} : vector<32xbf16> -> vector<16xf32>
        %add3A_556 = arith.constant 32 : i32
        %add3A_557 = vector.broadcast %add3A_556 : i32 to vector<16xi32>
        %add3A_558 = arith.addi %iota3A, %add3A_557 : vector<16xi32>
        %add3A_559 = arith.addi %gather3A_493, %add3A_558 : vector<16xi32>
        %gather3A_560 = tpu.vector_load_idx %arg6[%add3A_559] : memref<25600xi32, #tpu.memory_space<vmem>>[vector<16xi32>], vector<16xi32>,
        %bitcast3A_561 = vector.bitcast %gather3A_560 : vector<16xi32> to vector<32xbf16>
        %unpack3A_562 = tpu.unpack_subelements %bitcast3A_561, 0 {pack_format = #tpu.pack_format<interleaved>} : vector<32xbf16> -> vector<16xf32>
        %unpack3A_563 = tpu.unpack_subelements %bitcast3A_561, 1 {pack_format = #tpu.pack_format<interleaved>} : vector<32xbf16> -> vector<16xf32>
        %mul3A_564 = arith.mulf %unpack3A_554, %unpack3A_562 : vector<16xf32>
        %mul3A_565 = arith.mulf %unpack3A_555, %unpack3A_563 : vector<16xf32>
        %add3A_566 = arith.addf %mul3A_564, %mul3A_565 : vector<16xf32>
        %add3A_567 = arith.addf %add3A_542, %add3A_566 : vector<16xf32>
        %get3A_568 = arith.constant 0 : i32
        %get3A_569 = arith.index_cast %get3A_568 : i32 to index
        %get3A_570 = arith.index_cast %add3A_486 : i32 to index
        %get3A_571 = arith.constant 96 : index
        %get3A_572 = tpu.vector_load %arg7[%get3A_569, %get3A_570, %get3A_571] {strides = array<i32>} : memref<4x40x256xbf16, #tpu.memory_space<vmem>>, vector<32xbf16>,
        %get3A_573 = arith.constant 0 : i32
        %get3A_574 = arith.index_cast %get3A_573 : i32 to index
        %get3A_575 = arith.index_cast %add3A_486 : i32 to index
        %get3A_576 = arith.constant 96 : index
        %get3A_577 = tpu.vector_load %arg8[%get3A_574, %get3A_575, %get3A_576] {strides = array<i32>} : memref<4x40x256xbf16, #tpu.memory_space<vmem>>, vector<32xbf16>,
        %mul3A_578 = arith.mulf %get3A_572, %get3A_577 : vector<32xbf16>
        %unpack3A_579 = tpu.unpack_subelements %mul3A_578, 0 {pack_format = #tpu.pack_format<interleaved>} : vector<32xbf16> -> vector<16xf32>
        %unpack3A_580 = tpu.unpack_subelements %mul3A_578, 1 {pack_format = #tpu.pack_format<interleaved>} : vector<32xbf16> -> vector<16xf32>
        %add3A_581 = arith.constant 48 : i32
        %add3A_582 = vector.broadcast %add3A_581 : i32 to vector<16xi32>
        %add3A_583 = arith.addi %iota3A, %add3A_582 : vector<16xi32>
        %add3A_584 = arith.addi %gather3A_493, %add3A_583 : vector<16xi32>
        %gather3A_585 = tpu.vector_load_idx %arg6[%add3A_584] : memref<25600xi32, #tpu.memory_space<vmem>>[vector<16xi32>], vector<16xi32>,
        %bitcast3A_586 = vector.bitcast %gather3A_585 : vector<16xi32> to vector<32xbf16>
        %unpack3A_587 = tpu.unpack_subelements %bitcast3A_586, 0 {pack_format = #tpu.pack_format<interleaved>} : vector<32xbf16> -> vector<16xf32>
        %unpack3A_588 = tpu.unpack_subelements %bitcast3A_586, 1 {pack_format = #tpu.pack_format<interleaved>} : vector<32xbf16> -> vector<16xf32>
        %mul3A_589 = arith.mulf %unpack3A_579, %unpack3A_587 : vector<16xf32>
        %mul3A_590 = arith.mulf %unpack3A_580, %unpack3A_588 : vector<16xf32>
        %add3A_591 = arith.addf %mul3A_589, %mul3A_590 : vector<16xf32>
        %add3A_592 = arith.addf %add3A_567, %add3A_591 : vector<16xf32>
        %get3A_593 = arith.constant 0 : i32
        %get3A_594 = arith.index_cast %get3A_593 : i32 to index
        %get3A_595 = arith.index_cast %add3A_486 : i32 to index
        %get3A_596 = arith.constant 128 : index
        %get3A_597 = tpu.vector_load %arg7[%get3A_594, %get3A_595, %get3A_596] {strides = array<i32>} : memref<4x40x256xbf16, #tpu.memory_space<vmem>>, vector<32xbf16>,
        %get3A_598 = arith.constant 0 : i32
        %get3A_599 = arith.index_cast %get3A_598 : i32 to index
        %get3A_600 = arith.index_cast %add3A_486 : i32 to index
        %get3A_601 = arith.constant 128 : index
        %get3A_602 = tpu.vector_load %arg8[%get3A_599, %get3A_600, %get3A_601] {strides = array<i32>} : memref<4x40x256xbf16, #tpu.memory_space<vmem>>, vector<32xbf16>,
        %mul3A_603 = arith.mulf %get3A_597, %get3A_602 : vector<32xbf16>
        %unpack3A_604 = tpu.unpack_subelements %mul3A_603, 0 {pack_format = #tpu.pack_format<interleaved>} : vector<32xbf16> -> vector<16xf32>
        %unpack3A_605 = tpu.unpack_subelements %mul3A_603, 1 {pack_format = #tpu.pack_format<interleaved>} : vector<32xbf16> -> vector<16xf32>
        %add3A_606 = arith.constant 64 : i32
        %add3A_607 = vector.broadcast %add3A_606 : i32 to vector<16xi32>
        %add3A_608 = arith.addi %iota3A, %add3A_607 : vector<16xi32>
        %add3A_609 = arith.addi %gather3A_493, %add3A_608 : vector<16xi32>
        %gather3A_610 = tpu.vector_load_idx %arg6[%add3A_609] : memref<25600xi32, #tpu.memory_space<vmem>>[vector<16xi32>], vector<16xi32>,
        %bitcast3A_611 = vector.bitcast %gather3A_610 : vector<16xi32> to vector<32xbf16>
        %unpack3A_612 = tpu.unpack_subelements %bitcast3A_611, 0 {pack_format = #tpu.pack_format<interleaved>} : vector<32xbf16> -> vector<16xf32>
        %unpack3A_613 = tpu.unpack_subelements %bitcast3A_611, 1 {pack_format = #tpu.pack_format<interleaved>} : vector<32xbf16> -> vector<16xf32>
        %mul3A_614 = arith.mulf %unpack3A_604, %unpack3A_612 : vector<16xf32>
        %mul3A_615 = arith.mulf %unpack3A_605, %unpack3A_613 : vector<16xf32>
        %add3A_616 = arith.addf %mul3A_614, %mul3A_615 : vector<16xf32>
        %add3A_617 = arith.addf %add3A_592, %add3A_616 : vector<16xf32>
        %get3A_618 = arith.constant 0 : i32
        %get3A_619 = arith.index_cast %get3A_618 : i32 to index
        %get3A_620 = arith.index_cast %add3A_486 : i32 to index
        %get3A_621 = arith.constant 160 : index
        %get3A_622 = tpu.vector_load %arg7[%get3A_619, %get3A_620, %get3A_621] {strides = array<i32>} : memref<4x40x256xbf16, #tpu.memory_space<vmem>>, vector<32xbf16>,
        %get3A_623 = arith.constant 0 : i32
        %get3A_624 = arith.index_cast %get3A_623 : i32 to index
        %get3A_625 = arith.index_cast %add3A_486 : i32 to index
        %get3A_626 = arith.constant 160 : index
        %get3A_627 = tpu.vector_load %arg8[%get3A_624, %get3A_625, %get3A_626] {strides = array<i32>} : memref<4x40x256xbf16, #tpu.memory_space<vmem>>, vector<32xbf16>,
        %mul3A_628 = arith.mulf %get3A_622, %get3A_627 : vector<32xbf16>
        %unpack3A_629 = tpu.unpack_subelements %mul3A_628, 0 {pack_format = #tpu.pack_format<interleaved>} : vector<32xbf16> -> vector<16xf32>
        %unpack3A_630 = tpu.unpack_subelements %mul3A_628, 1 {pack_format = #tpu.pack_format<interleaved>} : vector<32xbf16> -> vector<16xf32>
        %add3A_631 = arith.constant 80 : i32
        %add3A_632 = vector.broadcast %add3A_631 : i32 to vector<16xi32>
        %add3A_633 = arith.addi %iota3A, %add3A_632 : vector<16xi32>
        %add3A_634 = arith.addi %gather3A_493, %add3A_633 : vector<16xi32>
        %gather3A_635 = tpu.vector_load_idx %arg6[%add3A_634] : memref<25600xi32, #tpu.memory_space<vmem>>[vector<16xi32>], vector<16xi32>,
        %bitcast3A_636 = vector.bitcast %gather3A_635 : vector<16xi32> to vector<32xbf16>
        %unpack3A_637 = tpu.unpack_subelements %bitcast3A_636, 0 {pack_format = #tpu.pack_format<interleaved>} : vector<32xbf16> -> vector<16xf32>
        %unpack3A_638 = tpu.unpack_subelements %bitcast3A_636, 1 {pack_format = #tpu.pack_format<interleaved>} : vector<32xbf16> -> vector<16xf32>
        %mul3A_639 = arith.mulf %unpack3A_629, %unpack3A_637 : vector<16xf32>
        %mul3A_640 = arith.mulf %unpack3A_630, %unpack3A_638 : vector<16xf32>
        %add3A_641 = arith.addf %mul3A_639, %mul3A_640 : vector<16xf32>
        %add3A_642 = arith.addf %add3A_617, %add3A_641 : vector<16xf32>
        %get3A_643 = arith.constant 0 : i32
        %get3A_644 = arith.index_cast %get3A_643 : i32 to index
        %get3A_645 = arith.index_cast %add3A_486 : i32 to index
        %get3A_646 = arith.constant 192 : index
        %get3A_647 = tpu.vector_load %arg7[%get3A_644, %get3A_645, %get3A_646] {strides = array<i32>} : memref<4x40x256xbf16, #tpu.memory_space<vmem>>, vector<32xbf16>,
        %get3A_648 = arith.constant 0 : i32
        %get3A_649 = arith.index_cast %get3A_648 : i32 to index
        %get3A_650 = arith.index_cast %add3A_486 : i32 to index
        %get3A_651 = arith.constant 192 : index
        %get3A_652 = tpu.vector_load %arg8[%get3A_649, %get3A_650, %get3A_651] {strides = array<i32>} : memref<4x40x256xbf16, #tpu.memory_space<vmem>>, vector<32xbf16>,
        %mul3A_653 = arith.mulf %get3A_647, %get3A_652 : vector<32xbf16>
        %unpack3A_654 = tpu.unpack_subelements %mul3A_653, 0 {pack_format = #tpu.pack_format<interleaved>} : vector<32xbf16> -> vector<16xf32>
        %unpack3A_655 = tpu.unpack_subelements %mul3A_653, 1 {pack_format = #tpu.pack_format<interleaved>} : vector<32xbf16> -> vector<16xf32>
        %add3A_656 = arith.constant 96 : i32
        %add3A_657 = vector.broadcast %add3A_656 : i32 to vector<16xi32>
        %add3A_658 = arith.addi %iota3A, %add3A_657 : vector<16xi32>
        %add3A_659 = arith.addi %gather3A_493, %add3A_658 : vector<16xi32>
        %gather3A_660 = tpu.vector_load_idx %arg6[%add3A_659] : memref<25600xi32, #tpu.memory_space<vmem>>[vector<16xi32>], vector<16xi32>,
        %bitcast3A_661 = vector.bitcast %gather3A_660 : vector<16xi32> to vector<32xbf16>
        %unpack3A_662 = tpu.unpack_subelements %bitcast3A_661, 0 {pack_format = #tpu.pack_format<interleaved>} : vector<32xbf16> -> vector<16xf32>
        %unpack3A_663 = tpu.unpack_subelements %bitcast3A_661, 1 {pack_format = #tpu.pack_format<interleaved>} : vector<32xbf16> -> vector<16xf32>
        %mul3A_664 = arith.mulf %unpack3A_654, %unpack3A_662 : vector<16xf32>
        %mul3A_665 = arith.mulf %unpack3A_655, %unpack3A_663 : vector<16xf32>
        %add3A_666 = arith.addf %mul3A_664, %mul3A_665 : vector<16xf32>
        %add3A_667 = arith.addf %add3A_642, %add3A_666 : vector<16xf32>
        %get3A_668 = arith.constant 0 : i32
        %get3A_669 = arith.index_cast %get3A_668 : i32 to index
        %get3A_670 = arith.index_cast %add3A_486 : i32 to index
        %get3A_671 = arith.constant 224 : index
        %get3A_672 = tpu.vector_load %arg7[%get3A_669, %get3A_670, %get3A_671] {strides = array<i32>} : memref<4x40x256xbf16, #tpu.memory_space<vmem>>, vector<32xbf16>,
        %get3A_673 = arith.constant 0 : i32
        %get3A_674 = arith.index_cast %get3A_673 : i32 to index
        %get3A_675 = arith.index_cast %add3A_486 : i32 to index
        %get3A_676 = arith.constant 224 : index
        %get3A_677 = tpu.vector_load %arg8[%get3A_674, %get3A_675, %get3A_676] {strides = array<i32>} : memref<4x40x256xbf16, #tpu.memory_space<vmem>>, vector<32xbf16>,
        %mul3A_678 = arith.mulf %get3A_672, %get3A_677 : vector<32xbf16>
        %unpack3A_679 = tpu.unpack_subelements %mul3A_678, 0 {pack_format = #tpu.pack_format<interleaved>} : vector<32xbf16> -> vector<16xf32>
        %unpack3A_680 = tpu.unpack_subelements %mul3A_678, 1 {pack_format = #tpu.pack_format<interleaved>} : vector<32xbf16> -> vector<16xf32>
        %add3A_681 = arith.constant 112 : i32
        %add3A_682 = vector.broadcast %add3A_681 : i32 to vector<16xi32>
        %add3A_683 = arith.addi %iota3A, %add3A_682 : vector<16xi32>
        %add3A_684 = arith.addi %gather3A_493, %add3A_683 : vector<16xi32>
        %gather3A_685 = tpu.vector_load_idx %arg6[%add3A_684] : memref<25600xi32, #tpu.memory_space<vmem>>[vector<16xi32>], vector<16xi32>,
        %bitcast3A_686 = vector.bitcast %gather3A_685 : vector<16xi32> to vector<32xbf16>
        %unpack3A_687 = tpu.unpack_subelements %bitcast3A_686, 0 {pack_format = #tpu.pack_format<interleaved>} : vector<32xbf16> -> vector<16xf32>
        %unpack3A_688 = tpu.unpack_subelements %bitcast3A_686, 1 {pack_format = #tpu.pack_format<interleaved>} : vector<32xbf16> -> vector<16xf32>
        %mul3A_689 = arith.mulf %unpack3A_679, %unpack3A_687 : vector<16xf32>
        %mul3A_690 = arith.mulf %unpack3A_680, %unpack3A_688 : vector<16xf32>
        %add3A_691 = arith.addf %mul3A_689, %mul3A_690 : vector<16xf32>
        %add3A_692 = arith.addf %add3A_667, %add3A_691 : vector<16xf32>
        %cumsum3A_693 = arith.constant true
        %cumsum3A_694 = vector.broadcast %cumsum3A_693 : i1 to vector<16xi1>
        %cumsum3A_695 = tpu.scan <sum>, %add3A_692 masked %cumsum3A_694 : vector<16xf32>, vector<16xi1> -> vector<16xf32>
        %add3A_696 = arith.constant 4960 : i32
        %add3A_697 = arith.addi %add3A_696, %add3A_486 : i32
        %broadcast_in_dim3A_698 = arith.constant 0 : i32
        %broadcast_in_dim3A_699 = vector.broadcast %broadcast_in_dim3A_698 : i32 to vector<16xi32>
        %add3A_700 = vector.broadcast %add3A_697 : i32 to vector<16xi32>
        %add3A_701 = arith.addi %broadcast_in_dim3A_699, %add3A_700 : vector<16xi32>
        tpu.vector_store_idx %arg10[%add3A_701], %cumsum3A_695 masked %eq3A_4 : memref<5000xf32, #tpu.memory_space<vmem>>[vector<16xi32>], vector<16xf32>, vector<16xi1>
      }
      %while3A_268 = arith.constant 1 : i32
      scf.for %while3A_269 = %while3A_266 to %while3A_262 step %while3A_268  : i32 {
        %add3A_270 = arith.addi %while3A_269, %select_n3A_247 : i32
        %mul3A_271 = arith.constant 16 : i32
        %mul3A_272 = arith.muli %scan3A_244, %mul3A_271 : i32
        %add3A_273 = arith.addi %mul3A_272, %while3A_269 : i32
        %broadcast_in_dim3A = arith.constant 0 : i32
        %broadcast_in_dim3A_274 = vector.broadcast %broadcast_in_dim3A : i32 to vector<16xi32>
        %add3A_275 = vector.broadcast %while3A_269 : i32 to vector<16xi32>
        %add3A_276 = arith.addi %broadcast_in_dim3A_274, %add3A_275 : vector<16xi32>
        %broadcast_in_dim3A_277 = vector.shape_cast %add3A_276 : vector<16xi32> to vector<16x1xi32>
        %gather3A = vector.shape_cast %broadcast_in_dim3A_277 : vector<16x1xi32> to vector<16xi32>
        %gather3A_278 = tpu.dynamic_gather %mul3A_259[%gather3A] in [0] : vector<16xi32>, vector<16xi32> -> vector<16xi32>
        %get3A_279 = arith.constant 0 : i32
        %get3A_280 = arith.index_cast %get3A_279 : i32 to index
        %get3A_281 = arith.index_cast %add3A_273 : i32 to index
        %get3A_282 = arith.constant 0 : index
        %get3A_283 = tpu.vector_load %arg7[%get3A_280, %get3A_281, %get3A_282] {strides = array<i32>} : memref<4x40x256xbf16, #tpu.memory_space<vmem>>, vector<32xbf16>,
        %get3A_284 = arith.constant 0 : i32
        %get3A_285 = arith.index_cast %get3A_284 : i32 to index
        %get3A_286 = arith.index_cast %add3A_273 : i32 to index
        %get3A_287 = arith.constant 0 : index
        %get3A_288 = tpu.vector_load %arg8[%get3A_285, %get3A_286, %get3A_287] {strides = array<i32>} : memref<4x40x256xbf16, #tpu.memory_space<vmem>>, vector<32xbf16>,
        %mul3A_289 = arith.mulf %get3A_283, %get3A_288 : vector<32xbf16>
        %unpack3A = tpu.unpack_subelements %mul3A_289, 0 {pack_format = #tpu.pack_format<interleaved>} : vector<32xbf16> -> vector<16xf32>
        %unpack3A_290 = tpu.unpack_subelements %mul3A_289, 1 {pack_format = #tpu.pack_format<interleaved>} : vector<32xbf16> -> vector<16xf32>
        %add3A_291 = arith.constant 0 : i32
        %add3A_292 = vector.broadcast %add3A_291 : i32 to vector<16xi32>
        %add3A_293 = arith.addi %iota3A, %add3A_292 : vector<16xi32>
        %add3A_294 = arith.addi %gather3A_278, %add3A_293 : vector<16xi32>
        %gather3A_295 = tpu.vector_load_idx %arg6[%add3A_294] : memref<25600xi32, #tpu.memory_space<vmem>>[vector<16xi32>], vector<16xi32>,
        %bitcast3A = vector.bitcast %gather3A_295 : vector<16xi32> to vector<32xbf16>
        %unpack3A_296 = tpu.unpack_subelements %bitcast3A, 0 {pack_format = #tpu.pack_format<interleaved>} : vector<32xbf16> -> vector<16xf32>
        %unpack3A_297 = tpu.unpack_subelements %bitcast3A, 1 {pack_format = #tpu.pack_format<interleaved>} : vector<32xbf16> -> vector<16xf32>
        %mul3A_298 = arith.mulf %unpack3A, %unpack3A_296 : vector<16xf32>
        %mul3A_299 = arith.mulf %unpack3A_290, %unpack3A_297 : vector<16xf32>
        %add3A_300 = arith.addf %mul3A_298, %mul3A_299 : vector<16xf32>
        %get3A_301 = arith.constant 0 : i32
        %get3A_302 = arith.index_cast %get3A_301 : i32 to index
        %get3A_303 = arith.index_cast %add3A_273 : i32 to index
        %get3A_304 = arith.constant 32 : index
        %get3A_305 = tpu.vector_load %arg7[%get3A_302, %get3A_303, %get3A_304] {strides = array<i32>} : memref<4x40x256xbf16, #tpu.memory_space<vmem>>, vector<32xbf16>,
        %get3A_306 = arith.constant 0 : i32
        %get3A_307 = arith.index_cast %get3A_306 : i32 to index
        %get3A_308 = arith.index_cast %add3A_273 : i32 to index
        %get3A_309 = arith.constant 32 : index
        %get3A_310 = tpu.vector_load %arg8[%get3A_307, %get3A_308, %get3A_309] {strides = array<i32>} : memref<4x40x256xbf16, #tpu.memory_space<vmem>>, vector<32xbf16>,
        %mul3A_311 = arith.mulf %get3A_305, %get3A_310 : vector<32xbf16>
        %unpack3A_312 = tpu.unpack_subelements %mul3A_311, 0 {pack_format = #tpu.pack_format<interleaved>} : vector<32xbf16> -> vector<16xf32>
        %unpack3A_313 = tpu.unpack_subelements %mul3A_311, 1 {pack_format = #tpu.pack_format<interleaved>} : vector<32xbf16> -> vector<16xf32>
        %add3A_314 = arith.constant 16 : i32
        %add3A_315 = vector.broadcast %add3A_314 : i32 to vector<16xi32>
        %add3A_316 = arith.addi %iota3A, %add3A_315 : vector<16xi32>
        %add3A_317 = arith.addi %gather3A_278, %add3A_316 : vector<16xi32>
        %gather3A_318 = tpu.vector_load_idx %arg6[%add3A_317] : memref<25600xi32, #tpu.memory_space<vmem>>[vector<16xi32>], vector<16xi32>,
        %bitcast3A_319 = vector.bitcast %gather3A_318 : vector<16xi32> to vector<32xbf16>
        %unpack3A_320 = tpu.unpack_subelements %bitcast3A_319, 0 {pack_format = #tpu.pack_format<interleaved>} : vector<32xbf16> -> vector<16xf32>
        %unpack3A_321 = tpu.unpack_subelements %bitcast3A_319, 1 {pack_format = #tpu.pack_format<interleaved>} : vector<32xbf16> -> vector<16xf32>
        %mul3A_322 = arith.mulf %unpack3A_312, %unpack3A_320 : vector<16xf32>
        %mul3A_323 = arith.mulf %unpack3A_313, %unpack3A_321 : vector<16xf32>
        %add3A_324 = arith.addf %mul3A_322, %mul3A_323 : vector<16xf32>
        %add3A_325 = arith.addf %add3A_300, %add3A_324 : vector<16xf32>
        %get3A_326 = arith.constant 0 : i32
        %get3A_327 = arith.index_cast %get3A_326 : i32 to index
        %get3A_328 = arith.index_cast %add3A_273 : i32 to index
        %get3A_329 = arith.constant 64 : index
        %get3A_330 = tpu.vector_load %arg7[%get3A_327, %get3A_328, %get3A_329] {strides = array<i32>} : memref<4x40x256xbf16, #tpu.memory_space<vmem>>, vector<32xbf16>,
        %get3A_331 = arith.constant 0 : i32
        %get3A_332 = arith.index_cast %get3A_331 : i32 to index
        %get3A_333 = arith.index_cast %add3A_273 : i32 to index
        %get3A_334 = arith.constant 64 : index
        %get3A_335 = tpu.vector_load %arg8[%get3A_332, %get3A_333, %get3A_334] {strides = array<i32>} : memref<4x40x256xbf16, #tpu.memory_space<vmem>>, vector<32xbf16>,
        %mul3A_336 = arith.mulf %get3A_330, %get3A_335 : vector<32xbf16>
        %unpack3A_337 = tpu.unpack_subelements %mul3A_336, 0 {pack_format = #tpu.pack_format<interleaved>} : vector<32xbf16> -> vector<16xf32>
        %unpack3A_338 = tpu.unpack_subelements %mul3A_336, 1 {pack_format = #tpu.pack_format<interleaved>} : vector<32xbf16> -> vector<16xf32>
        %add3A_339 = arith.constant 32 : i32
        %add3A_340 = vector.broadcast %add3A_339 : i32 to vector<16xi32>
        %add3A_341 = arith.addi %iota3A, %add3A_340 : vector<16xi32>
        %add3A_342 = arith.addi %gather3A_278, %add3A_341 : vector<16xi32>
        %gather3A_343 = tpu.vector_load_idx %arg6[%add3A_342] : memref<25600xi32, #tpu.memory_space<vmem>>[vector<16xi32>], vector<16xi32>,
        %bitcast3A_344 = vector.bitcast %gather3A_343 : vector<16xi32> to vector<32xbf16>
        %unpack3A_345 = tpu.unpack_subelements %bitcast3A_344, 0 {pack_format = #tpu.pack_format<interleaved>} : vector<32xbf16> -> vector<16xf32>
        %unpack3A_346 = tpu.unpack_subelements %bitcast3A_344, 1 {pack_format = #tpu.pack_format<interleaved>} : vector<32xbf16> -> vector<16xf32>
        %mul3A_347 = arith.mulf %unpack3A_337, %unpack3A_345 : vector<16xf32>
        %mul3A_348 = arith.mulf %unpack3A_338, %unpack3A_346 : vector<16xf32>
        %add3A_349 = arith.addf %mul3A_347, %mul3A_348 : vector<16xf32>
        %add3A_350 = arith.addf %add3A_325, %add3A_349 : vector<16xf32>
        %get3A_351 = arith.constant 0 : i32
        %get3A_352 = arith.index_cast %get3A_351 : i32 to index
        %get3A_353 = arith.index_cast %add3A_273 : i32 to index
        %get3A_354 = arith.constant 96 : index
        %get3A_355 = tpu.vector_load %arg7[%get3A_352, %get3A_353, %get3A_354] {strides = array<i32>} : memref<4x40x256xbf16, #tpu.memory_space<vmem>>, vector<32xbf16>,
        %get3A_356 = arith.constant 0 : i32
        %get3A_357 = arith.index_cast %get3A_356 : i32 to index
        %get3A_358 = arith.index_cast %add3A_273 : i32 to index
        %get3A_359 = arith.constant 96 : index
        %get3A_360 = tpu.vector_load %arg8[%get3A_357, %get3A_358, %get3A_359] {strides = array<i32>} : memref<4x40x256xbf16, #tpu.memory_space<vmem>>, vector<32xbf16>,
        %mul3A_361 = arith.mulf %get3A_355, %get3A_360 : vector<32xbf16>
        %unpack3A_362 = tpu.unpack_subelements %mul3A_361, 0 {pack_format = #tpu.pack_format<interleaved>} : vector<32xbf16> -> vector<16xf32>
        %unpack3A_363 = tpu.unpack_subelements %mul3A_361, 1 {pack_format = #tpu.pack_format<interleaved>} : vector<32xbf16> -> vector<16xf32>
        %add3A_364 = arith.constant 48 : i32
        %add3A_365 = vector.broadcast %add3A_364 : i32 to vector<16xi32>
        %add3A_366 = arith.addi %iota3A, %add3A_365 : vector<16xi32>
        %add3A_367 = arith.addi %gather3A_278, %add3A_366 : vector<16xi32>
        %gather3A_368 = tpu.vector_load_idx %arg6[%add3A_367] : memref<25600xi32, #tpu.memory_space<vmem>>[vector<16xi32>], vector<16xi32>,
        %bitcast3A_369 = vector.bitcast %gather3A_368 : vector<16xi32> to vector<32xbf16>
        %unpack3A_370 = tpu.unpack_subelements %bitcast3A_369, 0 {pack_format = #tpu.pack_format<interleaved>} : vector<32xbf16> -> vector<16xf32>
        %unpack3A_371 = tpu.unpack_subelements %bitcast3A_369, 1 {pack_format = #tpu.pack_format<interleaved>} : vector<32xbf16> -> vector<16xf32>
        %mul3A_372 = arith.mulf %unpack3A_362, %unpack3A_370 : vector<16xf32>
        %mul3A_373 = arith.mulf %unpack3A_363, %unpack3A_371 : vector<16xf32>
        %add3A_374 = arith.addf %mul3A_372, %mul3A_373 : vector<16xf32>
        %add3A_375 = arith.addf %add3A_350, %add3A_374 : vector<16xf32>
        %get3A_376 = arith.constant 0 : i32
        %get3A_377 = arith.index_cast %get3A_376 : i32 to index
        %get3A_378 = arith.index_cast %add3A_273 : i32 to index
        %get3A_379 = arith.constant 128 : index
        %get3A_380 = tpu.vector_load %arg7[%get3A_377, %get3A_378, %get3A_379] {strides = array<i32>} : memref<4x40x256xbf16, #tpu.memory_space<vmem>>, vector<32xbf16>,
        %get3A_381 = arith.constant 0 : i32
        %get3A_382 = arith.index_cast %get3A_381 : i32 to index
        %get3A_383 = arith.index_cast %add3A_273 : i32 to index
        %get3A_384 = arith.constant 128 : index
        %get3A_385 = tpu.vector_load %arg8[%get3A_382, %get3A_383, %get3A_384] {strides = array<i32>} : memref<4x40x256xbf16, #tpu.memory_space<vmem>>, vector<32xbf16>,
        %mul3A_386 = arith.mulf %get3A_380, %get3A_385 : vector<32xbf16>
        %unpack3A_387 = tpu.unpack_subelements %mul3A_386, 0 {pack_format = #tpu.pack_format<interleaved>} : vector<32xbf16> -> vector<16xf32>
        %unpack3A_388 = tpu.unpack_subelements %mul3A_386, 1 {pack_format = #tpu.pack_format<interleaved>} : vector<32xbf16> -> vector<16xf32>
        %add3A_389 = arith.constant 64 : i32
        %add3A_390 = vector.broadcast %add3A_389 : i32 to vector<16xi32>
        %add3A_391 = arith.addi %iota3A, %add3A_390 : vector<16xi32>
        %add3A_392 = arith.addi %gather3A_278, %add3A_391 : vector<16xi32>
        %gather3A_393 = tpu.vector_load_idx %arg6[%add3A_392] : memref<25600xi32, #tpu.memory_space<vmem>>[vector<16xi32>], vector<16xi32>,
        %bitcast3A_394 = vector.bitcast %gather3A_393 : vector<16xi32> to vector<32xbf16>
        %unpack3A_395 = tpu.unpack_subelements %bitcast3A_394, 0 {pack_format = #tpu.pack_format<interleaved>} : vector<32xbf16> -> vector<16xf32>
        %unpack3A_396 = tpu.unpack_subelements %bitcast3A_394, 1 {pack_format = #tpu.pack_format<interleaved>} : vector<32xbf16> -> vector<16xf32>
        %mul3A_397 = arith.mulf %unpack3A_387, %unpack3A_395 : vector<16xf32>
        %mul3A_398 = arith.mulf %unpack3A_388, %unpack3A_396 : vector<16xf32>
        %add3A_399 = arith.addf %mul3A_397, %mul3A_398 : vector<16xf32>
        %add3A_400 = arith.addf %add3A_375, %add3A_399 : vector<16xf32>
        %get3A_401 = arith.constant 0 : i32
        %get3A_402 = arith.index_cast %get3A_401 : i32 to index
        %get3A_403 = arith.index_cast %add3A_273 : i32 to index
        %get3A_404 = arith.constant 160 : index
        %get3A_405 = tpu.vector_load %arg7[%get3A_402, %get3A_403, %get3A_404] {strides = array<i32>} : memref<4x40x256xbf16, #tpu.memory_space<vmem>>, vector<32xbf16>,
        %get3A_406 = arith.constant 0 : i32
        %get3A_407 = arith.index_cast %get3A_406 : i32 to index
        %get3A_408 = arith.index_cast %add3A_273 : i32 to index
        %get3A_409 = arith.constant 160 : index
        %get3A_410 = tpu.vector_load %arg8[%get3A_407, %get3A_408, %get3A_409] {strides = array<i32>} : memref<4x40x256xbf16, #tpu.memory_space<vmem>>, vector<32xbf16>,
        %mul3A_411 = arith.mulf %get3A_405, %get3A_410 : vector<32xbf16>
        %unpack3A_412 = tpu.unpack_subelements %mul3A_411, 0 {pack_format = #tpu.pack_format<interleaved>} : vector<32xbf16> -> vector<16xf32>
        %unpack3A_413 = tpu.unpack_subelements %mul3A_411, 1 {pack_format = #tpu.pack_format<interleaved>} : vector<32xbf16> -> vector<16xf32>
        %add3A_414 = arith.constant 80 : i32
        %add3A_415 = vector.broadcast %add3A_414 : i32 to vector<16xi32>
        %add3A_416 = arith.addi %iota3A, %add3A_415 : vector<16xi32>
        %add3A_417 = arith.addi %gather3A_278, %add3A_416 : vector<16xi32>
        %gather3A_418 = tpu.vector_load_idx %arg6[%add3A_417] : memref<25600xi32, #tpu.memory_space<vmem>>[vector<16xi32>], vector<16xi32>,
        %bitcast3A_419 = vector.bitcast %gather3A_418 : vector<16xi32> to vector<32xbf16>
        %unpack3A_420 = tpu.unpack_subelements %bitcast3A_419, 0 {pack_format = #tpu.pack_format<interleaved>} : vector<32xbf16> -> vector<16xf32>
        %unpack3A_421 = tpu.unpack_subelements %bitcast3A_419, 1 {pack_format = #tpu.pack_format<interleaved>} : vector<32xbf16> -> vector<16xf32>
        %mul3A_422 = arith.mulf %unpack3A_412, %unpack3A_420 : vector<16xf32>
        %mul3A_423 = arith.mulf %unpack3A_413, %unpack3A_421 : vector<16xf32>
        %add3A_424 = arith.addf %mul3A_422, %mul3A_423 : vector<16xf32>
        %add3A_425 = arith.addf %add3A_400, %add3A_424 : vector<16xf32>
        %get3A_426 = arith.constant 0 : i32
        %get3A_427 = arith.index_cast %get3A_426 : i32 to index
        %get3A_428 = arith.index_cast %add3A_273 : i32 to index
        %get3A_429 = arith.constant 192 : index
        %get3A_430 = tpu.vector_load %arg7[%get3A_427, %get3A_428, %get3A_429] {strides = array<i32>} : memref<4x40x256xbf16, #tpu.memory_space<vmem>>, vector<32xbf16>,
        %get3A_431 = arith.constant 0 : i32
        %get3A_432 = arith.index_cast %get3A_431 : i32 to index
        %get3A_433 = arith.index_cast %add3A_273 : i32 to index
        %get3A_434 = arith.constant 192 : index
        %get3A_435 = tpu.vector_load %arg8[%get3A_432, %get3A_433, %get3A_434] {strides = array<i32>} : memref<4x40x256xbf16, #tpu.memory_space<vmem>>, vector<32xbf16>,
        %mul3A_436 = arith.mulf %get3A_430, %get3A_435 : vector<32xbf16>
        %unpack3A_437 = tpu.unpack_subelements %mul3A_436, 0 {pack_format = #tpu.pack_format<interleaved>} : vector<32xbf16> -> vector<16xf32>
        %unpack3A_438 = tpu.unpack_subelements %mul3A_436, 1 {pack_format = #tpu.pack_format<interleaved>} : vector<32xbf16> -> vector<16xf32>
        %add3A_439 = arith.constant 96 : i32
        %add3A_440 = vector.broadcast %add3A_439 : i32 to vector<16xi32>
        %add3A_441 = arith.addi %iota3A, %add3A_440 : vector<16xi32>
        %add3A_442 = arith.addi %gather3A_278, %add3A_441 : vector<16xi32>
        %gather3A_443 = tpu.vector_load_idx %arg6[%add3A_442] : memref<25600xi32, #tpu.memory_space<vmem>>[vector<16xi32>], vector<16xi32>,
        %bitcast3A_444 = vector.bitcast %gather3A_443 : vector<16xi32> to vector<32xbf16>
        %unpack3A_445 = tpu.unpack_subelements %bitcast3A_444, 0 {pack_format = #tpu.pack_format<interleaved>} : vector<32xbf16> -> vector<16xf32>
        %unpack3A_446 = tpu.unpack_subelements %bitcast3A_444, 1 {pack_format = #tpu.pack_format<interleaved>} : vector<32xbf16> -> vector<16xf32>
        %mul3A_447 = arith.mulf %unpack3A_437, %unpack3A_445 : vector<16xf32>
        %mul3A_448 = arith.mulf %unpack3A_438, %unpack3A_446 : vector<16xf32>
        %add3A_449 = arith.addf %mul3A_447, %mul3A_448 : vector<16xf32>
        %add3A_450 = arith.addf %add3A_425, %add3A_449 : vector<16xf32>
        %get3A_451 = arith.constant 0 : i32
        %get3A_452 = arith.index_cast %get3A_451 : i32 to index
        %get3A_453 = arith.index_cast %add3A_273 : i32 to index
        %get3A_454 = arith.constant 224 : index
        %get3A_455 = tpu.vector_load %arg7[%get3A_452, %get3A_453, %get3A_454] {strides = array<i32>} : memref<4x40x256xbf16, #tpu.memory_space<vmem>>, vector<32xbf16>,
        %get3A_456 = arith.constant 0 : i32
        %get3A_457 = arith.index_cast %get3A_456 : i32 to index
        %get3A_458 = arith.index_cast %add3A_273 : i32 to index
        %get3A_459 = arith.constant 224 : index
        %get3A_460 = tpu.vector_load %arg8[%get3A_457, %get3A_458, %get3A_459] {strides = array<i32>} : memref<4x40x256xbf16, #tpu.memory_space<vmem>>, vector<32xbf16>,
        %mul3A_461 = arith.mulf %get3A_455, %get3A_460 : vector<32xbf16>
        %unpack3A_462 = tpu.unpack_subelements %mul3A_461, 0 {pack_format = #tpu.pack_format<interleaved>} : vector<32xbf16> -> vector<16xf32>
        %unpack3A_463 = tpu.unpack_subelements %mul3A_461, 1 {pack_format = #tpu.pack_format<interleaved>} : vector<32xbf16> -> vector<16xf32>
        %add3A_464 = arith.constant 112 : i32
        %add3A_465 = vector.broadcast %add3A_464 : i32 to vector<16xi32>
        %add3A_466 = arith.addi %iota3A, %add3A_465 : vector<16xi32>
        %add3A_467 = arith.addi %gather3A_278, %add3A_466 : vector<16xi32>
        %gather3A_468 = tpu.vector_load_idx %arg6[%add3A_467] : memref<25600xi32, #tpu.memory_space<vmem>>[vector<16xi32>], vector<16xi32>,
        %bitcast3A_469 = vector.bitcast %gather3A_468 : vector<16xi32> to vector<32xbf16>
        %unpack3A_470 = tpu.unpack_subelements %bitcast3A_469, 0 {pack_format = #tpu.pack_format<interleaved>} : vector<32xbf16> -> vector<16xf32>
        %unpack3A_471 = tpu.unpack_subelements %bitcast3A_469, 1 {pack_format = #tpu.pack_format<interleaved>} : vector<32xbf16> -> vector<16xf32>
        %mul3A_472 = arith.mulf %unpack3A_462, %unpack3A_470 : vector<16xf32>
        %mul3A_473 = arith.mulf %unpack3A_463, %unpack3A_471 : vector<16xf32>
        %add3A_474 = arith.addf %mul3A_472, %mul3A_473 : vector<16xf32>
        %add3A_475 = arith.addf %add3A_450, %add3A_474 : vector<16xf32>
        %cumsum3A = arith.constant true
        %cumsum3A_476 = vector.broadcast %cumsum3A : i1 to vector<16xi1>
        %cumsum3A_477 = tpu.scan <sum>, %add3A_475 masked %cumsum3A_476 : vector<16xf32>, vector<16xi1> -> vector<16xf32>
        %add3A_478 = arith.constant 4960 : i32
        %add3A_479 = arith.addi %add3A_478, %add3A_273 : i32
        %broadcast_in_dim3A_480 = arith.constant 0 : i32
        %broadcast_in_dim3A_481 = vector.broadcast %broadcast_in_dim3A_480 : i32 to vector<16xi32>
        %add3A_482 = vector.broadcast %add3A_479 : i32 to vector<16xi32>
        %add3A_483 = arith.addi %broadcast_in_dim3A_481, %add3A_482 : vector<16xi32>
        tpu.vector_store_idx %arg10[%add3A_483], %cumsum3A_477 masked %eq3A_4 : memref<5000xf32, #tpu.memory_space<vmem>>[vector<16xi32>], vector<16xf32>, vector<16xi1>
        %mul3A_484 = arith.constant 16 : i32
        %mul3A_485 = arith.muli %scan3A_244, %mul3A_484 : i32
        %add3A_486 = arith.addi %mul3A_485, %add3A_270 : i32
        %broadcast_in_dim3A_487 = arith.constant 0 : i32
        %broadcast_in_dim3A_488 = vector.broadcast %broadcast_in_dim3A_487 : i32 to vector<16xi32>
        %add3A_489 = vector.broadcast %add3A_270 : i32 to vector<16xi32>
        %add3A_490 = arith.addi %broadcast_in_dim3A_488, %add3A_489 : vector<16xi32>
        %broadcast_in_dim3A_491 = vector.shape_cast %add3A_490 : vector<16xi32> to vector<16x1xi32>
        %gather3A_492 = vector.shape_cast %broadcast_in_dim3A_491 : vector<16x1xi32> to vector<16xi32>
        %gather3A_493 = tpu.dynamic_gather %mul3A_259[%gather3A_492] in [0] : vector<16xi32>, vector<16xi32> -> vector<16xi32>
        %get3A_494 = arith.constant 0 : i32
        %get3A_495 = arith.index_cast %get3A_494 : i32 to index
        %get3A_496 = arith.index_cast %add3A_486 : i32 to index
        %get3A_497 = arith.constant 0 : index
        %get3A_498 = tpu.vector_load %arg7[%get3A_495, %get3A_496, %get3A_497] {strides = array<i32>} : memref<4x40x256xbf16, #tpu.memory_space<vmem>>, vector<32xbf16>,
        %get3A_499 = arith.constant 0 : i32
        %get3A_500 = arith.index_cast %get3A_499 : i32 to index
        %get3A_501 = arith.index_cast %add3A_486 : i32 to index
        %get3A_502 = arith.constant 0 : index
        %get3A_503 = tpu.vector_load %arg8[%get3A_500, %get3A_501, %get3A_502] {strides = array<i32>} : memref<4x40x256xbf16, #tpu.memory_space<vmem>>, vector<32xbf16>,
        %mul3A_504 = arith.mulf %get3A_498, %get3A_503 : vector<32xbf16>
        %unpack3A_505 = tpu.unpack_subelements %mul3A_504, 0 {pack_format = #tpu.pack_format<interleaved>} : vector<32xbf16> -> vector<16xf32>
        %unpack3A_506 = tpu.unpack_subelements %mul3A_504, 1 {pack_format = #tpu.pack_format<interleaved>} : vector<32xbf16> -> vector<16xf32>
        %add3A_507 = arith.constant 0 : i32
        %add3A_508 = vector.broadcast %add3A_507 : i32 to vector<16xi32>
        %add3A_509 = arith.addi %iota3A, %add3A_508 : vector<16xi32>
        %add3A_510 = arith.addi %gather3A_493, %add3A_509 : vector<16xi32>
        %gather3A_511 = tpu.vector_load_idx %arg6[%add3A_510] : memref<25600xi32, #tpu.memory_space<vmem>>[vector<16xi32>], vector<16xi32>,
        %bitcast3A_512 = vector.bitcast %gather3A_511 : vector<16xi32> to vector<32xbf16>
        %unpack3A_513 = tpu.unpack_subelements %bitcast3A_512, 0 {pack_format = #tpu.pack_format<interleaved>} : vector<32xbf16> -> vector<16xf32>
        %unpack3A_514 = tpu.unpack_subelements %bitcast3A_512, 1 {pack_format = #tpu.pack_format<interleaved>} : vector<32xbf16> -> vector<16xf32>
        %mul3A_515 = arith.mulf %unpack3A_505, %unpack3A_513 : vector<16xf32>
        %mul3A_516 = arith.mulf %unpack3A_506, %unpack3A_514 : vector<16xf32>
        %add3A_517 = arith.addf %mul3A_515, %mul3A_516 : vector<16xf32>
        %get3A_518 = arith.constant 0 : i32
        %get3A_519 = arith.index_cast %get3A_518 : i32 to index
        %get3A_520 = arith.index_cast %add3A_486 : i32 to index
        %get3A_521 = arith.constant 32 : index
        %get3A_522 = tpu.vector_load %arg7[%get3A_519, %get3A_520, %get3A_521] {strides = array<i32>} : memref<4x40x256xbf16, #tpu.memory_space<vmem>>, vector<32xbf16>,
        %get3A_523 = arith.constant 0 : i32
        %get3A_524 = arith.index_cast %get3A_523 : i32 to index
        %get3A_525 = arith.index_cast %add3A_486 : i32 to index
        %get3A_526 = arith.constant 32 : index
        %get3A_527 = tpu.vector_load %arg8[%get3A_524, %get3A_525, %get3A_526] {strides = array<i32>} : memref<4x40x256xbf16, #tpu.memory_space<vmem>>, vector<32xbf16>,
        %mul3A_528 = arith.mulf %get3A_522, %get3A_527 : vector<32xbf16>
        %unpack3A_529 = tpu.unpack_subelements %mul3A_528, 0 {pack_format = #tpu.pack_format<interleaved>} : vector<32xbf16> -> vector<16xf32>
        %unpack3A_530 = tpu.unpack_subelements %mul3A_528, 1 {pack_format = #tpu.pack_format<interleaved>} : vector<32xbf16> -> vector<16xf32>
        %add3A_531 = arith.constant 16 : i32
        %add3A_532 = vector.broadcast %add3A_531 : i32 to vector<16xi32>
        %add3A_533 = arith.addi %iota3A, %add3A_532 : vector<16xi32>
        %add3A_534 = arith.addi %gather3A_493, %add3A_533 : vector<16xi32>
        %gather3A_535 = tpu.vector_load_idx %arg6[%add3A_534] : memref<25600xi32, #tpu.memory_space<vmem>>[vector<16xi32>], vector<16xi32>,
        %bitcast3A_536 = vector.bitcast %gather3A_535 : vector<16xi32> to vector<32xbf16>
        %unpack3A_537 = tpu.unpack_subelements %bitcast3A_536, 0 {pack_format = #tpu.pack_format<interleaved>} : vector<32xbf16> -> vector<16xf32>
        %unpack3A_538 = tpu.unpack_subelements %bitcast3A_536, 1 {pack_format = #tpu.pack_format<interleaved>} : vector<32xbf16> -> vector<16xf32>
        %mul3A_539 = arith.mulf %unpack3A_529, %unpack3A_537 : vector<16xf32>
        %mul3A_540 = arith.mulf %unpack3A_530, %unpack3A_538 : vector<16xf32>
        %add3A_541 = arith.addf %mul3A_539, %mul3A_540 : vector<16xf32>
        %add3A_542 = arith.addf %add3A_517, %add3A_541 : vector<16xf32>
        %get3A_543 = arith.constant 0 : i32
        %get3A_544 = arith.index_cast %get3A_543 : i32 to index
        %get3A_545 = arith.index_cast %add3A_486 : i32 to index
        %get3A_546 = arith.constant 64 : index
        %get3A_547 = tpu.vector_load %arg7[%get3A_544, %get3A_545, %get3A_546] {strides = array<i32>} : memref<4x40x256xbf16, #tpu.memory_space<vmem>>, vector<32xbf16>,
        %get3A_548 = arith.constant 0 : i32
        %get3A_549 = arith.index_cast %get3A_548 : i32 to index
        %get3A_550 = arith.index_cast %add3A_486 : i32 to index
        %get3A_551 = arith.constant 64 : index
        %get3A_552 = tpu.vector_load %arg8[%get3A_549, %get3A_550, %get3A_551] {strides = array<i32>} : memref<4x40x256xbf16, #tpu.memory_space<vmem>>, vector<32xbf16>,
        %mul3A_553 = arith.mulf %get3A_547, %get3A_552 : vector<32xbf16>
        %unpack3A_554 = tpu.unpack_subelements %mul3A_553, 0 {pack_format = #tpu.pack_format<interleaved>} : vector<32xbf16> -> vector<16xf32>
        %unpack3A_555 = tpu.unpack_subelements %mul3A_553, 1 {pack_format = #tpu.pack_format<interleaved>} : vector<32xbf16> -> vector<16xf32>
        %add3A_556 = arith.constant 32 : i32
        %add3A_557 = vector.broadcast %add3A_556 : i32 to vector<16xi32>
        %add3A_558 = arith.addi %iota3A, %add3A_557 : vector<16xi32>
        %add3A_559 = arith.addi %gather3A_493, %add3A_558 : vector<16xi32>
        %gather3A_560 = tpu.vector_load_idx %arg6[%add3A_559] : memref<25600xi32, #tpu.memory_space<vmem>>[vector<16xi32>], vector<16xi32>,
        %bitcast3A_561 = vector.bitcast %gather3A_560 : vector<16xi32> to vector<32xbf16>
        %unpack3A_562 = tpu.unpack_subelements %bitcast3A_561, 0 {pack_format = #tpu.pack_format<interleaved>} : vector<32xbf16> -> vector<16xf32>
        %unpack3A_563 = tpu.unpack_subelements %bitcast3A_561, 1 {pack_format = #tpu.pack_format<interleaved>} : vector<32xbf16> -> vector<16xf32>
        %mul3A_564 = arith.mulf %unpack3A_554, %unpack3A_562 : vector<16xf32>
        %mul3A_565 = arith.mulf %unpack3A_555, %unpack3A_563 : vector<16xf32>
        %add3A_566 = arith.addf %mul3A_564, %mul3A_565 : vector<16xf32>
        %add3A_567 = arith.addf %add3A_542, %add3A_566 : vector<16xf32>
        %get3A_568 = arith.constant 0 : i32
        %get3A_569 = arith.index_cast %get3A_568 : i32 to index
        %get3A_570 = arith.index_cast %add3A_486 : i32 to index
        %get3A_571 = arith.constant 96 : index
        %get3A_572 = tpu.vector_load %arg7[%get3A_569, %get3A_570, %get3A_571] {strides = array<i32>} : memref<4x40x256xbf16, #tpu.memory_space<vmem>>, vector<32xbf16>,
        %get3A_573 = arith.constant 0 : i32
        %get3A_574 = arith.index_cast %get3A_573 : i32 to index
        %get3A_575 = arith.index_cast %add3A_486 : i32 to index
        %get3A_576 = arith.constant 96 : index
        %get3A_577 = tpu.vector_load %arg8[%get3A_574, %get3A_575, %get3A_576] {strides = array<i32>} : memref<4x40x256xbf16, #tpu.memory_space<vmem>>, vector<32xbf16>,
        %mul3A_578 = arith.mulf %get3A_572, %get3A_577 : vector<32xbf16>
        %unpack3A_579 = tpu.unpack_subelements %mul3A_578, 0 {pack_format = #tpu.pack_format<interleaved>} : vector<32xbf16> -> vector<16xf32>
        %unpack3A_580 = tpu.unpack_subelements %mul3A_578, 1 {pack_format = #tpu.pack_format<interleaved>} : vector<32xbf16> -> vector<16xf32>
        %add3A_581 = arith.constant 48 : i32
        %add3A_582 = vector.broadcast %add3A_581 : i32 to vector<16xi32>
        %add3A_583 = arith.addi %iota3A, %add3A_582 : vector<16xi32>
        %add3A_584 = arith.addi %gather3A_493, %add3A_583 : vector<16xi32>
        %gather3A_585 = tpu.vector_load_idx %arg6[%add3A_584] : memref<25600xi32, #tpu.memory_space<vmem>>[vector<16xi32>], vector<16xi32>,
        %bitcast3A_586 = vector.bitcast %gather3A_585 : vector<16xi32> to vector<32xbf16>
        %unpack3A_587 = tpu.unpack_subelements %bitcast3A_586, 0 {pack_format = #tpu.pack_format<interleaved>} : vector<32xbf16> -> vector<16xf32>
        %unpack3A_588 = tpu.unpack_subelements %bitcast3A_586, 1 {pack_format = #tpu.pack_format<interleaved>} : vector<32xbf16> -> vector<16xf32>
        %mul3A_589 = arith.mulf %unpack3A_579, %unpack3A_587 : vector<16xf32>
        %mul3A_590 = arith.mulf %unpack3A_580, %unpack3A_588 : vector<16xf32>
        %add3A_591 = arith.addf %mul3A_589, %mul3A_590 : vector<16xf32>
        %add3A_592 = arith.addf %add3A_567, %add3A_591 : vector<16xf32>
        %get3A_593 = arith.constant 0 : i32
        %get3A_594 = arith.index_cast %get3A_593 : i32 to index
        %get3A_595 = arith.index_cast %add3A_486 : i32 to index
        %get3A_596 = arith.constant 128 : index
        %get3A_597 = tpu.vector_load %arg7[%get3A_594, %get3A_595, %get3A_596] {strides = array<i32>} : memref<4x40x256xbf16, #tpu.memory_space<vmem>>, vector<32xbf16>,
        %get3A_598 = arith.constant 0 : i32
        %get3A_599 = arith.index_cast %get3A_598 : i32 to index
        %get3A_600 = arith.index_cast %add3A_486 : i32 to index
        %get3A_601 = arith.constant 128 : index
        %get3A_602 = tpu.vector_load %arg8[%get3A_599, %get3A_600, %get3A_601] {strides = array<i32>} : memref<4x40x256xbf16, #tpu.memory_space<vmem>>, vector<32xbf16>,
        %mul3A_603 = arith.mulf %get3A_597, %get3A_602 : vector<32xbf16>
        %unpack3A_604 = tpu.unpack_subelements %mul3A_603, 0 {pack_format = #tpu.pack_format<interleaved>} : vector<32xbf16> -> vector<16xf32>
        %unpack3A_605 = tpu.unpack_subelements %mul3A_603, 1 {pack_format = #tpu.pack_format<interleaved>} : vector<32xbf16> -> vector<16xf32>
        %add3A_606 = arith.constant 64 : i32
        %add3A_607 = vector.broadcast %add3A_606 : i32 to vector<16xi32>
        %add3A_608 = arith.addi %iota3A, %add3A_607 : vector<16xi32>
        %add3A_609 = arith.addi %gather3A_493, %add3A_608 : vector<16xi32>
        %gather3A_610 = tpu.vector_load_idx %arg6[%add3A_609] : memref<25600xi32, #tpu.memory_space<vmem>>[vector<16xi32>], vector<16xi32>,
        %bitcast3A_611 = vector.bitcast %gather3A_610 : vector<16xi32> to vector<32xbf16>
        %unpack3A_612 = tpu.unpack_subelements %bitcast3A_611, 0 {pack_format = #tpu.pack_format<interleaved>} : vector<32xbf16> -> vector<16xf32>
        %unpack3A_613 = tpu.unpack_subelements %bitcast3A_611, 1 {pack_format = #tpu.pack_format<interleaved>} : vector<32xbf16> -> vector<16xf32>
        %mul3A_614 = arith.mulf %unpack3A_604, %unpack3A_612 : vector<16xf32>
        %mul3A_615 = arith.mulf %unpack3A_605, %unpack3A_613 : vector<16xf32>
        %add3A_616 = arith.addf %mul3A_614, %mul3A_615 : vector<16xf32>
        %add3A_617 = arith.addf %add3A_592, %add3A_616 : vector<16xf32>
        %get3A_618 = arith.constant 0 : i32
        %get3A_619 = arith.index_cast %get3A_618 : i32 to index
        %get3A_620 = arith.index_cast %add3A_486 : i32 to index
        %get3A_621 = arith.constant 160 : index
        %get3A_622 = tpu.vector_load %arg7[%get3A_619, %get3A_620, %get3A_621] {strides = array<i32>} : memref<4x40x256xbf16, #tpu.memory_space<vmem>>, vector<32xbf16>,
        %get3A_623 = arith.constant 0 : i32
        %get3A_624 = arith.index_cast %get3A_623 : i32 to index
        %get3A_625 = arith.index_cast %add3A_486 : i32 to index
        %get3A_626 = arith.constant 160 : index
        %get3A_627 = tpu.vector_load %arg8[%get3A_624, %get3A_625, %get3A_626] {strides = array<i32>} : memref<4x40x256xbf16, #tpu.memory_space<vmem>>, vector<32xbf16>,
        %mul3A_628 = arith.mulf %get3A_622, %get3A_627 : vector<32xbf16>
        %unpack3A_629 = tpu.unpack_subelements %mul3A_628, 0 {pack_format = #tpu.pack_format<interleaved>} : vector<32xbf16> -> vector<16xf32>
        %unpack3A_630 = tpu.unpack_subelements %mul3A_628, 1 {pack_format = #tpu.pack_format<interleaved>} : vector<32xbf16> -> vector<16xf32>
        %add3A_631 = arith.constant 80 : i32
        %add3A_632 = vector.broadcast %add3A_631 : i32 to vector<16xi32>
        %add3A_633 = arith.addi %iota3A, %add3A_632 : vector<16xi32>
        %add3A_634 = arith.addi %gather3A_493, %add3A_633 : vector<16xi32>
        %gather3A_635 = tpu.vector_load_idx %arg6[%add3A_634] : memref<25600xi32, #tpu.memory_space<vmem>>[vector<16xi32>], vector<16xi32>,
        %bitcast3A_636 = vector.bitcast %gather3A_635 : vector<16xi32> to vector<32xbf16>
        %unpack3A_637 = tpu.unpack_subelements %bitcast3A_636, 0 {pack_format = #tpu.pack_format<interleaved>} : vector<32xbf16> -> vector<16xf32>
        %unpack3A_638 = tpu.unpack_subelements %bitcast3A_636, 1 {pack_format = #tpu.pack_format<interleaved>} : vector<32xbf16> -> vector<16xf32>
        %mul3A_639 = arith.mulf %unpack3A_629, %unpack3A_637 : vector<16xf32>
        %mul3A_640 = arith.mulf %unpack3A_630, %unpack3A_638 : vector<16xf32>
        %add3A_641 = arith.addf %mul3A_639, %mul3A_640 : vector<16xf32>
        %add3A_642 = arith.addf %add3A_617, %add3A_641 : vector<16xf32>
        %get3A_643 = arith.constant 0 : i32
        %get3A_644 = arith.index_cast %get3A_643 : i32 to index
        %get3A_645 = arith.index_cast %add3A_486 : i32 to index
        %get3A_646 = arith.constant 192 : index
        %get3A_647 = tpu.vector_load %arg7[%get3A_644, %get3A_645, %get3A_646] {strides = array<i32>} : memref<4x40x256xbf16, #tpu.memory_space<vmem>>, vector<32xbf16>,
        %get3A_648 = arith.constant 0 : i32
        %get3A_649 = arith.index_cast %get3A_648 : i32 to index
        %get3A_650 = arith.index_cast %add3A_486 : i32 to index
        %get3A_651 = arith.constant 192 : index
        %get3A_652 = tpu.vector_load %arg8[%get3A_649, %get3A_650, %get3A_651] {strides = array<i32>} : memref<4x40x256xbf16, #tpu.memory_space<vmem>>, vector<32xbf16>,
        %mul3A_653 = arith.mulf %get3A_647, %get3A_652 : vector<32xbf16>
        %unpack3A_654 = tpu.unpack_subelements %mul3A_653, 0 {pack_format = #tpu.pack_format<interleaved>} : vector<32xbf16> -> vector<16xf32>
        %unpack3A_655 = tpu.unpack_subelements %mul3A_653, 1 {pack_format = #tpu.pack_format<interleaved>} : vector<32xbf16> -> vector<16xf32>
        %add3A_656 = arith.constant 96 : i32
        %add3A_657 = vector.broadcast %add3A_656 : i32 to vector<16xi32>
        %add3A_658 = arith.addi %iota3A, %add3A_657 : vector<16xi32>
        %add3A_659 = arith.addi %gather3A_493, %add3A_658 : vector<16xi32>
        %gather3A_660 = tpu.vector_load_idx %arg6[%add3A_659] : memref<25600xi32, #tpu.memory_space<vmem>>[vector<16xi32>], vector<16xi32>,
        %bitcast3A_661 = vector.bitcast %gather3A_660 : vector<16xi32> to vector<32xbf16>
        %unpack3A_662 = tpu.unpack_subelements %bitcast3A_661, 0 {pack_format = #tpu.pack_format<interleaved>} : vector<32xbf16> -> vector<16xf32>
        %unpack3A_663 = tpu.unpack_subelements %bitcast3A_661, 1 {pack_format = #tpu.pack_format<interleaved>} : vector<32xbf16> -> vector<16xf32>
        %mul3A_664 = arith.mulf %unpack3A_654, %unpack3A_662 : vector<16xf32>
        %mul3A_665 = arith.mulf %unpack3A_655, %unpack3A_663 : vector<16xf32>
        %add3A_666 = arith.addf %mul3A_664, %mul3A_665 : vector<16xf32>
        %add3A_667 = arith.addf %add3A_642, %add3A_666 : vector<16xf32>
        %get3A_668 = arith.constant 0 : i32
        %get3A_669 = arith.index_cast %get3A_668 : i32 to index
        %get3A_670 = arith.index_cast %add3A_486 : i32 to index
        %get3A_671 = arith.constant 224 : index
        %get3A_672 = tpu.vector_load %arg7[%get3A_669, %get3A_670, %get3A_671] {strides = array<i32>} : memref<4x40x256xbf16, #tpu.memory_space<vmem>>, vector<32xbf16>,
        %get3A_673 = arith.constant 0 : i32
        %get3A_674 = arith.index_cast %get3A_673 : i32 to index
        %get3A_675 = arith.index_cast %add3A_486 : i32 to index
        %get3A_676 = arith.constant 224 : index
        %get3A_677 = tpu.vector_load %arg8[%get3A_674, %get3A_675, %get3A_676] {strides = array<i32>} : memref<4x40x256xbf16, #tpu.memory_space<vmem>>, vector<32xbf16>,
        %mul3A_678 = arith.mulf %get3A_672, %get3A_677 : vector<32xbf16>
        %unpack3A_679 = tpu.unpack_subelements %mul3A_678, 0 {pack_format = #tpu.pack_format<interleaved>} : vector<32xbf16> -> vector<16xf32>
        %unpack3A_680 = tpu.unpack_subelements %mul3A_678, 1 {pack_format = #tpu.pack_format<interleaved>} : vector<32xbf16> -> vector<16xf32>
        %add3A_681 = arith.constant 112 : i32
        %add3A_682 = vector.broadcast %add3A_681 : i32 to vector<16xi32>
        %add3A_683 = arith.addi %iota3A, %add3A_682 : vector<16xi32>
        %add3A_684 = arith.addi %gather3A_493, %add3A_683 : vector<16xi32>
        %gather3A_685 = tpu.vector_load_idx %arg6[%add3A_684] : memref<25600xi32, #tpu.memory_space<vmem>>[vector<16xi32>], vector<16xi32>,
        %bitcast3A_686 = vector.bitcast %gather3A_685 : vector<16xi32> to vector<32xbf16>
        %unpack3A_687 = tpu.unpack_subelements %bitcast3A_686, 0 {pack_format = #tpu.pack_format<interleaved>} : vector<32xbf16> -> vector<16xf32>
        %unpack3A_688 = tpu.unpack_subelements %bitcast3A_686, 1 {pack_format = #tpu.pack_format<interleaved>} : vector<32xbf16> -> vector<16xf32>
        %mul3A_689 = arith.mulf %unpack3A_679, %unpack3A_687 : vector<16xf32>
        %mul3A_690 = arith.mulf %unpack3A_680, %unpack3A_688 : vector<16xf32>
        %add3A_691 = arith.addf %mul3A_689, %mul3A_690 : vector<16xf32>
        %add3A_692 = arith.addf %add3A_667, %add3A_691 : vector<16xf32>
        %cumsum3A_693 = arith.constant true
        %cumsum3A_694 = vector.broadcast %cumsum3A_693 : i1 to vector<16xi1>
        %cumsum3A_695 = tpu.scan <sum>, %add3A_692 masked %cumsum3A_694 : vector<16xf32>, vector<16xi1> -> vector<16xf32>
        %add3A_696 = arith.constant 4960 : i32
        %add3A_697 = arith.addi %add3A_696, %add3A_486 : i32
        %broadcast_in_dim3A_698 = arith.constant 0 : i32
        %broadcast_in_dim3A_699 = vector.broadcast %broadcast_in_dim3A_698 : i32 to vector<16xi32>
        %add3A_700 = vector.broadcast %add3A_697 : i32 to vector<16xi32>
        %add3A_701 = arith.addi %broadcast_in_dim3A_699, %add3A_700 : vector<16xi32>
        tpu.vector_store_idx %arg10[%add3A_701], %cumsum3A_695 masked %eq3A_4 : memref<5000xf32, #tpu.memory_space<vmem>>[vector<16xi32>], vector<16xf32>, vector<16xi1>
      }
    }
    %scan3A_211 = arith.constant 3 : i32
    %dma_wait3A_212 = arith.constant 1 : i32
    %dma_wait3A_213 = arith.constant 1 : i32
    %dma_wait3A_214 = arith.constant 1 : i32
    %dma_wait3A_215 = arith.constant 0 : i32
    %dma_wait3A_216 = arith.constant 0 : i32
    %dma_wait3A_217 = tpu.memref_slice %arg7[%dma_wait3A_213, %dma_wait3A_215, %dma_wait3A_216] : memref<4x40x256xbf16, #tpu.memory_space<vmem>> -> memref<1x40x256xbf16, #tpu.memory_space<vmem>>
    %dma_wait3A_218 = tpu.memref_squeeze %dma_wait3A_217 : memref<1x40x256xbf16, #tpu.memory_space<vmem>> -> memref<40x256xbf16, #tpu.memory_space<vmem>>
    %dma_wait3A_219 = arith.constant 0 : i32
    %dma_wait3A_220 = tpu.memref_slice %arg9[%dma_wait3A_212, %dma_wait3A_219] : memref<4x120xi32, #tpu.memory_space<vmem>> -> memref<1x40xi32, #tpu.memory_space<vmem>>
    %dma_wait3A_221 = tpu.memref_squeeze %dma_wait3A_220 : memref<1x40xi32, #tpu.memory_space<vmem>> -> memref<40xi32, #tpu.memory_space<vmem>>
    %dma_wait3A_222 = arith.constant 0 : i32
    %dma_wait3A_223 = arith.constant 0 : i32
    %dma_wait3A_224 = tpu.memref_slice %arg3[%dma_wait3A_222, %dma_wait3A_223] : memref<10000x256xbf16, #tpu.memory_space<hbm>> -> memref<10000x256xbf16, #tpu.memory_space<hbm>>
    %dma_wait3A_225 = tpu.memref_slice %arg11[%dma_wait3A_214] : memref<4x!tpu.dma_semaphore, #tpu.memory_space<semaphore_mem>> -> memref<1x!tpu.dma_semaphore, #tpu.memory_space<semaphore_mem>>
    %dma_wait3A_226 = tpu.memref_squeeze %dma_wait3A_225 : memref<1x!tpu.dma_semaphore, #tpu.memory_space<semaphore_mem>> -> memref<!tpu.dma_semaphore, #tpu.memory_space<semaphore_mem>>
    tpu.wait_indirect_dma semaphore(%dma_wait3A_226 : memref<!tpu.dma_semaphore, #tpu.memory_space<semaphore_mem>>) src(%dma_wait3A_224 : memref<10000x256xbf16, #tpu.memory_space<hbm>>) dst(%dma_wait3A_218 : memref<40x256xbf16, #tpu.memory_space<vmem>>)
    %dma_wait3A_227 = arith.constant 1 : i32
    %dma_wait3A_228 = arith.constant 1 : i32
    %dma_wait3A_229 = arith.constant 1 : i32
    %dma_wait3A_230 = arith.constant 0 : i32
    %dma_wait3A_231 = arith.constant 0 : i32
    %dma_wait3A_232 = tpu.memref_slice %arg8[%dma_wait3A_228, %dma_wait3A_230, %dma_wait3A_231] : memref<4x40x256xbf16, #tpu.memory_space<vmem>> -> memref<1x40x256xbf16, #tpu.memory_space<vmem>>
    %dma_wait3A_233 = tpu.memref_squeeze %dma_wait3A_232 : memref<1x40x256xbf16, #tpu.memory_space<vmem>> -> memref<40x256xbf16, #tpu.memory_space<vmem>>
    %dma_wait3A_234 = arith.constant 80 : i32
    %dma_wait3A_235 = tpu.memref_slice %arg9[%dma_wait3A_227, %dma_wait3A_234] : memref<4x120xi32, #tpu.memory_space<vmem>> -> memref<1x40xi32, #tpu.memory_space<vmem>>
    %dma_wait3A_236 = tpu.memref_squeeze %dma_wait3A_235 : memref<1x40xi32, #tpu.memory_space<vmem>> -> memref<40xi32, #tpu.memory_space<vmem>>
    %dma_wait3A_237 = arith.constant 0 : i32
    %dma_wait3A_238 = arith.constant 0 : i32
    %dma_wait3A_239 = tpu.memref_slice %arg3[%dma_wait3A_237, %dma_wait3A_238] : memref<10000x256xbf16, #tpu.memory_space<hbm>> -> memref<10000x256xbf16, #tpu.memory_space<hbm>>
    %dma_wait3A_240 = tpu.memref_slice %arg12[%dma_wait3A_229] : memref<4x!tpu.dma_semaphore, #tpu.memory_space<semaphore_mem>> -> memref<1x!tpu.dma_semaphore, #tpu.memory_space<semaphore_mem>>
    %dma_wait3A_241 = tpu.memref_squeeze %dma_wait3A_240 : memref<1x!tpu.dma_semaphore, #tpu.memory_space<semaphore_mem>> -> memref<!tpu.dma_semaphore, #tpu.memory_space<semaphore_mem>>
    tpu.wait_indirect_dma semaphore(%dma_wait3A_241 : memref<!tpu.dma_semaphore, #tpu.memory_space<semaphore_mem>>) src(%dma_wait3A_239 : memref<10000x256xbf16, #tpu.memory_space<hbm>>) dst(%dma_wait3A_233 : memref<40x256xbf16, #tpu.memory_space<vmem>>)
    %mul3A_242 = arith.constant 5000 : i32
    %mul3A_243 = arith.muli %add3A, %mul3A_242 : i32
    "tpu.region"() ({
      %run_scoped3A = tpu.sem_alloc : memref<!tpu.dma_semaphore, #tpu.memory_space<semaphore_mem>>
      %dma_start3A_244 = tpu.memref_slice %arg5[%mul3A_243] : memref<160000xf32, #tpu.memory_space<hbm>> -> memref<5000xf32, #tpu.memory_space<hbm>>
      %dma_start3A_245 = tpu.memref_slice %arg5[%mul3A_243] : memref<160000xf32, #tpu.memory_space<hbm>> -> memref<5000xf32, #tpu.memory_space<hbm>>
      tpu.enqueue_dma source(%arg10 : memref<5000xf32, #tpu.memory_space<vmem>>) target(%dma_start3A_245 : memref<5000xf32, #tpu.memory_space<hbm>>) target_semaphore(%run_scoped3A : memref<!tpu.dma_semaphore, #tpu.memory_space<semaphore_mem>>)
      %dma_wait3A_246 = tpu.memref_slice %arg5[%mul3A_243] : memref<160000xf32, #tpu.memory_space<hbm>> -> memref<5000xf32, #tpu.memory_space<hbm>>
      %dma_wait3A_247 = tpu.memref_slice %arg5[%mul3A_243] : memref<160000xf32, #tpu.memory_space<hbm>> -> memref<5000xf32, #tpu.memory_space<hbm>>
      tpu.wait_dma2 semaphore(%run_scoped3A : memref<!tpu.dma_semaphore, #tpu.memory_space<semaphore_mem>>) src(%arg10 : memref<5000xf32, #tpu.memory_space<vmem>>) dst(%dma_wait3A_247 : memref<5000xf32, #tpu.memory_space<hbm>>)
      tpu.yield
    }) : () -> ()
    return
  }
}

</mosaic_0001>

<sc_bundles>
// kernel: kernel.3.cloned.1.call-start
scs
__scs_entry_jumppad:
0x0: {  	(pc) =	sbr.rel $0x88, $3  }
0x1: {  	(tag) =	ssettag $0x0;
	lr =	simm.s32 $0x1  }
0x2: {  	[smem:$0x3F9E] =	sst lr;
	_ =	strace $0xD0000000  }
0x3: {  	_ = 	snop  }
0x4: {  	_ = 	snop  }
0x5: {  	_ = 	snop  }
0x6: {  	_ = 	snop  }
0x7: {  	_ = 	snop  }
__scs_overlays_trampoline_lowered:
0x8: {  	[smem:$0x3FAD] =	sst s0  }
0x9: {  	[smem:$0x3FAE] =	sst s1  }
0xa: {  	[smem:$0x3FAF] =	sst s2  }
0xb: {  	[smem:$0x3FB0] =	sst s3  }
0xc: {  	[smem:$0x3FB1] =	sst s4  }
0xd: {  	[smem:$0x3FB2] =	sst s5  }
0xe: {  	[smem:$0x3FB3] =	sst s6  }
0xf: {  	[smem:$0x3FB4] =	sst s7  }
0x10: {  	[smem:$0x3FB5] =	sst s8  }
0x11: {  	[smem:$0x3FB6] =	sst s9;
	s0 =	simm.s32 @!p0 $0x0  }
0x12: {  	s1 =	sld [smem:$0x3F9C];
	s0 =	simm.s32 @p0 $0x1  }
0x13: {  	[smem:$0x3FB7] =	sst s0;
	s0 =	simm.s32 @!p1 $0x0  }
0x14: {  	s2 =	sld [smem:$0x3F9B];
	s0 =	simm.s32 @p1 $0x1  }
0x15: {  	[smem:$0x3FB8] =	sst s0;
	s0 =	simm.s32 @!p2 $0x0  }
0x16: {  	s3 =	sld [smem:$0x3FDB];
	s0 =	simm.s32 @p2 $0x1  }
0x17: {  	s4 =	simm.s32 $0x1BF5;
	[smem:$0x3FBA] =	sst s0  }
0x18: {  	s0 =	sld [smem:$0x3F9D];
	_ =	swait.ge [sflag:s4], $0x0  }
0x19: {  	s7 =	sld [smem:$0x3F9E]  }
0x1a: {  	s8 =	sadd.s32 $0xFFFFE003, lr  }
0x1b: {  	s9 =	sadd.s32 $0xFFFFFEF7, lr;
	s5 =	simm.s32 $0xFFFFFFFF;
	p2 =	slt.u32 s8, $0xFFFFF086  }
0x1c: {  	p1 =	slt.u32 s9, $0xF7A;
	s5 =	simm.s32 @!p2 $0x0  }
0x1d: {  	s5 =	simm.s32 @p1 $0x1;
	p0 =	seq.s32 s7, s2  }
0x1e: {  	s7 =	smul.u32 @!p0 $0xF7A, s2;
	p2 =	seq.s32 @!p0 s5, $0x0  }
0x1f: {  	s9 =	smul.u32 $0xF7A, s1;
	s8 =	simm.s32 @!p0 $0x1BF5;
	p2 =	por !p2, p0  }
0x20: {  	[sflag:s8] =	ssyncset.s32 @!p0 $0xFFFFF086;
	s6 =	sadd.s32 @!p0 s3, s7;
	s7 =	simm.s32 @!p0 $0x108  }
0x21: {  	s3 =	sadd.s32 s3, s9;
	s6 =	sadd.s32 @!p0 $0x88, s6;
	s7 =	simm.s32 @p2 $0x1082  }
0x22: {  	[simem:s7], [sflag:s8] =	dma.local @!p0 [hbm:s6], $0xF7A  }
0x23: {  	s9 =	sor.u32 $0xD0000000, s2;
	s6 =	simm.s32 $0x108;
	_ =	swait.ge @!p0 [sflag:s8], $0x0  }
0x24: {  	s3 =	sadd.s32 $0x88, s3;
	s6 =	simm.s32 @!p1 $0x1082;
	[sflag:s4] =	ssyncset.s32 $0xFFFFF086  }
0x25: {  	[simem:s6], [sflag:s4] =	dma.local [hbm:s3], $0xF7A  }
0x26: {  	[smem:$0x3F9E] =	sst s1;
	(tag) =	ssettag s2;
	_ =	strace s9  }
0x27: {  	s1 =	sld [smem:$0x3FAE]  }
0x28: {  	s2 =	sld [smem:$0x3FAF]  }
0x29: {  	s4 =	sld [smem:$0x3FB1]  }
0x2a: {  	p0 =	seq.s32 s5, $0x0;
	s5 =	sld [smem:$0x3FB2]  }
0x2b: {  	s6 =	sld [smem:$0x3FB3]  }
0x2c: {  	s7 =	sld [smem:$0x3FB4]  }
0x2d: {  	s3 =	simm.s32 $0x108;
	s8 =	sld [smem:$0x3FB5]  }
0x2e: {  	s3 =	simm.s32 @!p0 $0x1082;
	s9 =	sld [smem:$0x3FB6]  }
0x2f: {  	lr =	sadd.s32 s0, s3;
	s0 =	sld [smem:$0x3FAD]  }
0x30: {  	s3 =	sld [smem:$0x3FB0]  }
0x31: {  	[smem:$0x3FB9] =	sst s10  }
0x32: {  	s10 =	sld [smem:$0x3FB7];
	_ =	sdelay $0x3  }
0x33: {  	p0 =	seq.s32 s10, $0x1;
	s10 =	sld [smem:$0x3FB9];
	_ =	sdelay $0x3  }
0x34: {  	[smem:$0x3FB9] =	sst s10  }
0x35: {  	s10 =	sld [smem:$0x3FB8];
	_ =	sdelay $0x3  }
0x36: {  	p1 =	seq.s32 s10, $0x1;
	s10 =	sld [smem:$0x3FB9];
	_ =	sdelay $0x3  }
0x37: {  	[smem:$0x3FB9] =	sst s10  }
0x38: {  	s10 =	sld [smem:$0x3FBA]  }
0x39: {  	_ = 	snop;
	(pc) =	sbr.ind lr, $3  }
0x3a: {  	_ = 	snop  }
0x3b: {  	_ = 	snop  }
0x3c: {  	p2 =	seq.s32 s10, $0x1;
	s10 =	sld [smem:$0x3FB9]  }
0x3d: {  	_ =	shalt  }
0x3e: {  	_ =	shalt  }
0x3f: {  	_ =	shalt  }
0x40: {  	_ =	shalt  }
0x41: {  	_ =	shalt  }
0x42: {  	_ =	shalt  }
0x43: {  	_ =	shalt  }
0x44: {  	_ =	shalt  }
0x45: {  	_ =	shalt  }
0x46: {  	_ =	shalt  }
0x47: {  	_ =	shalt  }
0x48: {  	_ =	shalt  }
0x49: {  	_ =	shalt  }
0x4a: {  	_ =	shalt  }
0x4b: {  	_ =	shalt  }
0x4c: {  	_ =	shalt  }
0x4d: {  	_ =	shalt  }
0x4e: {  	_ =	shalt  }
0x4f: {  	_ =	shalt  }
0x50: {  	_ =	shalt  }
0x51: {  	_ =	shalt  }
0x52: {  	_ =	shalt  }
0x53: {  	_ =	shalt  }
0x54: {  	_ =	shalt  }
0x55: {  	_ =	shalt  }
0x56: {  	_ =	shalt  }
0x57: {  	_ =	shalt  }
0x58: {  	_ =	shalt  }
0x59: {  	_ =	shalt  }
0x5a: {  	_ =	shalt  }
0x5b: {  	_ =	shalt  }
0x5c: {  	_ =	shalt  }
0x5d: {  	_ =	shalt  }
0x5e: {  	_ =	shalt  }
0x5f: {  	_ =	shalt  }
0x60: {  	_ =	shalt  }
0x61: {  	_ =	shalt  }
0x62: {  	_ =	shalt  }
0x63: {  	_ =	shalt  }
0x64: {  	_ =	shalt  }
0x65: {  	_ =	shalt  }
0x66: {  	_ =	shalt  }
0x67: {  	_ =	shalt  }
0x68: {  	_ =	shalt  }
0x69: {  	_ =	shalt  }
0x6a: {  	_ =	shalt  }
0x6b: {  	_ =	shalt  }
0x6c: {  	_ =	shalt  }
0x6d: {  	_ =	shalt  }
0x6e: {  	_ =	shalt  }
0x6f: {  	_ =	shalt  }
0x70: {  	_ =	shalt  }
0x71: {  	_ =	shalt  }
0x72: {  	_ =	shalt  }
0x73: {  	_ =	shalt  }
0x74: {  	_ =	shalt  }
0x75: {  	_ =	shalt  }
0x76: {  	_ =	shalt  }
0x77: {  	_ =	shalt  }
0x78: {  	_ =	shalt  }
0x79: {  	_ =	shalt  }
0x7a: {  	_ =	shalt  }
0x7b: {  	_ =	shalt  }
0x7c: {  	_ =	shalt  }
0x7d: {  	_ =	shalt  }
0x7e: {  	_ =	shalt  }
0x7f: {  	_ =	shalt  }
0x80: {  	_ =	shalt  }
0x81: {  	_ =	shalt  }
0x82: {  	_ =	shalt  }
0x83: {  	_ =	shalt  }
0x84: {  	_ =	shalt  }
0x85: {  	_ =	shalt  }
0x86: {  	_ =	shalt  }
0x87: {  	_ =	shalt  }
.Lfunc_end0:
.L_simem_size_0:
called_computation_lowered:
.L_overlay_start_0:
0x88: {  	s2 =	sld [smem:$0x3FD9]  }
0x89: {  	s3 =	sld [smem:$0x3FFE];
	_ =	sdelay $0x1  }
0x8a: {  	s1 =	srdreg.scid  }
0x8b: {  	s0 =	sand.u32 $0x1, s1  }
0x8c: {  	s17 =	sshll.u32 s0, $0xA;
	s2 =	sadd.s32 s3, s2  }
0x8d: {  	s2 =	sadd.s32 s2, s17  }
0x8e: {  	[smem:$0x3FC5] =	sst s2  }
0x8f: {  	_ = 	snop  }
0x90: {  	s2 =	sld [smem:$0x3FD0];
	(tm) =	ssettm $0x1  }
0x91: {  	s18 =	sld [smem:$0x3FFB];
	_ =	sdelay $0x3  }
0x92: {  	_ =	strace s18  }
0x93: {  	s3 =	sld [smem:$0x3FFC];
	_ =	sdelay $0x3  }
0x94: {  	_ =	strace s3  }
0x95: {  	s3 =	sld [smem:$0x3FFD];
	_ =	sdelay $0x3  }
0x96: {  	_ =	strace s3  }
0x97: {  	_ =	strace $0x8FFFFFFF  }
0x98: {  	s19 =	sld [smem:$0x3FDB];
	_ =	sdelay $0x1  }
0x99: {  	s4 =	simm.s32 $_scs_section_size  }
0x9a: {  	s5 =	simm.s32 $_size__tile_overlayer_lowered;
	s6 =	simm.s32 $_tile_overlayer_lowered  }
0x9b: {  	s22 =	simm.s32 $0x1BFF;
	s21 =	sshll.u32 s6, $0x1;
	s3 =	sadd.s32 s4, s19  }
0x9c: {  	s7 =	simm.s32 $0x0;
	s20 =	sshll.u32 s5, $0x1;
	s5 =	sadd.s32 s21, s3  }
0x9d: {  	[timem:s7], [sflag:s22] =	dma.local [hbm:s5], s20  }
0x9e: {  	_ =	swait.ge [sflag:s22], s20  }
0x9f: {  	s4 =	ssub.s32 $0x0, s20;
	[sflag:s22] =	ssyncset.done $0x0  }
0xa0: {  	[sflag:s22] =	ssyncadd.s32 s4;
	_ =	sdelay $0x1  }
0xa1: {  	s23 =	simm.s32 $0x1B8B  }
0xa2: {  	_ =	swait.ge [sflag:s23], $0x1  }
0xa3: {  	[sflag:s23] =	ssyncset.done $0x0  }
0xa4: {  	s25 =	simm.s32 $0x1B8E;
	s24 =	sld [smem:$0x3FFE];
	[sflag:s23] =	ssyncadd.s32 $0xFFFFFFFF  }
0xa5: {  	s26 =	simm.s32 $execute0_lowered;
	[smem:$0x3FD2] =	sst s25  }
0xa6: {  	s5 =	sshll.u32 s26, $0x1;
	_ =	strace $0x80000046;
	[dreg:$0x1] =	wrdreg $0xFFFFFFFF  }
0xa7: {  	s28 =	simm.s32 $_size_execute0_lowered;
	s3 =	sadd.s32 s3, s5;
	[dreg:$0x0] =	wrdreg $0x0  }
0xa8: {  	s5 =	sshll.u32 s28, $0x1;
	[dreg:$0x2] =	wrdreg s3  }
0xa9: {  	[dreg:$0x3] =	wrdreg s5  }
0xaa: {  	[dreg:$0x4] =	wrdreg $0xC0  }
0xab: {  	_ =	task [dreg:s7], $0x5FFFF  }
0xac: {  	[dreg:$0x1] =	wrdreg $0xFFFFFFFF  }
0xad: {  	[dreg:$0x0] =	wrdreg $0x60  }
0xae: {  	[dreg:$0x2] =	wrdreg s24  }
0xaf: {  	[dreg:$0x3] =	wrdreg s2  }
0xb0: {  	[dreg:$0x4] =	wrdreg $0x9  }
0xb1: {  	_ =	task.clear_ibuf [dreg:s7], $0x5FFFF;
	_ =	strace $0x90000046  }
0xb2: {  	s29 =	simm.s32 $0x9;
	_ =	strace $0x80000048  }
0xb3: {  	_ =	swait.ge [sflag:s29], $0x1  }
0xb4: {  	[sflag:s29] =	ssyncadd.s32 $0xFFFFFFFF  }
0xb5: {  	_ =	strace $0x90000048  }
0xb6: {  	_ =	sfence  }
0xb7: {  	s30 =	sld [smem:$0x0];
	_ =	sdelay $0x2  }
0xb8: {  	s31 =	sshll.u32 s1, $0xD;
	s1 =	sshrl.u32 s1, $0x2  }
0xb9: {  	s3 =	sand.u32 $0x4000, s31;
	s1 =	sadd.s32 s1, s30  }
0xba: {  	s0 =	sor.u32 s3, s0;
	s1 =	sshll.u32 s1, $0x11  }
0xbb: {  	s0 =	sor.u32 s1, s0  }
0xbc: {  	s0 =	sadd.s32 $0x8F2B, s0  }
0xbd: {  	[sflag:s0] =	ssyncadd.remote.s32 $0x1  }
0xbe: {  	_ =	sfence.sel $0xFFFF  }
0xbf: {  	[dreg:$0x0] =	wrdreg $0xFFFFFFFF;
	(pc) =	sbr.abs _section_cstart, $3  }
0xc0: {  	[dreg:$0x1] =	wrdreg $0xFFFFFFFF  }
0xc1: {  	_ =	task.clear_ibuf [dreg:s7], $0x2FFFF;
	_ =	strace $0x9FFFFFFF  }
0xc2: {  	(tm) =	ssettm $0x7FFFFFFF  }
0xc3: {  	_ =	shalt  }
tec
execute0_lowered:
.L_overlay_start_1:
0x0: {  	(tag) =	ssettag $0x1  }
0x1: {  	s0 =	rddreg [dreg:$0x0]  }
0x2: {  	s1 =	rddreg [dreg:$0x1]  }
0x3: {  	s3 =	srdreg.scid;
	s4 =	stileid.u32  }
0x4: {  	s2 =	simm.s32 $0x0;
	s5 =	sand.u32 $0x1, s3;
	s4 =	sshll.u32 s4, $0x1  }
0x5: {  	[smem:$0x7FF] =	sst s2;
	s20 =	sadd.s32 $0xE00, s0;
	s6 =	sor.u32 s5, s4  }
0x6: {  	s21 =	sadd.s32 $0x10800, s0;
	s0 =	sadd.s32 $0xFA00, s0;
	s7 =	smul.u32 $0x3A98, s6  }
0x7: {  	_ =	strace $0x80000047;
	[dreg:$0x4] =	wrdreg s21;
	s8 =	smul.u32 $0x753, s6  }
0x8: {  	s5 =	ssub.s32 $0x2, s5;
	[dreg:$0x5] =	wrdreg s0;
	s23 =	smul.u32 $0x7D, s6  }
0x9: {  	v0 =	vimm.s32 $0xECA86420;
	vm0 =	vcmask $0xB08;
	vm1 =	vcmask $0x1310;
	[dreg:$0x3] =	wrdreg s20;
	s22 =	sshrl.u32 s5, $0x1;
	s6 =	smul.u32 $0x271, s6  }
0xa: {  	vm2 =	vcmask $0x1B18;
	vm3 =	vcmask $0x300;
	vm4 =	vcmask $0x2320;
	s0 =	ssub.s32 s5, s22;
	s9 =	sadd.s32 $0x78, s7;
	s24 =	sadd.s32 s20, s8  }
0xb: {  	vm5 =	vcmask $0x2B28;
	vm6 =	vcmask $0x3330;
	v1 =	vlaneseq.u32;
	s26 =	sshrl.u32 s7, $0x3;
	s31 =	sadd.s32 $0x4, s23;
	[dreg:$0x6] =	wrdreg s24  }
0xc: {  	vm7 =	vcmask $0x3B38;
	vm8 =	vmmov $0xff;
	vm11 =	vcmask $0x1714;
	s7 =	sadd.s32 $0x168, s7;
	s1 =	sadd.s32 s1, s6;
	[dreg:$0xa] =	wrdreg s31  }
0xd: {  	vm12 =	vcmask $0x1F1C;
	vm13 =	vcmask $0x2724;
	vm14 =	vcmask $0x2F2C;
	s0 =	smax.u32 s0, $0x1;
	s25 =	sshrl.u32 s9, $0x3;
	[dreg:$0xb] =	wrdreg s1  }
0xe: {  	vm15 =	vcmask $0x3734;
	vm9 =	vcmask $0x3F3C;
	v0 =	vunpack.c.l.s4.s8 v0;
	s9 =	sadd.s32 s20, s26;
	[dreg:$0xc] =	wrdreg s0;
	s29 =	sadd.s32 s20, s25  }
0xf: {  	v2 =	vmul.u32 $0x2, v1;
	v3 =	vor.u32 $0x10, v1;
	v4 =	vor.u32 $0x20, v1;
	s7 =	sshrl.u32 s7, $0x3;
	s30 =	sadd.s32 $0x1E, s9;
	[dreg:$0x7] =	wrdreg s29  }
0x10: {  	s28 =	simm.s32 $0x105E0;
	v5 =	vor.u32 $0x30, v1;
	v6 =	vor.u32 $0x40, v1;
	v7 =	vor.u32 $0x50, v1;
	s3 =	sadd.s32 s20, s7;
	[dreg:$0x8] =	wrdreg s30  }
0x11: {  	v8 =	vor.u32 $0x60, v1;
	v9 =	vor.u32 $0x70, v1;
	v0 =	vunpack.c.0.s8.s32 v0;
	s1 =	simm.s32 $0xD;
	[dreg:$0x9] =	wrdreg s3;
	s3 =	simm.s32 $0x0  }
.LBB2_1:
0x12: {  	[dreg:$0xd] =	wrdreg s3  }
0x13: {  	s0 =	rddreg [dreg:$0x5]  }
0x14: {  	[tilespmem:s2], [sflag:$0xD] =	stream.linear.gather [hbm4b:s0+s2], $0x6400, $0x38;
	[tilespmem:$0x11968] =	vst v63  }
0x15: {  	_ =	swait.ge [sflag:s1], $0x6400  }
0x16: {  	[sflag:s1] =	ssyncset.done $0x0  }
0x17: {  	s15 =	simm.s32 $0x10400;
	s14 =	rddreg [dreg:$0x6];
	[sflag:s1] =	ssyncadd.s32 $0xFFFF9C00  }
0x18: {  	[tilespmem:s15], [sflag:$0x9] =	stream.linear.gather [hbm4b:s14+s2], $0x78, $0x38;
	[tilespmem:$0x11968] =	vst v63  }
0x19: {  	s17 =	simm.s32 $0x10478;
	s18 =	simm.s32 $0x9;
	s16 =	rddreg [dreg:$0x7]  }
0x1a: {  	[tilespmem:s17], [sflag:$0xA] =	stream.linear.gather [hbm4b:s16+s2], $0x78, $0x38;
	[tilespmem:$0x11968] =	vst v63  }
0x1b: {  	_ =	swait.ge [sflag:s18], $0x78  }
0x1c: {  	[sflag:s18] =	ssyncset.done $0x0  }
0x1d: {  	s19 =	simm.s32 $0xA;
	[sflag:s18] =	ssyncadd.s32 $0xFFFFFF88  }
0x1e: {  	_ =	swait.ge [sflag:s19], $0x78  }
0x1f: {  	[sflag:s19] =	ssyncset.done $0x0  }
0x20: {  	s4 =	simm.s32 $0x104F0;
	s20 =	rddreg [dreg:$0x8];
	[sflag:s19] =	ssyncadd.s32 $0xFFFFFF88  }
0x21: {  	[tilespmem:s4], [sflag:$0xB] =	stream.linear.gather [hbm4b:s20+s2], $0x78, $0x38;
	[tilespmem:$0x11968] =	vst v63  }
0x22: {  	s22 =	simm.s32 $0x10568;
	s21 =	rddreg [dreg:$0x9]  }
0x23: {  	[tilespmem:s22], [sflag:$0xC] =	stream.linear.gather [hbm4b:s21+s2], $0x78, $0x38;
	[tilespmem:$0x11968] =	vst v63  }
0x24: {  	s24 =	simm.s32 $0x28;
	s5 =	simm.s32 $0x6400;
	s23 =	rddreg [dreg:$0x4]  }
0x25: {  	[tilespmem:s5], [sflag:$0x1] =	stream.indirect.gather [hbm4b:s23+s24], $0x80, s15, s24, $0xb8;
	[tilespmem:$0x11968] =	vst v63  }
0x26: {  	s25 =	simm.s32 $0x10450;
	s26 =	simm.s32 $0xB400  }
0x27: {  	[tilespmem:s26], [sflag:$0x5] =	stream.indirect.gather [hbm4b:s23+s24], $0x80, s25, s24, $0xb8;
	[tilespmem:$0x11968] =	vst v63  }
0x28: {  	s29 =	simm.s32 $0x7800;
	s30 =	simm.s32 $0x104C8;
	s31 =	simm.s32 $0xC800  }
0x29: {  	[tilespmem:s29], [sflag:$0x2] =	stream.indirect.gather [hbm4b:s23+s24], $0x80, s17, s24, $0xb8;
	[tilespmem:$0x11968] =	vst v63  }
0x2a: {  	s3 =	simm.s32 $0x0;
	s19 =	simm.s32 $0x0;
	s4 =	simm.s32 $0x0  }
0x2b: {  	[tilespmem:s31], [sflag:$0x6] =	stream.indirect.gather [hbm4b:s23+s24], $0x80, s30, s24, $0xb8;
	[tilespmem:$0x11968] =	vst v63  }
.LBB2_2:
0x2c: {  	s20 =	sand.u32 $0x3, s4  }
0x2d: {  	s5 =	sxor.u32 $0x2, s20  }
0x2e: {  	[dreg:$0x10] =	wrdreg s4;
	s6 =	sadd.s32 $0x9, s5;
	s7 =	smul.u32 $0x2800, s5  }
0x2f: {  	s1 =	simm.s32 $0x28;
	s8 =	smul.u32 $0x1E0, s5;
	_ =	swait.ge [sflag:s6], $0x78  }
0x30: {  	s29 =	sand.u32 $0x3, s3;
	s11 =	sadd.s32 $0x1, s5;
	[sflag:s6] =	ssyncset.done $0x0  }
0x31: {  	s21 =	sshrl.u32 s7, $0x1;
	s22 =	sshrl.u32 s8, $0x2;
	s0 =	rddreg [dreg:$0x4]  }
0x32: {  	[sflag:s6] =	ssyncadd.s32 $0xFFFFFF88;
	s23 =	sadd.s32 $0x6400, s21;
	s9 =	sor.u32 $0x10400, s22  }
0x33: {  	[tilespmem:s23], [sflag:s11] =	stream.indirect.gather [hbm4b:s0+s1], $0x80, s9, s1, $0xb8;
	[tilespmem:$0x11968] =	vst v63  }
0x34: {  	s5 =	sadd.s32 $0x5, s5;
	s6 =	sadd.s32 $0xB400, s21;
	s7 =	sadd.s32 $0x10450, s22  }
0x35: {  	[tilespmem:s6], [sflag:s5] =	stream.indirect.gather [hbm4b:s0+s1], $0x80, s7, s1, $0xb8;
	[tilespmem:$0x11968] =	vst v63  }
0x36: {  	s7 =	smul.u32 $0x5000, s29  }
0x37: {  	s4 =	simm.s32 $0x0;
	s24 =	sadd.s32 $0x1, s20  }
0x38: {  	s26 =	smul.u32 $0x1E0, s20;
	_ =	swait.ge [sflag:s24], $0x1400;
	s31 =	sshrl.u32 s7, $0x2  }
0x39: {  	s25 =	sadd.s32 $0x5, s20;
	[dreg:$0x11] =	wrdreg s20;
	[sflag:s24] =	ssyncset.done $0x0;
	v11 =	vmov s31  }
0x3a: {  	s6 =	sshrl.u32 s26, $0x2;
	[dreg:$0xe] =	wrdreg s3;
	[sflag:s24] =	ssyncadd.s32 $0xFFFFEC00  }
0x3b: {  	s26 =	simm.s32 $0x6440;
	s30 =	sor.u32 $0x10400, s6;
	_ =	swait.ge [sflag:s25], $0x1400  }
0x3c: {  	s5 =	simm.s32 $0x0;
	[dreg:$0x12] =	wrdreg s30;
	[sflag:s25] =	ssyncset.done $0x0  }
0x3d: {  	s3 =	simm.s32 $0xB440;
	v10 =	vmov s30;
	[dreg:$0xf] =	wrdreg s19;
	[sflag:s25] =	ssyncadd.s32 $0xFFFFEC00  }
.LBB2_3:
0x3e: {  	_ =	sdelay $0x2  }
0x3f: {  	s6 =	sshll.u32 s5, $0x4  }
0x40: {  	v12 =	vld.idx.msk [tilespmem:v10+s6+$0x28 ss:$0x1], $0xffff;
	_ =	sdelay $0x4  }
0x41: {  	(v2sf) =	vpush v12, $0xD;
	_ =	sdelay $0x1  }
0x42: {  	(v2sf) =	vpush v12, $0xC;
	_ =	sdelay $0x1  }
0x43: {  	(v2sf) =	vpush v12, $0xE;
	_ =	sdelay $0x1  }
0x44: {  	(v2sf) =	vpush v12, $0xF;
	_ =	sdelay $0x1  }
0x45: {  	(v2sf) =	vpush v12, $0x9;
	_ =	sdelay $0x1  }
0x46: {  	(v2sf) =	vpush v12, $0x8;
	_ =	sdelay $0x1  }
0x47: {  	(v2sf) =	vpush v12, $0xA;
	_ =	sdelay $0x1  }
0x48: {  	(v2sf) =	vpush v12, $0xB  }
0x49: {  	s24 =	spop (v2sf)  }
0x4a: {  	(v2sf) =	vpush v12, $0x0;
	s7 =	smulhi.u32 $0x51EB851F, s24;
	s6 =	sshra.s32 s24, $0x1F  }
0x4b: {  	s8 =	spop (v2sf);
	s6 =	smul.u32 $0x51EB851F, s6  }
0x4c: {  	(v2sf) =	vpush v12, $0x1;
	s9 =	smulhi.u32 $0x51EB851F, s8;
	s8 =	sshra.s32 s8, $0x1F  }
0x4d: {  	(v2sf) =	vpush v12, $0x2;
	s11 =	spop (v2sf);
	s8 =	smul.u32 $0x51EB851F, s8  }
0x4e: {  	[dreg:$0x16] =	wrdreg s5;
	(v2sf) =	vpush v12, $0x3;
	s16 =	smulhi.u32 $0x51EB851F, s11;
	s11 =	sshra.s32 s11, $0x1F  }
0x4f: {  	(v2sf) =	vpush v12, $0x4;
	s12 =	spop (v2sf);
	s11 =	smul.u32 $0x51EB851F, s11  }
0x50: {  	[dreg:$0x15] =	wrdreg s4;
	(v2sf) =	vpush v12, $0x5;
	s31 =	smulhi.u32 $0x51EB851F, s12;
	s12 =	sshra.s32 s12, $0x1F  }
0x51: {  	(v2sf) =	vpush v12, $0x6;
	s17 =	spop (v2sf);
	s12 =	smul.u32 $0x51EB851F, s12  }
0x52: {  	[dreg:$0x14] =	wrdreg s3;
	(v2sf) =	vpush v12, $0x7;
	s0 =	smulhi.u32 $0x51EB851F, s17;
	s17 =	sshra.s32 s17, $0x1F  }
0x53: {  	s29 =	spop (v2sf);
	s17 =	smul.u32 $0x51EB851F, s17  }
0x54: {  	s7 =	sadd.s32 s6, s7;
	s10 =	smulhi.u32 $0x51EB851F, s29;
	s29 =	sshra.s32 s29, $0x1F  }
0x55: {  	s9 =	sadd.s32 s8, s9;
	s30 =	spop (v2sf);
	s29 =	smul.u32 $0x51EB851F, s29  }
0x56: {  	s5 =	sshrl.u32 s7, $0x1F;
	s23 =	smulhi.u32 $0x51EB851F, s30;
	s30 =	sshra.s32 s30, $0x1F  }
0x57: {  	s7 =	sshra.s32 s7, $0x6;
	s13 =	spop (v2sf);
	s18 =	smul.u32 $0x51EB851F, s30  }
0x58: {  	s15 =	sshrl.u32 s9, $0x1F;
	s21 =	smulhi.u32 $0x51EB851F, s13;
	s13 =	sshra.s32 s13, $0x1F  }
0x59: {  	s8 =	sadd.s32 s11, s16;
	s1 =	spop (v2sf);
	s13 =	smul.u32 $0x51EB851F, s13  }
0x5a: {  	s6 =	sadd.s32 s12, s31;
	s24 =	smulhi.u32 $0x51EB851F, s1;
	s1 =	sshra.s32 s1, $0x1F  }
0x5b: {  	s17 =	sadd.s32 s17, s0;
	s25 =	spop (v2sf);
	s1 =	smul.u32 $0x51EB851F, s1  }
0x5c: {  	s20 =	spop (v2sf);
	s16 =	smulhi.u32 $0x51EB851F, s25;
	s3 =	sshra.s32 s25, $0x1F  }
0x5d: {  	s29 =	sadd.s32 s29, s10;
	s4 =	spop (v2sf);
	s3 =	smul.u32 $0x51EB851F, s3  }
0x5e: {  	s0 =	smulhi.u32 $0x51EB851F, s20;
	s12 =	sshra.s32 s20, $0x1F;
	s22 =	spop (v2sf)  }
0x5f: {  	s10 =	smul.u32 $0x51EB851F, s12;
	s12 =	sadd.s32 s18, s23;
	s14 =	spop (v2sf)  }
0x60: {  	s18 =	smulhi.u32 $0x51EB851F, s4;
	s4 =	sshra.s32 s4, $0x1F;
	s30 =	spop (v2sf)  }
0x61: {  	s25 =	sshrl.u32 s8, $0x1F;
	s4 =	smul.u32 $0x51EB851F, s4;
	s23 =	spop (v2sf)  }
0x62: {  	s11 =	sadd.s32 s13, s21;
	s31 =	smulhi.u32 $0x51EB851F, s23;
	s13 =	sshra.s32 s23, $0x1F  }
0x63: {  	s20 =	sshrl.u32 s6, $0x1F;
	s1 =	sadd.s32 s1, s24;
	s13 =	smul.u32 $0x51EB851F, s13  }
0x64: {  	s24 =	sshra.s32 s22, $0x1F;
	s0 =	sadd.s32 s10, s0;
	s10 =	smulhi.u32 $0x51EB851F, s22  }
0x65: {  	s3 =	sadd.s32 s3, s16;
	s24 =	smul.u32 $0x51EB851F, s24;
	s16 =	sadd.s32 s13, s31  }
0x66: {  	v14 =	vmov s15;
	s21 =	sshrl.u32 s11, $0x1F;
	s22 =	sshrl.u32 s29, $0x1F;
	s31 =	sshra.s32 s16, $0x1F  }
0x67: {  	v14 =	vsel vm0, s5, v14;
	s4 =	sadd.s32 s4, s18;
	s10 =	sadd.s32 s24, s10;
	s24 =	sshra.s32 s1, $0x6;
	v13 =	vmov s31  }
0x68: {  	vm10 =	vcmask $0x704;
	v14 =	vsel vm1, s25, v14;
	s18 =	sshrl.u32 s3, $0x1F;
	s31 =	sshrl.u32 s1, $0x1F;
	s1 =	sshra.s32 s1, $0x1F;
	v13 =	vsel vm3, s24, v13  }
0x69: {  	v14 =	vsel vm2, s20, v14;
	s5 =	smulhi.u32 $0x51EB851F, s14;
	s14 =	sshra.s32 s14, $0x1F;
	s24 =	sshra.s32 s3, $0x6;
	v13 =	vsel vm10, s1, v13  }
0x6a: {  	s25 =	sshra.s32 s0, $0x6;
	s14 =	smul.u32 $0x51EB851F, s14;
	v15 =	vmov s31;
	s3 =	sshra.s32 s3, $0x1F;
	vm10 =	vcmask $0xF0C;
	v13 =	vsel vm0, s24, v13  }
0x6b: {  	v16 =	vmov s22;
	s22 =	sshra.s32 s4, $0x1F;
	s15 =	smulhi.u32 $0x51EB851F, s30;
	s23 =	sshrl.u32 s17, $0x1F;
	v15 =	vnsel vm3, $0x0, v15;
	v13 =	vsel vm10, s3, v13  }
0x6c: {  	v16 =	vsel vm0, s23, v16;
	s13 =	sshrl.u32 s12, $0x1F;
	s31 =	sshrl.u32 s0, $0x1F;
	s0 =	sshra.s32 s0, $0x1F;
	v15 =	vsel vm0, s18, v15;
	v13 =	vsel vm1, s25, v13  }
0x6d: {  	v16 =	vsel vm1, s13, v16;
	s24 =	sshra.s32 s30, $0x1F;
	s30 =	sshrl.u32 s4, $0x1F;
	s18 =	sshra.s32 s4, $0x6;
	v15 =	vsel vm1, s31, v15;
	v13 =	vsel vm11, s0, v13  }
0x6e: {  	v16 =	vsel vm2, s21, v16;
	s1 =	sadd.s32 s14, s5;
	s14 =	sshrl.u32 s10, $0x1F;
	s31 =	smul.u32 $0x51EB851F, s24;
	v15 =	vsel vm2, s30, v15;
	v13 =	vsel vm2, s18, v13  }
0x6f: {  	v14 =	vcombine.low v16, v14;
	s24 =	sshra.s32 s10, $0x6;
	s25 =	sshra.s32 s9, $0x6;
	s30 =	sshra.s32 s29, $0x6;
	v15 =	vsel vm4, s14, v15;
	v13 =	vsel vm12, s22, v13  }
0x70: {  	s20 =	sshrl.u32 s1, $0x1F;
	s3 =	sadd.s32 s31, s15;
	s31 =	sshra.s32 s10, $0x1F;
	v16 =	vmov s25;
	v17 =	vmov s30;
	v13 =	vsel vm4, s24, v13  }
0x71: {  	s9 =	sshra.s32 s17, $0x6;
	s10 =	sshra.s32 s1, $0x6;
	v15 =	vsel vm5, s20, v15;
	s23 =	sshrl.u32 s3, $0x1F;
	v16 =	vsel vm0, s7, v16;
	v13 =	vsel vm13, s31, v13  }
0x72: {  	s13 =	sshra.s32 s8, $0x6;
	s14 =	sshra.s32 s12, $0x6;
	s15 =	sshra.s32 s1, $0x1F;
	v17 =	vsel vm0, s9, v17;
	v15 =	vsel vm6, s23, v15;
	v13 =	vsel vm5, s10, v13  }
0x73: {  	s17 =	sshra.s32 s6, $0x6;
	s18 =	sshra.s32 s11, $0x6;
	s20 =	sshra.s32 s3, $0x6;
	v16 =	vsel vm1, s13, v16;
	v17 =	vsel vm1, s14, v17;
	v13 =	vsel vm14, s15, v13  }
0x74: {  	s21 =	sshrl.u32 s16, $0x1F;
	s22 =	sshra.s32 s3, $0x1F;
	v16 =	vsel vm2, s17, v16;
	v17 =	vsel vm2, s18, v17;
	v13 =	vsel vm6, s20, v13  }
0x75: {  	s23 =	sshra.s32 s16, $0x6;
	v15 =	vsel vm7, s21, v15;
	v16 =	vcombine.low v17, v16;
	v13 =	vsel vm15, s22, v13  }
0x76: {  	v14 =	vperm.xlane v14, v0;
	v15 =	vperm.xlane v15, v2;
	v13 =	vsel vm7, s23, v13  }
0x77: {  	v16 =	vperm.xlane v16, v0;
	v13 =	vperm.xlane v13, v2;
	_ =	sdelay $0x1  }
0x78: {  	v14 =	vsel vm8, v15, v14;
	v13 =	vsel vm8, v13, v16  }
0x79: {  	v13 =	vadd.s32 v14, v13  }
0x7a: {  	v13 =	vmul.u32 $0xC8, v13  }
0x7b: {  	v20 =	vld.idx.msk [tilespmem:v11+s26+$0xFFFFFFD0 ss:$0x1], $0xffff  }
0x7c: {  	v22 =	vld.idx.msk [tilespmem:v11+s26+$0xFFFFFFC0 ss:$0x1], $0xffff;
	s3 =	rddreg [dreg:$0x14];
	s24 =	simm.s32 $0x0;
	v12 =	vsub.s32 v12, v13  }
0x7d: {  	v18 =	vld.idx.msk [tilespmem:v11+s3+$0xFFFFFFD0 ss:$0x1], $0xffff;
	v13 =	vmov s24;
	v12 =	vshll.u32 v12, $0x7  }
0x7e: {  	v15 =	vld.idx.msk [tilespmem:v11+s26+$0xFFFFFFE0 ss:$0x1], $0xffff;
	v13 =	vperm.xlane v12, v13  }
0x7f: {  	v14 =	vld.idx.msk [tilespmem:v11+s3+$0xFFFFFFE0 ss:$0x1], $0xffff  }
0x80: {  	v28 =	vld.idx.msk [tilespmem:v11+s26+$0x10 ss:$0x1], $0xffff;
	v17 =	vadd.s32 v1, v13  }
0x81: {  	v21 =	vld.idx.msk [tilespmem:v11+s3+$0xFFFFFFC0 ss:$0x1], $0xffff;
	v19 =	vadd.s32 v3, v13  }
0x82: {  	v27 =	vld.idx.msk [tilespmem:v11+s3+$0xFFFFFFF0 ss:$0x1], $0xffff;
	v16 =	vadd.s32 v4, v13  }
0x83: {  	v18 =	vmul.bf16 v18, v20;
	v20 =	vld.idx.msk [tilespmem:v11+s3+$0x10 ss:$0x1], $0xffff  }
0x84: {  	v14 =	vmul.bf16 v14, v15;
	v15 =	vld.idx.msk [tilespmem:v11+s26+$0xFFFFFFF0 ss:$0x1], $0xffff  }
0x85: {  	v17 =	vld.idx.msk [tilespmem:v17+s2+$0x0], $0xffff  }
0x86: {  	v21 =	vmul.bf16 v21, v22;
	v19 =	vld.idx.msk [tilespmem:v19+s2+$0x0], $0xffff  }
0x87: {  	v22 =	vunpack.i.u.bf16.f32 v18;
	v23 =	vadd.s32 v5, v13;
	v16 =	vld.idx.msk [tilespmem:v16+s2+$0x0], $0xffff  }
0x88: {  	v18 =	vunpack.i.l.bf16.f32 v18;
	v29 =	vunpack.i.u.bf16.f32 v21;
	v21 =	vunpack.i.l.bf16.f32 v21  }
0x89: {  	v20 =	vmul.bf16 v20, v28;
	v24 =	vadd.s32 v6, v13;
	v25 =	vadd.s32 v7, v13  }
0x8a: {  	v26 =	vadd.s32 v8, v13;
	v13 =	vadd.s32 v9, v13;
	v15 =	vmul.bf16 v27, v15  }
0x8b: {  	v32 =	vld.idx.msk [tilespmem:v11+s26+$0x0 ss:$0x1], $0xffff;
	v30 =	vunpack.i.u.bf16.f32 v17;
	v17 =	vunpack.i.l.bf16.f32 v17;
	v53 =	vunpack.i.u.bf16.f32 v19  }
0x8c: {  	v23 =	vld.idx.msk [tilespmem:v23+s2+$0x0], $0xffff;
	v31 =	vunpack.i.l.bf16.f32 v16;
	v19 =	vunpack.i.l.bf16.f32 v19;
	v29 =	vmul.f32 v30, v29  }
0x8d: {  	v56 =	vld.idx.msk [tilespmem:v11+s26+$0x20 ss:$0x1], $0xffff;
	v16 =	vunpack.i.u.bf16.f32 v16;
	v22 =	vmul.f32 v53, v22;
	v17 =	vmul.f32 v17, v21  }
0x8e: {  	v18 =	vmul.f32 v19, v18;
	v19 =	vunpack.i.l.bf16.f32 v14;
	v21 =	vld.idx.msk [tilespmem:v24+s2+$0x0], $0xffff;
	v14 =	vunpack.i.u.bf16.f32 v14  }
0x8f: {  	v54 =	vld.idx.msk [tilespmem:v11+s3+$0x0 ss:$0x1], $0xffff;
	v27 =	vunpack.i.u.bf16.f32 v15;
	v19 =	vmul.f32 v31, v19;
	v14 =	vmul.f32 v16, v14  }
0x90: {  	v15 =	vunpack.i.l.bf16.f32 v15;
	v16 =	vld.idx.msk [tilespmem:v25+s2+$0x0], $0xffff;
	v17 =	vadd.f32 v17, v29;
	v18 =	vadd.f32 v18, v22  }
0x91: {  	v55 =	vld.idx.msk [tilespmem:v11+s3+$0x30 ss:$0x1], $0xffff;
	v22 =	vunpack.i.u.bf16.f32 v23;
	v23 =	vunpack.i.l.bf16.f32 v23;
	v14 =	vadd.f32 v19, v14  }
0x92: {  	v57 =	vld.idx.msk [tilespmem:v11+s3+$0x20 ss:$0x1], $0xffff;
	v15 =	vmul.f32 v23, v15;
	v22 =	vmul.f32 v22, v27;
	v23 =	vunpack.i.u.bf16.f32 v20  }
0x93: {  	v19 =	vld.idx.msk [tilespmem:v11+s26+$0x30 ss:$0x1], $0xffff;
	v20 =	vunpack.i.l.bf16.f32 v20;
	v17 =	vadd.f32 v18, v17;
	v18 =	vunpack.i.u.bf16.f32 v21  }
0x94: {  	v26 =	vld.idx.msk [tilespmem:v26+s2+$0x0], $0xffff;
	v21 =	vunpack.i.l.bf16.f32 v21;
	v15 =	vadd.f32 v15, v22;
	v22 =	vmul.bf16 v54, v32  }
0x95: {  	v14 =	vadd.f32 v14, v17;
	v17 =	vunpack.i.l.bf16.f32 v16;
	v16 =	vunpack.i.u.bf16.f32 v16  }
0x96: {  	v13 =	vld.idx.msk [tilespmem:v13+s2+$0x0], $0xffff;
	v58 =	vunpack.i.u.bf16.f32 v22;
	v17 =	vmul.f32 v17, v20;
	v16 =	vmul.f32 v16, v23  }
0x97: {  	v20 =	vunpack.i.l.bf16.f32 v22;
	v22 =	vmul.bf16 v57, v56;
	v18 =	vmul.f32 v18, v58  }
0x98: {  	v14 =	vadd.f32 v15, v14;
	v15 =	vmul.bf16 v55, v19;
	v19 =	vmul.f32 v21, v20  }
0x99: {  	v20 =	vunpack.i.u.bf16.f32 v26;
	v21 =	vunpack.i.l.bf16.f32 v26  }
0x9a: {  	v16 =	vadd.f32 v17, v16;
	v23 =	vunpack.i.u.bf16.f32 v22;
	v18 =	vadd.f32 v19, v18  }
0x9b: {  	v22 =	vunpack.i.l.bf16.f32 v22;
	v17 =	vunpack.i.u.bf16.f32 v15;
	v19 =	vunpack.i.u.bf16.f32 v13  }
0x9c: {  	v21 =	vmul.f32 v21, v22;
	v14 =	vadd.f32 v18, v14;
	v18 =	vmul.f32 v20, v23  }
0x9d: {  	v13 =	vunpack.i.l.bf16.f32 v13;
	v15 =	vunpack.i.l.bf16.f32 v15;
	v17 =	vmul.f32 v19, v17  }
0x9e: {  	v13 =	vmul.f32 v13, v15;
	v14 =	vadd.f32 v16, v14;
	v15 =	vadd.f32 v21, v18;
	_ =	sdelay $0x1  }
0x9f: {  	v13 =	vadd.f32 v13, v17;
	v14 =	vadd.f32 v15, v14;
	_ =	sdelay $0x1  }
0xa0: {  	v13 =	vadd.f32 v13, v14;
	_ =	sdelay $0x1  }
0xa1: {  	(xrf2) =	vadd.scan.msk.f32 $0xffff, v13;
	_ =	sdelay $0x1  }
0xa2: {  	s5 =	rddreg [dreg:$0x16]  }
0xa3: {  	p0 =	seq.s32 s5, $0x2;
	s6 =	simm.s32 $0x4  }
0xa4: {  	s6 =	simm.s32 @!p0 $0x8  }
0xa5: {  	s25 =	sadd.s32 $0x0, s19;
	s30 =	sadd.s32 $0x0, s6  }
0xa6: {  	v14 =	vmov s30;
	v13 =	vmov s25  }
0xa7: {  	s4 =	rddreg [dreg:$0x15];
	v21 =	vperm.xlane v12, v14  }
0xa8: {  	s31 =	sadd.s32 s4, s6  }
0xa9: {  	s0 =	sshll.u32 s31, $0x7;
	v14 =	vadd.s32 v1, v21  }
0xaa: {  	s0 =	sand.u32 $0x3FFFFF80, s0;
	v15, _, _ =	vpop (xrf2)  }
0xab: {  	s8 =	sadd.s32 $0xB470, s0;
	[tilespmem:v13+s28+$0x0] =	vst.idx.msk vm9, v15  }
0xac: {  	s29 =	sadd.s32 $0x6470, s0;
	v13 =	vld.idx.msk [tilespmem:v11+s8+$0xFFFFFF90 ss:$0x1], $0xffff  }
0xad: {  	v16 =	vadd.s32 v3, v21;
	v15 =	vld.idx.msk [tilespmem:v11+s29+$0xFFFFFF90 ss:$0x1], $0xffff  }
0xae: {  	v14 =	vld.idx.msk [tilespmem:v14+s2+$0x0], $0xffff  }
0xaf: {  	v17 =	vld.idx.msk [tilespmem:v11+s8+$0xFFFFFFA0 ss:$0x1], $0xffff  }
0xb0: {  	v19 =	vadd.s32 v4, v21;
	v18 =	vld.idx.msk [tilespmem:v11+s29+$0xFFFFFFA0 ss:$0x1], $0xffff  }
0xb1: {  	v20 =	vld.idx.msk [tilespmem:v11+s8+$0xFFFFFFB0 ss:$0x1], $0xffff  }
0xb2: {  	v13 =	vmul.bf16 v13, v15;
	v15 =	vld.idx.msk [tilespmem:v16+s2+$0x0], $0xffff  }
0xb3: {  	v16 =	vld.idx.msk [tilespmem:v11+s29+$0xFFFFFFB0 ss:$0x1], $0xffff  }
0xb4: {  	v22 =	vunpack.i.u.bf16.f32 v14;
	v14 =	vunpack.i.l.bf16.f32 v14  }
0xb5: {  	v17 =	vmul.bf16 v17, v18;
	v18 =	vld.idx.msk [tilespmem:v19+s2+$0x0], $0xffff;
	v23 =	vunpack.i.u.bf16.f32 v13;
	v13 =	vunpack.i.l.bf16.f32 v13  }
0xb6: {  	v63 =	vadd.s32 v7, v21;
	v59 =	vld.idx.msk [tilespmem:v11+s8+$0xFFFFFFF0 ss:$0x1], $0xffff;
	v19 =	vadd.s32 v5, v21;
	v13 =	vmul.f32 v14, v13  }
0xb7: {  	v60 =	vld.idx.msk [tilespmem:v11+s29+$0xFFFFFFF0 ss:$0x1], $0xffff;
	v14 =	vmul.f32 v22, v23;
	v22 =	vunpack.i.u.bf16.f32 v17;
	v17 =	vunpack.i.l.bf16.f32 v17  }
0xb8: {  	v62 =	vld.idx.msk [tilespmem:v11+s29+$0xFFFFFFC0 ss:$0x1], $0xffff;
	v23 =	vunpack.i.l.bf16.f32 v15;
	v15 =	vunpack.i.u.bf16.f32 v15;
	v16 =	vmul.bf16 v20, v16  }
0xb9: {  	v20 =	vld.idx.msk [tilespmem:v11+s8+$0xFFFFFFD0 ss:$0x1], $0xffff;
	v17 =	vmul.f32 v23, v17;
	v15 =	vmul.f32 v15, v22;
	v22 =	vadd.s32 v6, v21  }
0xba: {  	v13 =	vadd.f32 v13, v14;
	v61 =	vunpack.i.u.bf16.f32 v18;
	v23 =	vld.idx.msk [tilespmem:v11+s8+$0xFFFFFFC0 ss:$0x1], $0xffff;
	v14 =	vunpack.i.u.bf16.f32 v16  }
0xbb: {  	p0 =	sne.s32 s6, $0x1;
	v16 =	vunpack.i.l.bf16.f32 v16;
	v15 =	vadd.f32 v17, v15;
	v17 =	vunpack.i.l.bf16.f32 v18;
	v18 =	vld.idx.msk [tilespmem:v11+s29+$0xFFFFFFD0 ss:$0x1], $0xffff  }
.Ltmp0:
0xbc: {  	v19 =	vld.idx.msk [tilespmem:v19+s2+$0x0], $0xffff;
	v14 =	vmul.f32 v61, v14;
	v16 =	vmul.f32 v17, v16;
	(pc) =	sbr.rel @!p0 .LBB2_5-.Ltmp0, $4  }
0xbd: {  	v17 =	vld.idx.msk [tilespmem:v11+s29+$0xFFFFFFE0 ss:$0x1], $0xffff  }
0xbe: {  	v13 =	vadd.f32 v15, v13;
	v15 =	vld.idx.msk [tilespmem:v22+s2+$0x0], $0xffff;
	v14 =	vadd.f32 v16, v14;
	v22 =	vadd.s32 v8, v21  }
0xbf: {  	s12 =	simm.s32 $0x1;
	s9 =	sadd.s32 s19, s6;
	s11 =	simm.s32 $0x0;
	v16 =	vld.idx.msk [tilespmem:v11+s8+$0xFFFFFFE0 ss:$0x1], $0xffff;
	v23 =	vmul.bf16 v23, v62;
	v21 =	vadd.s32 v9, v21  }
0xc0: {  	s16 =	sadd.s32 $0x80, s3;
	s17 =	sadd.s32 $0x80, s26;
	s7 =	smov.u32 s29;
	v13 =	vadd.f32 v14, v13;
	v18 =	vmul.bf16 v20, v18;
	v14 =	vld.idx.msk [tilespmem:v63+s2+$0x0], $0xffff;
	v20 =	vmul.bf16 v59, v60  }
.LBB2_4:
0xc1: {  	v26 =	vld.idx.msk [tilespmem:v11+s8+$0x0 ss:$0x1], $0xffff;
	s8 =	sadd.s32 $0x80, s8  }
0xc2: {  	v24 =	vunpack.i.u.bf16.f32 v23;
	v23 =	vunpack.i.l.bf16.f32 v23;
	v25 =	vunpack.i.u.bf16.f32 v19;
	s7 =	sadd.s32 $0x80, s7;
	s30 =	smov.u32 s12;
	s12 =	sadd.s32 $0x1, s12  }
0xc3: {  	v19 =	vunpack.i.l.bf16.f32 v19;
	p0 =	sne.s32 s6, s12;
	v24 =	vmul.f32 v25, v24;
	v25 =	vunpack.i.l.bf16.f32 v20;
	v22 =	vld.idx.msk [tilespmem:v22+s2+$0x0], $0xffff  }
0xc4: {  	v27 =	vunpack.i.l.bf16.f32 v15;
	v19 =	vmul.f32 v19, v23;
	v23 =	vunpack.i.l.bf16.f32 v18;
	v28 =	vld.idx.msk [tilespmem:v11+s29+$0x0 ss:$0x1], $0xffff;
	s29 =	smov.u32 s7  }
0xc5: {  	v15 =	vunpack.i.u.bf16.f32 v15;
	v23 =	vmul.f32 v27, v23;
	v16 =	vmul.bf16 v16, v17  }
0xc6: {  	v18 =	vunpack.i.u.bf16.f32 v18;
	v17 =	vadd.f32 v19, v24;
	v19 =	vunpack.i.u.bf16.f32 v20;
	v20 =	vld.idx.msk [tilespmem:v21+s2+$0x0], $0xffff  }
0xc7: {  	v15 =	vmul.f32 v15, v18;
	v18 =	vunpack.i.u.bf16.f32 v16;
	v16 =	vunpack.i.l.bf16.f32 v16  }
0xc8: {  	v13 =	vadd.f32 v17, v13;
	v17 =	vunpack.i.u.bf16.f32 v14;
	v14 =	vunpack.i.l.bf16.f32 v14  }
0xc9: {  	v15 =	vadd.f32 v23, v15;
	v14 =	vmul.f32 v14, v16;
	v16 =	vmul.f32 v17, v18  }
0xca: {  	v17 =	vunpack.i.u.bf16.f32 v22;
	v18 =	vunpack.i.l.bf16.f32 v22;
	v21 =	vmul.bf16 v26, v28  }
0xcb: {  	v13 =	vadd.f32 v15, v13;
	v15 =	vmul.f32 v17, v19;
	v14 =	vadd.f32 v14, v16  }
0xcc: {  	v16 =	vmul.f32 v18, v25;
	v17 =	vunpack.i.u.bf16.f32 v21;
	v18 =	vunpack.i.l.bf16.f32 v20  }
0xcd: {  	v19 =	vunpack.i.u.bf16.f32 v20;
	v13 =	vadd.f32 v14, v13;
	v14 =	vunpack.i.l.bf16.f32 v21  }
0xce: {  	v15 =	vadd.f32 v16, v15;
	v16 =	vmul.f32 v19, v17;
	v14 =	vmul.f32 v18, v14;
	_ =	sdelay $0x1  }
0xcf: {  	v13 =	vadd.f32 v15, v13;
	v14 =	vadd.f32 v14, v16;
	_ =	sdelay $0x1  }
0xd0: {  	v13 =	vadd.f32 v14, v13;
	_ =	sdelay $0x1  }
0xd1: {  	(xrf2) =	vadd.scan.msk.f32 $0xffff, v13;
	_ =	sdelay $0x4  }
0xd2: {  	s0 =	sadd.s32 s11, s9;
	s11 =	smov.u32 s30  }
0xd3: {  	v13 =	vmov s0;
	_ =	sdelay $0x3  }
0xd4: {  	v14 =	vmov s11;
	v15, _, _ =	vpop (xrf2)  }
0xd5: {  	v14 =	vperm.xlane v12, v14;
	[tilespmem:v13+s28+$0x0] =	vst.idx.msk vm9, v15  }
0xd6: {  	v13 =	vld.idx.msk [tilespmem:v11+s16+$0xFFFFFFE0 ss:$0x1], $0xffff  }
0xd7: {  	v16 =	vadd.s32 v3, v14;
	v18 =	vadd.s32 v4, v14;
	v15 =	vadd.s32 v1, v14;
	v17 =	vld.idx.msk [tilespmem:v11+s17+$0xFFFFFFE0 ss:$0x1], $0xffff  }
0xd8: {  	v20 =	vadd.s32 v5, v14;
	v21 =	vadd.s32 v6, v14;
	v22 =	vadd.s32 v7, v14;
	v19 =	vld.idx.msk [tilespmem:v11+s16+$0xFFFFFFD0 ss:$0x1], $0xffff  }
0xd9: {  	v24 =	vadd.s32 v8, v14;
	v14 =	vadd.s32 v9, v14;
	v23 =	vld.idx.msk [tilespmem:v11+s17+$0xFFFFFFD0 ss:$0x1], $0xffff  }
0xda: {  	v25 =	vld.idx.msk [tilespmem:v11+s16+$0xFFFFFFC0 ss:$0x1], $0xffff  }
0xdb: {  	v26 =	vld.idx.msk [tilespmem:v11+s17+$0xFFFFFFC0 ss:$0x1], $0xffff  }
0xdc: {  	v18 =	vld.idx.msk [tilespmem:v18+s2+$0x0], $0xffff  }
0xdd: {  	v13 =	vmul.bf16 v13, v17;
	v15 =	vld.idx.msk [tilespmem:v15+s2+$0x0], $0xffff  }
0xde: {  	v16 =	vld.idx.msk [tilespmem:v16+s2+$0x0], $0xffff  }
0xdf: {  	v17 =	vmul.bf16 v19, v23;
	v19 =	vld.idx.msk [tilespmem:v11+s16+$0x10 ss:$0x1], $0xffff  }
0xe0: {  	v23 =	vld.idx.msk [tilespmem:v11+s16+$0xFFFFFFF0 ss:$0x1], $0xffff  }
0xe1: {  	v25 =	vmul.bf16 v25, v26;
	v26 =	vld.idx.msk [tilespmem:v11+s17+$0xFFFFFFF0 ss:$0x1], $0xffff  }
0xe2: {  	v27 =	vunpack.i.u.bf16.f32 v17;
	v17 =	vunpack.i.l.bf16.f32 v17;
	v28 =	vunpack.i.u.bf16.f32 v18;
	v29 =	vld.idx.msk [tilespmem:v11+s17+$0x10 ss:$0x1], $0xffff  }
0xe3: {  	v30 =	vunpack.i.u.bf16.f32 v25;
	v31 =	vunpack.i.u.bf16.f32 v15;
	v15 =	vunpack.i.l.bf16.f32 v15;
	v20 =	vld.idx.msk [tilespmem:v20+s2+$0x0], $0xffff  }
0xe4: {  	v18 =	vunpack.i.l.bf16.f32 v18;
	v30 =	vmul.f32 v31, v30;
	v31 =	vunpack.i.u.bf16.f32 v16;
	v32 =	vld.idx.msk [tilespmem:v11+s17+$0x0 ss:$0x1], $0xffff  }
0xe5: {  	v25 =	vunpack.i.l.bf16.f32 v25;
	v16 =	vunpack.i.l.bf16.f32 v16;
	v27 =	vmul.f32 v31, v27;
	v31 =	vld.idx.msk [tilespmem:v11+s16+$0x0 ss:$0x1], $0xffff  }
0xe6: {  	v15 =	vmul.f32 v15, v25;
	v16 =	vmul.f32 v16, v17;
	v17 =	vunpack.i.l.bf16.f32 v13;
	v21 =	vld.idx.msk [tilespmem:v21+s2+$0x0], $0xffff  }
0xe7: {  	v13 =	vunpack.i.u.bf16.f32 v13;
	v17 =	vmul.f32 v18, v17;
	v18 =	vmul.bf16 v23, v26;
	v23 =	vld.idx.msk [tilespmem:v11+s16+$0x30 ss:$0x1], $0xffff  }
0xe8: {  	v15 =	vadd.f32 v15, v30;
	v13 =	vmul.f32 v28, v13;
	v16 =	vadd.f32 v16, v27;
	v22 =	vld.idx.msk [tilespmem:v22+s2+$0x0], $0xffff  }
0xe9: {  	v19 =	vmul.bf16 v19, v29;
	v25 =	vunpack.i.u.bf16.f32 v20;
	v20 =	vunpack.i.l.bf16.f32 v20;
	v26 =	vld.idx.msk [tilespmem:v11+s17+$0x20 ss:$0x1], $0xffff  }
0xea: {  	v13 =	vadd.f32 v17, v13;
	v17 =	vunpack.i.u.bf16.f32 v18;
	v18 =	vunpack.i.l.bf16.f32 v18;
	v27 =	vld.idx.msk [tilespmem:v11+s17+$0x30 ss:$0x1], $0xffff  }
0xeb: {  	v18 =	vmul.f32 v20, v18;
	v17 =	vmul.f32 v25, v17;
	v20 =	vunpack.i.u.bf16.f32 v19;
	v24 =	vld.idx.msk [tilespmem:v24+s2+$0x0], $0xffff  }
0xec: {  	v15 =	vadd.f32 v16, v15;
	v16 =	vunpack.i.u.bf16.f32 v21;
	v21 =	vunpack.i.l.bf16.f32 v21;
	v25 =	vld.idx.msk [tilespmem:v11+s16+$0x20 ss:$0x1], $0xffff  }
0xed: {  	v19 =	vunpack.i.l.bf16.f32 v19;
	v17 =	vadd.f32 v18, v17;
	v18 =	vmul.bf16 v31, v32;
	v14 =	vld.idx.msk [tilespmem:v14+s2+$0x0], $0xffff  }
0xee: {  	v13 =	vadd.f32 v13, v15;
	v15 =	vunpack.i.u.bf16.f32 v22;
	v22 =	vunpack.i.l.bf16.f32 v22  }
0xef: {  	v28 =	vunpack.i.u.bf16.f32 v18;
	v18 =	vunpack.i.l.bf16.f32 v18;
	v19 =	vmul.f32 v22, v19  }
0xf0: {  	v13 =	vadd.f32 v17, v13;
	v16 =	vmul.f32 v16, v28;
	v15 =	vmul.f32 v15, v20  }
0xf1: {  	v22 =	vmul.bf16 v23, v27;
	v17 =	vunpack.i.u.bf16.f32 v24;
	v20 =	vunpack.i.l.bf16.f32 v24  }
0xf2: {  	v18 =	vmul.f32 v21, v18;
	v15 =	vadd.f32 v19, v15;
	v19 =	vmul.bf16 v25, v26  }
0xf3: {  	v21 =	vunpack.i.u.bf16.f32 v22;
	v23 =	vunpack.i.u.bf16.f32 v14;
	v14 =	vunpack.i.l.bf16.f32 v14  }
0xf4: {  	v16 =	vadd.f32 v18, v16;
	v18 =	vunpack.i.u.bf16.f32 v19;
	v19 =	vunpack.i.l.bf16.f32 v19  }
0xf5: {  	v21 =	vmul.f32 v23, v21;
	v19 =	vmul.f32 v20, v19;
	v20 =	vunpack.i.l.bf16.f32 v22  }
0xf6: {  	v13 =	vadd.f32 v16, v13;
	v16 =	vmul.f32 v17, v18;
	v14 =	vmul.f32 v14, v20;
	_ =	sdelay $0x1  }
0xf7: {  	v13 =	vadd.f32 v15, v13;
	v15 =	vadd.f32 v19, v16  }
0xf8: {  	v14 =	vadd.f32 v14, v21  }
0xf9: {  	v13 =	vadd.f32 v15, v13;
	_ =	sdelay $0x1  }
0xfa: {  	v13 =	vadd.f32 v14, v13;
	_ =	sdelay $0x1  }
0xfb: {  	(xrf2) =	vadd.scan.msk.f32 $0xffff, v13;
	_ =	sdelay $0x4  }
0xfc: {  	s0 =	sadd.s32 s11, s19  }
0xfd: {  	s1 =	sadd.s32 s11, s6;
	v13 =	vmov s0  }
0xfe: {  	v14 =	vmov s1  }
0xff: {  	v21 =	vperm.xlane v12, v14;
	_ =	sdelay $0x1  }
0x100: {  	v14 =	vadd.s32 v1, v21;
	v15, _, _ =	vpop (xrf2)  }
0x101: {  	[tilespmem:v13+s28+$0x0] =	vst.idx.msk vm9, v15  }
0x102: {  	v20 =	vld.idx.msk [tilespmem:v11+s8+$0xFFFFFFF0 ss:$0x1], $0xffff  }
0x103: {  	v13 =	vld.idx.msk [tilespmem:v11+s8+$0xFFFFFF90 ss:$0x1], $0xffff  }
0x104: {  	v15 =	vld.idx.msk [tilespmem:v11+s7+$0xFFFFFF90 ss:$0x1], $0xffff  }
0x105: {  	v14 =	vld.idx.msk [tilespmem:v14+s2+$0x0], $0xffff  }
0x106: {  	v24 =	vld.idx.msk [tilespmem:v11+s7+$0xFFFFFFF0 ss:$0x1], $0xffff;
	_ =	sdelay $0x1  }
0x107: {  	v16 =	vadd.s32 v3, v21;
	_ =	sdelay $0x1  }
0x108: {  	v13 =	vmul.bf16 v13, v15;
	v15 =	vld.idx.msk [tilespmem:v11+s8+$0xFFFFFFA0 ss:$0x1], $0xffff  }
0x109: {  	v19 =	vadd.s32 v4, v21;
	v17 =	vunpack.i.u.bf16.f32 v14;
	v18 =	vld.idx.msk [tilespmem:v11+s7+$0xFFFFFFA0 ss:$0x1], $0xffff  }
0x10a: {  	v14 =	vunpack.i.l.bf16.f32 v14;
	v22 =	vunpack.i.u.bf16.f32 v13;
	v13 =	vunpack.i.l.bf16.f32 v13;
	v23 =	vld.idx.msk [tilespmem:v11+s8+$0xFFFFFFB0 ss:$0x1], $0xffff  }
0x10b: {  	v13 =	vmul.f32 v14, v13;
	v14 =	vmul.f32 v17, v22;
	v16 =	vld.idx.msk [tilespmem:v16+s2+$0x0], $0xffff  }
0x10c: {  	v17 =	vld.idx.msk [tilespmem:v11+s7+$0xFFFFFFB0 ss:$0x1], $0xffff  }
0x10d: {  	v13 =	vadd.f32 v13, v14  }
0x10e: {  	v14 =	vld.idx.msk [tilespmem:v19+s2+$0x0], $0xffff  }
0x10f: {  	v15 =	vmul.bf16 v15, v18  }
0x110: {  	v18 =	vadd.s32 v5, v21  }
0x111: {  	v19 =	vunpack.i.u.bf16.f32 v15;
	v15 =	vunpack.i.l.bf16.f32 v15;
	v22 =	vunpack.i.l.bf16.f32 v16  }
0x112: {  	v16 =	vunpack.i.u.bf16.f32 v16;
	v15 =	vmul.f32 v22, v15;
	v17 =	vmul.bf16 v23, v17  }
0x113: {  	v16 =	vmul.f32 v16, v19;
	v22 =	vadd.s32 v6, v21;
	v25 =	vld.idx.msk [tilespmem:v11+s8+$0xFFFFFFD0 ss:$0x1], $0xffff  }
0x114: {  	v19 =	vunpack.i.u.bf16.f32 v17;
	v17 =	vunpack.i.l.bf16.f32 v17;
	v23 =	vunpack.i.u.bf16.f32 v14;
	v26 =	vld.idx.msk [tilespmem:v11+s8+$0xFFFFFFC0 ss:$0x1], $0xffff  }
0x115: {  	v15 =	vadd.f32 v15, v16;
	v16 =	vmul.f32 v23, v19;
	v23 =	vld.idx.msk [tilespmem:v11+s7+$0xFFFFFFC0 ss:$0x1], $0xffff  }
0x116: {  	v14 =	vunpack.i.l.bf16.f32 v14;
	v27 =	vld.idx.msk [tilespmem:v11+s7+$0xFFFFFFD0 ss:$0x1], $0xffff  }
0x117: {  	v28 =	vadd.s32 v7, v21;
	v14 =	vmul.f32 v14, v17;
	v13 =	vadd.f32 v15, v13;
	v19 =	vld.idx.msk [tilespmem:v18+s2+$0x0], $0xffff  }
.Ltmp1:
0x118: {  	v15 =	vld.idx.msk [tilespmem:v22+s2+$0x0], $0xffff;
	(pc) =	sbr.rel @p0 .LBB2_4-.Ltmp1, $4  }
0x119: {  	v14 =	vadd.f32 v14, v16;
	v22 =	vadd.s32 v8, v21;
	v16 =	vld.idx.msk [tilespmem:v11+s8+$0xFFFFFFE0 ss:$0x1], $0xffff  }
0x11a: {  	v17 =	vld.idx.msk [tilespmem:v11+s7+$0xFFFFFFE0 ss:$0x1], $0xffff  }
0x11b: {  	v13 =	vadd.f32 v14, v13;
	v23 =	vmul.bf16 v26, v23  }
0x11c: {  	s17 =	sadd.s32 $0x80, s17;
	s16 =	sadd.s32 $0x80, s16;
	v20 =	vmul.bf16 v20, v24;
	v21 =	vadd.s32 v9, v21;
	v18 =	vmul.bf16 v25, v27;
	v14 =	vld.idx.msk [tilespmem:v28+s2+$0x0], $0xffff  }
.LBB2_5:
0x11d: {  	_ =	sdelay $0x3  }
0x11e: {  	v12 =	vunpack.i.u.bf16.f32 v23;
	v41 =	vunpack.i.l.bf16.f32 v23;
	v24 =	vunpack.i.u.bf16.f32 v19;
	v25 =	vld.idx.msk [tilespmem:v11+s8+$0x0 ss:$0x1], $0xffff  }
0x11f: {  	v42 =	vunpack.i.l.bf16.f32 v19;
	v22 =	vld.idx.msk [tilespmem:v22+s2+$0x0], $0xffff;
	v12 =	vmul.f32 v24, v12;
	v43 =	vunpack.i.l.bf16.f32 v20  }
0x120: {  	v27 =	vld.idx.msk [tilespmem:v11+s29+$0x0 ss:$0x1], $0xffff;
	v19 =	vmul.f32 v42, v41;
	v44 =	vunpack.i.l.bf16.f32 v18;
	v46 =	vunpack.i.u.bf16.f32 v18  }
0x121: {  	v47 =	vunpack.i.u.bf16.f32 v20;
	v26 =	vunpack.i.l.bf16.f32 v15;
	v45 =	vunpack.i.u.bf16.f32 v15  }
0x122: {  	v48 =	vld.idx.msk [tilespmem:v21+s2+$0x0], $0xffff;
	v23 =	vmul.f32 v26, v44;
	v16 =	vmul.bf16 v16, v17;
	v12 =	vadd.f32 v19, v12  }
0x123: {  	v15 =	vmul.f32 v45, v46;
	v50 =	vunpack.i.u.bf16.f32 v14;
	v51 =	vunpack.i.l.bf16.f32 v14  }
0x124: {  	v49 =	vunpack.i.u.bf16.f32 v16;
	v16 =	vunpack.i.l.bf16.f32 v16;
	v12 =	vadd.f32 v12, v13  }
0x125: {  	v15 =	vadd.f32 v23, v15;
	v52 =	vunpack.i.u.bf16.f32 v22;
	v54 =	vmul.bf16 v25, v27  }
0x126: {  	v53 =	vunpack.i.l.bf16.f32 v22;
	v14 =	vmul.f32 v51, v16;
	v13 =	vmul.f32 v50, v49  }
0x127: {  	v58 =	vunpack.i.l.bf16.f32 v48;
	v55 =	vmul.f32 v52, v47;
	v56 =	vmul.f32 v53, v43  }
0x128: {  	v60 =	vunpack.i.u.bf16.f32 v48;
	v12 =	vadd.f32 v15, v12;
	v13 =	vadd.f32 v14, v13  }
0x129: {  	v57 =	vunpack.i.u.bf16.f32 v54;
	v59 =	vunpack.i.l.bf16.f32 v54;
	v14 =	vadd.f32 v56, v55  }
0x12a: {  	v61 =	vmul.f32 v60, v57;
	v12 =	vadd.f32 v13, v12;
	v13 =	vmul.f32 v58, v59;
	_ =	sdelay $0x1  }
0x12b: {  	v12 =	vadd.f32 v14, v12;
	v13 =	vadd.f32 v13, v61;
	_ =	sdelay $0x1  }
0x12c: {  	v12 =	vadd.f32 v13, v12;
	_ =	sdelay $0x1  }
0x12d: {  	(xrf2) =	vadd.scan.msk.f32 $0xffff, v12;
	_ =	sdelay $0x4  }
0x12e: {  	s0 =	sadd.s32 s11, s9;
	s5 =	sadd.s32 $0x1, s5  }
0x12f: {  	v62 =	vmov s0;
	p0 =	sne.s32 s5, $0x3  }
.Ltmp2:
0x130: {  	_ = 	snop;
	(pc) =	sbr.rel @p0 .LBB2_3-.Ltmp2, $3  }
0x131: {  	_ =	sdelay $0x1  }
0x132: {  	s19 =	sadd.s32 $0x10, s19;
	v63, _, _ =	vpop (xrf2)  }
0x133: {  	s4 =	sadd.s32 $0x10, s4;
	s3 =	sadd.s32 $0x800, s3;
	s26 =	sadd.s32 $0x800, s26;
	[tilespmem:v62+s28+$0x0] =	vst.idx.msk vm9, v63  }
0x134: {  	s0 =	rddreg [dreg:$0xa]  }
0x135: {  	s4 =	rddreg [dreg:$0x10]  }
0x136: {  	s1 =	rddreg [dreg:$0x11];
	s0 =	sadd.s32 s4, s0;
	s4 =	sadd.s32 $0x1, s4  }
0x137: {  	s3 =	rddreg [dreg:$0x3];
	p0 =	sne.s32 s4, $0x7C  }
.Ltmp3:
0x138: {  	s30 =	rddreg [dreg:$0x12];
	(pc) =	sbr.rel @p0 .LBB2_2-.Ltmp3, $4  }
0x139: {  	s19 =	rddreg [dreg:$0xf];
	s0 =	smul.u32 $0xF, s0  }
0x13a: {  	s31 =	rddreg [dreg:$0xe];
	s1 =	sadd.s32 $0x9, s1  }
0x13b: {  	s19 =	sadd.s32 $0x28, s19;
	s0 =	sadd.s32 s3, s0;
	s3 =	sadd.s32 $0x1, s31  }
0x13c: {  	[tilespmem:s30], [sflag:s1] =	stream.linear.gather [hbm4b:s0+s2], $0x78, $0x38;
	[tilespmem:$0x11968] =	vst v63  }
0x13d: {  	s0 =	simm.s32 $0x1  }
0x13e: {  	_ =	swait.ge [sflag:s0], $0x1400  }
0x13f: {  	[sflag:s0] =	ssyncset.done $0x0  }
0x140: {  	s31 =	simm.s32 $0x5;
	[sflag:s0] =	ssyncadd.s32 $0xFFFFEC00  }
0x141: {  	_ =	swait.ge [sflag:s31], $0x1400  }
0x142: {  	s18 =	simm.s32 $0x1360;
	s3 =	simm.s32 $0x100;
	[sflag:s31] =	ssyncset.done $0x0  }
0x143: {  	s23 =	simm.s32 $0x0;
	s22 =	simm.s32 $0x0;
	[sflag:s31] =	ssyncadd.s32 $0xFFFFEC00  }
.LBB2_8:
0x144: {  	s0 =	sshll.u32 s22, $0x4  }
0x145: {  	v10 =	vld [tilespmem:s0+$0x10428];
	_ =	sdelay $0x4  }
0x146: {  	(v2sf) =	vpush v10, $0xD;
	_ =	sdelay $0x1  }
0x147: {  	(v2sf) =	vpush v10, $0xC;
	_ =	sdelay $0x1  }
0x148: {  	(v2sf) =	vpush v10, $0xE;
	_ =	sdelay $0x1  }
0x149: {  	(v2sf) =	vpush v10, $0xF;
	_ =	sdelay $0x1  }
0x14a: {  	(v2sf) =	vpush v10, $0x9;
	_ =	sdelay $0x1  }
0x14b: {  	(v2sf) =	vpush v10, $0x8;
	_ =	sdelay $0x1  }
0x14c: {  	(v2sf) =	vpush v10, $0xA;
	_ =	sdelay $0x1  }
0x14d: {  	(v2sf) =	vpush v10, $0xB  }
0x14e: {  	s17 =	spop (v2sf)  }
0x14f: {  	(v2sf) =	vpush v10, $0x0;
	s1 =	smulhi.u32 $0x51EB851F, s17;
	s0 =	sshra.s32 s17, $0x1F  }
0x150: {  	(v2sf) =	vpush v10, $0x1;
	s19 =	spop (v2sf);
	s0 =	smul.u32 $0x51EB851F, s0  }
0x151: {  	[dreg:$0x13] =	wrdreg s3;
	s4 =	smulhi.u32 $0x51EB851F, s19;
	s3 =	sshra.s32 s19, $0x1F  }
0x152: {  	(v2sf) =	vpush v10, $0x2;
	s5 =	spop (v2sf);
	s3 =	smul.u32 $0x51EB851F, s3  }
0x153: {  	s7 =	smulhi.u32 $0x51EB851F, s5;
	s5 =	sshra.s32 s5, $0x1F  }
0x154: {  	(v2sf) =	vpush v10, $0x3;
	s6 =	spop (v2sf);
	s5 =	smul.u32 $0x51EB851F, s5  }
0x155: {  	(v2sf) =	vpush v10, $0x4;
	s10 =	smulhi.u32 $0x51EB851F, s6;
	s6 =	sshra.s32 s6, $0x1F  }
0x156: {  	(v2sf) =	vpush v10, $0x5;
	s8 =	spop (v2sf);
	s12 =	smul.u32 $0x51EB851F, s6  }
0x157: {  	(v2sf) =	vpush v10, $0x6;
	s13 =	smulhi.u32 $0x51EB851F, s8;
	s20 =	sshra.s32 s8, $0x1F  }
0x158: {  	(v2sf) =	vpush v10, $0x7;
	s9 =	spop (v2sf);
	s15 =	smul.u32 $0x51EB851F, s20  }
0x159: {  	s20 =	smulhi.u32 $0x51EB851F, s9;
	s16 =	sshra.s32 s9, $0x1F  }
0x15a: {  	s11 =	spop (v2sf);
	s24 =	smul.u32 $0x51EB851F, s16  }
0x15b: {  	s26 =	smulhi.u32 $0x51EB851F, s11;
	s19 =	sshra.s32 s11, $0x1F  }
0x15c: {  	s6 =	sadd.s32 s0, s1;
	s21 =	spop (v2sf);
	s11 =	smul.u32 $0x51EB851F, s19  }
0x15d: {  	s7 =	sadd.s32 s5, s7;
	s31 =	smulhi.u32 $0x51EB851F, s21;
	s8 =	sshra.s32 s21, $0x1F  }
0x15e: {  	s5 =	sadd.s32 s12, s10;
	s14 =	spop (v2sf);
	s0 =	smul.u32 $0x51EB851F, s8  }
0x15f: {  	s17 =	spop (v2sf);
	s8 =	sadd.s32 s3, s4;
	s1 =	smulhi.u32 $0x51EB851F, s14  }
0x160: {  	s21 =	sshra.s32 s14, $0x1F;
	s4 =	sshrl.u32 s6, $0x1F;
	s6 =	sshra.s32 s6, $0x6  }
0x161: {  	s9 =	spop (v2sf);
	s19 =	sshrl.u32 s8, $0x1F;
	s3 =	smul.u32 $0x51EB851F, s21  }
0x162: {  	s21 =	smulhi.u32 $0x51EB851F, s17;
	s14 =	sshra.s32 s17, $0x1F;
	s11 =	sadd.s32 s11, s26  }
0x163: {  	s25 =	spop (v2sf);
	s10 =	smul.u32 $0x51EB851F, s14;
	s14 =	sadd.s32 s15, s13  }
0x164: {  	s12 =	smulhi.u32 $0x51EB851F, s9;
	s9 =	sshra.s32 s9, $0x1F;
	s29 =	spop (v2sf)  }
0x165: {  	s15 =	sadd.s32 s24, s20;
	s20 =	smul.u32 $0x51EB851F, s9;
	s30 =	spop (v2sf)  }
0x166: {  	s24 =	smulhi.u32 $0x51EB851F, s25;
	s25 =	sshra.s32 s25, $0x1F;
	s16 =	spop (v2sf)  }
0x167: {  	s9 =	sadd.s32 s0, s31;
	s0 =	smul.u32 $0x51EB851F, s25;
	s26 =	spop (v2sf)  }
0x168: {  	s1 =	sadd.s32 s3, s1;
	s3 =	smulhi.u32 $0x51EB851F, s26;
	s25 =	sshra.s32 s26, $0x1F  }
0x169: {  	s10 =	sadd.s32 s10, s21;
	s31 =	sshra.s32 s29, $0x1F;
	s21 =	smul.u32 $0x51EB851F, s25  }
0x16a: {  	s17 =	sshrl.u32 s7, $0x1F;
	s13 =	sshrl.u32 s5, $0x1F;
	v12 =	vmov s19;
	s31 =	smul.u32 $0x51EB851F, s31  }
0x16b: {  	v12 =	vsel vm0, s4, v12;
	s20 =	sadd.s32 s20, s12;
	s4 =	smulhi.u32 $0x51EB851F, s30;
	s12 =	sadd.s32 s21, s3  }
0x16c: {  	s0 =	sadd.s32 s0, s24;
	s25 =	smulhi.u32 $0x51EB851F, s29;
	s21 =	sshra.s32 s12, $0x1F  }
0x16d: {  	v12 =	vsel vm1, s17, v12;
	s19 =	sshra.s32 s30, $0x1F;
	s29 =	sshrl.u32 s15, $0x1F;
	v11 =	vmov s21;
	s21 =	sshra.s32 s1, $0x6  }
0x16e: {  	vm10 =	vcmask $0x704;
	v12 =	vsel vm2, s13, v12;
	s24 =	sadd.s32 s31, s25;
	s31 =	sshrl.u32 s1, $0x1F;
	s1 =	sshra.s32 s1, $0x1F;
	v11 =	vsel vm3, s21, v11  }
0x16f: {  	s30 =	sshrl.u32 s20, $0x1F;
	s13 =	smulhi.u32 $0x51EB851F, s16;
	v14 =	vmov s29;
	v13 =	vmov s31;
	s31 =	sshra.s32 s10, $0x6;
	v11 =	vsel vm10, s1, v11  }
0x170: {  	s26 =	sshrl.u32 s14, $0x1F;
	v13 =	vnsel vm3, $0x0, v13;
	s21 =	sshrl.u32 s10, $0x1F;
	s10 =	sshra.s32 s10, $0x1F;
	vm10 =	vcmask $0xF0C;
	v11 =	vsel vm0, s31, v11  }
0x171: {  	s3 =	sshrl.u32 s11, $0x1F;
	v14 =	vsel vm0, s26, v14;
	v13 =	vsel vm0, s21, v13;
	s31 =	smul.u32 $0x51EB851F, s19;
	s19 =	sshra.s32 s20, $0x6;
	v11 =	vsel vm10, s10, v11  }
0x172: {  	s16 =	sshra.s32 s16, $0x1F;
	s25 =	sshrl.u32 s9, $0x1F;
	v14 =	vsel vm1, s3, v14;
	v13 =	vsel vm1, s30, v13;
	s30 =	sshra.s32 s20, $0x1F;
	v11 =	vsel vm1, s19, v11  }
0x173: {  	s17 =	sshra.s32 s0, $0x6;
	s29 =	smul.u32 $0x51EB851F, s16;
	s26 =	sshra.s32 s8, $0x6;
	v14 =	vsel vm2, s25, v14;
	v11 =	vsel vm11, s30, v11  }
0x174: {  	s25 =	sshra.s32 s24, $0x6;
	v12 =	vcombine.low v14, v12;
	v14 =	vmov s26;
	s21 =	sshrl.u32 s0, $0x1F;
	s0 =	sshra.s32 s0, $0x1F;
	v11 =	vsel vm2, s17, v11  }
0x175: {  	v14 =	vsel vm0, s6, v14;
	s20 =	sadd.s32 s29, s13;
	s29 =	sshra.s32 s15, $0x6;
	s10 =	sshra.s32 s7, $0x6;
	v11 =	vsel vm12, s0, v11  }
0x176: {  	v13 =	vsel vm2, s21, v13;
	v15 =	vmov s29;
	s1 =	sadd.s32 s31, s4;
	s31 =	sshrl.u32 s24, $0x1F;
	s30 =	sshra.s32 s24, $0x1F;
	v11 =	vsel vm4, s25, v11  }
0x177: {  	v14 =	vsel vm1, s10, v14;
	v13 =	vsel vm4, s31, v13;
	s19 =	sshrl.u32 s1, $0x1F;
	s31 =	sshra.s32 s14, $0x6;
	s8 =	sshra.s32 s1, $0x6;
	v11 =	vsel vm13, s30, v11  }
0x178: {  	s11 =	sshra.s32 s11, $0x6;
	s13 =	sshra.s32 s1, $0x1F;
	s14 =	sshra.s32 s5, $0x6;
	v13 =	vsel vm5, s19, v13;
	v15 =	vsel vm0, s31, v15;
	v11 =	vsel vm5, s8, v11  }
0x179: {  	s15 =	sshra.s32 s9, $0x6;
	s21 =	sshrl.u32 s20, $0x1F;
	s16 =	sshra.s32 s20, $0x6;
	v14 =	vsel vm2, s14, v14;
	v15 =	vsel vm1, s11, v15;
	v11 =	vsel vm14, s13, v11  }
0x17a: {  	s17 =	sshrl.u32 s12, $0x1F;
	s19 =	sshra.s32 s20, $0x1F;
	v13 =	vsel vm6, s21, v13;
	v15 =	vsel vm2, s15, v15;
	v11 =	vsel vm6, s16, v11  }
0x17b: {  	s20 =	sshra.s32 s12, $0x6;
	v13 =	vsel vm7, s17, v13;
	v14 =	vcombine.low v15, v14;
	v11 =	vsel vm15, s19, v11  }
0x17c: {  	v12 =	vperm.xlane v12, v0;
	v13 =	vperm.xlane v13, v2;
	v11 =	vsel vm7, s20, v11  }
0x17d: {  	v14 =	vperm.xlane v14, v0;
	v11 =	vperm.xlane v11, v2;
	_ =	sdelay $0x1  }
0x17e: {  	v12 =	vsel vm8, v13, v12;
	v11 =	vsel vm8, v11, v14  }
0x17f: {  	s3 =	rddreg [dreg:$0x13];
	v11 =	vadd.s32 v12, v11  }
0x180: {  	s5 =	sshra.s32 s3, $0x2;
	v11 =	vmul.u32 $0xC8, v11  }
0x181: {  	s24 =	sadd.s32 $0xB400, s5  }
0x182: {  	s21 =	simm.s32 $0x0;
	v19 =	vld [tilespmem:s24+$0xFFFFFFE0];
	s25 =	sadd.s32 $0x6400, s5;
	v10 =	vsub.s32 v10, v11  }
0x183: {  	v20 =	vld [tilespmem:s25+$0xFFFFFFE0];
	v11 =	vmov s21;
	v10 =	vshll.u32 v10, $0x7  }
0x184: {  	v13 =	vld [tilespmem:s25+$0xFFFFFFD0];
	v11 =	vperm.xlane v10, v11  }
0x185: {  	v12 =	vld [tilespmem:s24+$0xFFFFFFD0]  }
0x186: {  	v16 =	vld [tilespmem:s24+$0xFFFFFFC0];
	v14 =	vadd.s32 v4, v11  }
0x187: {  	v18 =	vld [tilespmem:s25+$0xFFFFFFC0];
	v15 =	vadd.s32 v1, v11;
	_ =	sdelay $0x1  }
0x188: {  	v60 =	vld [tilespmem:s25+$0x0];
	v17 =	vadd.s32 v3, v11  }
0x189: {  	v12 =	vmul.bf16 v12, v13;
	v13 =	vmul.bf16 v19, v20;
	v19 =	vld [tilespmem:s24+$0x0]  }
0x18a: {  	v14 =	vld.idx.msk [tilespmem:v14+s2+$0x0], $0xffff  }
0x18b: {  	v16 =	vmul.bf16 v16, v18;
	v15 =	vld.idx.msk [tilespmem:v15+s2+$0x0], $0xffff  }
0x18c: {  	v21 =	vadd.s32 v5, v11  }
0x18d: {  	v24 =	vunpack.i.u.bf16.f32 v16;
	v16 =	vunpack.i.l.bf16.f32 v16;
	v22 =	vadd.s32 v6, v11;
	v17 =	vld.idx.msk [tilespmem:v17+s2+$0x0], $0xffff  }
0x18e: {  	v25 =	vld [tilespmem:s24+$0xFFFFFFF0];
	v20 =	vadd.s32 v7, v11;
	v26 =	vunpack.i.u.bf16.f32 v12;
	v27 =	vunpack.i.u.bf16.f32 v13  }
0x18f: {  	v28 =	vld [tilespmem:s25+$0xFFFFFFF0];
	v13 =	vunpack.i.l.bf16.f32 v13;
	v12 =	vunpack.i.l.bf16.f32 v12;
	v19 =	vmul.bf16 v19, v60  }
0x190: {  	v18 =	vld [tilespmem:s24+$0x20];
	v29 =	vunpack.i.u.bf16.f32 v15;
	v15 =	vunpack.i.l.bf16.f32 v15;
	v30 =	vunpack.i.u.bf16.f32 v14  }
0x191: {  	v21 =	vld.idx.msk [tilespmem:v21+s2+$0x0], $0xffff;
	v14 =	vunpack.i.l.bf16.f32 v14;
	v24 =	vmul.f32 v29, v24;
	v15 =	vmul.f32 v15, v16  }
0x192: {  	v22 =	vld.idx.msk [tilespmem:v22+s2+$0x0], $0xffff;
	v16 =	vunpack.i.u.bf16.f32 v17;
	v17 =	vunpack.i.l.bf16.f32 v17;
	v13 =	vmul.f32 v14, v13  }
0x193: {  	v23 =	vadd.s32 v8, v11;
	v14 =	vld [tilespmem:s25+$0x10];
	v16 =	vmul.f32 v16, v26;
	v12 =	vmul.f32 v17, v12  }
0x194: {  	v11 =	vadd.s32 v9, v11;
	v17 =	vld [tilespmem:s24+$0x10];
	v26 =	vmul.f32 v30, v27;
	v27 =	vunpack.i.l.bf16.f32 v19  }
0x195: {  	v15 =	vadd.f32 v15, v24;
	v24 =	vmul.bf16 v25, v28;
	v25 =	vld [tilespmem:s25+$0x20];
	v12 =	vadd.f32 v12, v16  }
0x196: {  	v19 =	vunpack.i.u.bf16.f32 v19;
	v16 =	vld.idx.msk [tilespmem:v20+s2+$0x0], $0xffff;
	v13 =	vadd.f32 v13, v26;
	v20 =	vunpack.i.u.bf16.f32 v21  }
0x197: {  	v21 =	vunpack.i.l.bf16.f32 v21;
	v12 =	vadd.f32 v12, v15;
	v15 =	vunpack.i.u.bf16.f32 v24  }
0x198: {  	v23 =	vld.idx.msk [tilespmem:v23+s2+$0x0], $0xffff;
	v26 =	vunpack.i.u.bf16.f32 v22;
	v24 =	vunpack.i.l.bf16.f32 v24;
	v15 =	vmul.f32 v20, v15  }
0x199: {  	v11 =	vld.idx.msk [tilespmem:v11+s2+$0x0], $0xffff;
	v22 =	vunpack.i.l.bf16.f32 v22;
	v14 =	vmul.bf16 v17, v14;
	v17 =	vmul.f32 v21, v24  }
0x19a: {  	v19 =	vmul.f32 v26, v19;
	v20 =	vld [tilespmem:s24+$0x30];
	v21 =	vmul.f32 v22, v27;
	v12 =	vadd.f32 v13, v12  }
0x19b: {  	v13 =	vld [tilespmem:s25+$0x30];
	v18 =	vmul.bf16 v18, v25;
	v22 =	vunpack.i.u.bf16.f32 v16;
	v15 =	vadd.f32 v17, v15  }
0x19c: {  	v16 =	vunpack.i.l.bf16.f32 v16;
	v17 =	vunpack.i.u.bf16.f32 v14;
	v14 =	vunpack.i.l.bf16.f32 v14  }
0x19d: {  	v14 =	vmul.f32 v16, v14;
	v16 =	vunpack.i.l.bf16.f32 v18;
	v12 =	vadd.f32 v15, v12  }
0x19e: {  	v15 =	vmul.f32 v22, v17;
	v17 =	vunpack.i.u.bf16.f32 v18;
	v18 =	vadd.f32 v21, v19  }
0x19f: {  	v24 =	vunpack.i.u.bf16.f32 v23;
	v23 =	vunpack.i.l.bf16.f32 v23;
	v19 =	vunpack.i.u.bf16.f32 v11  }
0x1a0: {  	v13 =	vmul.bf16 v20, v13;
	v14 =	vadd.f32 v14, v15;
	v12 =	vadd.f32 v18, v12  }
0x1a1: {  	v16 =	vmul.f32 v23, v16;
	v11 =	vunpack.i.l.bf16.f32 v11;
	v17 =	vmul.f32 v24, v17  }
0x1a2: {  	v15 =	vunpack.i.u.bf16.f32 v13;
	v13 =	vunpack.i.l.bf16.f32 v13;
	v12 =	vadd.f32 v14, v12  }
0x1a3: {  	v15 =	vmul.f32 v19, v15;
	v11 =	vmul.f32 v11, v13;
	v13 =	vadd.f32 v16, v17;
	_ =	sdelay $0x1  }
0x1a4: {  	v11 =	vadd.f32 v11, v15;
	v12 =	vadd.f32 v13, v12;
	_ =	sdelay $0x1  }
0x1a5: {  	v11 =	vadd.f32 v11, v12;
	_ =	sdelay $0x1  }
0x1a6: {  	(xrf2) =	vadd.scan.msk.f32 $0xffff, v11  }
0x1a7: {  	p0 =	seq.s32 s22, $0x2;
	s14 =	simm.s32 $0x4  }
0x1a8: {  	s14 =	simm.s32 @!p0 $0x8  }
0x1a9: {  	s26 =	sadd.s32 $0x0, s14  }
0x1aa: {  	s29 =	sadd.s32 s23, s14;
	v11 =	vmov s26  }
0x1ab: {  	s31 =	sadd.s32 $0x0, s18;
	s30 =	sshll.u32 s29, $0x9;
	v23 =	vperm.xlane v10, v11  }
0x1ac: {  	s0 =	sor.u32 $0x1C0, s30;
	v12 =	vmov s31  }
0x1ad: {  	s0 =	sshrl.u32 s0, $0x2;
	v13 =	vadd.s32 v4, v23  }
0x1ae: {  	v11 =	vmov s0;
	_ =	sdelay $0x1  }
0x1af: {  	v14, _, _ =	vpop (xrf2)  }
0x1b0: {  	[tilespmem:v12+s28+$0x0] =	vst.idx.msk vm9, v14  }
0x1b1: {  	s24 =	simm.s32 $0xB400;
	v13 =	vld.idx.msk [tilespmem:v13+s2+$0x0], $0xffff  }
0x1b2: {  	v14 =	vld.idx.msk [tilespmem:v11+s24+$0xFFFFFFB0 ss:$0x1], $0xffff  }
0x1b3: {  	s15 =	simm.s32 $0x6400;
	v15 =	vld.idx.msk [tilespmem:v11+s24+$0xFFFFFFD0 ss:$0x1], $0xffff  }
0x1b4: {  	v16 =	vld.idx.msk [tilespmem:v11+s15+$0xFFFFFF90 ss:$0x1], $0xffff  }
0x1b5: {  	v12 =	vadd.s32 v1, v23;
	v17 =	vld.idx.msk [tilespmem:v11+s15+$0xFFFFFFB0 ss:$0x1], $0xffff  }
0x1b6: {  	v21 =	vadd.s32 v3, v23;
	v19 =	vld.idx.msk [tilespmem:v11+s15+$0xFFFFFFD0 ss:$0x1], $0xffff  }
0x1b7: {  	v20 =	vld.idx.msk [tilespmem:v11+s24+$0xFFFFFF90 ss:$0x1], $0xffff  }
0x1b8: {  	v18 =	vadd.s32 v6, v23;
	v22 =	vld.idx.msk [tilespmem:v11+s24+$0xFFFFFFA0 ss:$0x1], $0xffff  }
0x1b9: {  	v24 =	vld.idx.msk [tilespmem:v11+s15+$0xFFFFFFA0 ss:$0x1], $0xffff  }
0x1ba: {  	v12 =	vld.idx.msk [tilespmem:v12+s2+$0x0], $0xffff  }
0x1bb: {  	v21 =	vld.idx.msk [tilespmem:v21+s2+$0x0], $0xffff  }
0x1bc: {  	v61 =	vadd.s32 v8, v23;
	v14 =	vmul.bf16 v14, v17;
	v17 =	vadd.s32 v7, v23  }
0x1bd: {  	v18 =	vld.idx.msk [tilespmem:v18+s2+$0x0], $0xffff;
	v25 =	vunpack.i.u.bf16.f32 v13;
	v26 =	vunpack.i.l.bf16.f32 v13;
	v16 =	vmul.bf16 v20, v16  }
0x1be: {  	v27 =	vld.idx.msk [tilespmem:v11+s15+$0xFFFFFFF0 ss:$0x1], $0xffff;
	v13 =	vmul.bf16 v15, v19;
	v22 =	vmul.bf16 v22, v24;
	v20 =	vunpack.i.l.bf16.f32 v14  }
0x1bf: {  	v19 =	vunpack.i.u.bf16.f32 v16;
	v15 =	vmul.f32 v26, v20;
	v20 =	vld.idx.msk [tilespmem:v11+s24+$0xFFFFFFF0 ss:$0x1], $0xffff;
	v26 =	vunpack.i.u.bf16.f32 v12  }
0x1c0: {  	v63 =	vunpack.i.u.bf16.f32 v21;
	v24 =	vmul.f32 v26, v19;
	v26 =	vadd.s32 v5, v23  }
0x1c1: {  	v62 =	vld.idx.msk [tilespmem:v11+s24+$0xFFFFFFC0 ss:$0x1], $0xffff;
	v21 =	vunpack.i.l.bf16.f32 v21;
	v16 =	vunpack.i.l.bf16.f32 v16;
	v12 =	vunpack.i.l.bf16.f32 v12  }
0x1c2: {  	p0 =	sne.s32 s14, $0x1;
	v31 =	vld.idx.msk [tilespmem:v11+s15+$0xFFFFFFC0 ss:$0x1], $0xffff;
	v19 =	vunpack.i.u.bf16.f32 v22;
	v22 =	vunpack.i.l.bf16.f32 v22;
	v16 =	vmul.f32 v12, v16  }
.Ltmp4:
0x1c3: {  	v12 =	vld.idx.msk [tilespmem:v17+s2+$0x0], $0xffff;
	v17 =	vunpack.i.u.bf16.f32 v14;
	v30 =	vmul.f32 v63, v19;
	v22 =	vmul.f32 v21, v22;
	(pc) =	sbr.rel @!p0 .LBB2_10-.Ltmp4, $4  }
0x1c4: {  	v14 =	vunpack.i.u.bf16.f32 v18;
	v25 =	vmul.f32 v25, v17;
	v19 =	vld.idx.msk [tilespmem:v61+s2+$0x0], $0xffff;
	v20 =	vmul.bf16 v20, v27  }
0x1c5: {  	v17 =	vunpack.i.l.bf16.f32 v18;
	v24 =	vadd.f32 v16, v24;
	v22 =	vadd.f32 v22, v30;
	v21 =	vld.idx.msk [tilespmem:v26+s2+$0x0], $0xffff  }
0x1c6: {  	s9 =	simm.s32 $0xB400;
	s7 =	simm.s32 $0x0;
	v16 =	vadd.f32 v15, v25;
	v15 =	vunpack.i.u.bf16.f32 v20;
	v18 =	vunpack.i.l.bf16.f32 v20;
	v20 =	vld.idx.msk [tilespmem:v11+s24+$0xFFFFFFE0 ss:$0x1], $0xffff  }
0x1c7: {  	s11 =	simm.s32 $0x6400;
	s6 =	sadd.s32 s18, s14;
	s8 =	simm.s32 $0x1;
	v23 =	vadd.s32 v9, v23;
	v25 =	vmul.bf16 v62, v31;
	v24 =	vadd.f32 v22, v24;
	v22 =	vld.idx.msk [tilespmem:v11+s15+$0xFFFFFFE0 ss:$0x1], $0xffff  }
.LBB2_9:
0x1c8: {  	s9 =	sadd.s32 $0x80, s9  }
0x1c9: {  	v26 =	vunpack.i.l.bf16.f32 v13;
	v27 =	vunpack.i.l.bf16.f32 v12;
	v28 =	vunpack.i.l.bf16.f32 v19;
	s11 =	sadd.s32 $0x80, s11;
	s12 =	smov.u32 s8;
	s8 =	sadd.s32 $0x1, s8  }
0x1ca: {  	v19 =	vunpack.i.u.bf16.f32 v19;
	p0 =	sne.s32 s14, s8;
	v29 =	vunpack.i.u.bf16.f32 v25;
	v17 =	vmul.f32 v17, v26;
	v26 =	vld.idx.msk [tilespmem:v11+s24+$0x0 ss:$0x1], $0xffff;
	s24 =	smov.u32 s9  }
0x1cb: {  	v30 =	vunpack.i.u.bf16.f32 v21;
	v21 =	vunpack.i.l.bf16.f32 v21;
	v25 =	vunpack.i.l.bf16.f32 v25;
	v31 =	vld.idx.msk [tilespmem:v11+s15+$0x0 ss:$0x1], $0xffff;
	s15 =	smov.u32 s11  }
0x1cc: {  	v13 =	vunpack.i.u.bf16.f32 v13;
	v21 =	vmul.f32 v21, v25;
	v25 =	vmul.f32 v30, v29  }
0x1cd: {  	v16 =	vadd.f32 v16, v24;
	v13 =	vmul.f32 v14, v13;
	v14 =	vmul.bf16 v20, v22;
	v20 =	vld.idx.msk [tilespmem:v23+s2+$0x0], $0xffff  }
0x1ce: {  	v12 =	vunpack.i.u.bf16.f32 v12;
	v18 =	vmul.f32 v28, v18;
	v21 =	vadd.f32 v21, v25  }
0x1cf: {  	v13 =	vadd.f32 v17, v13;
	v17 =	vunpack.i.u.bf16.f32 v14;
	v14 =	vunpack.i.l.bf16.f32 v14  }
0x1d0: {  	v16 =	vadd.f32 v21, v16;
	v14 =	vmul.f32 v27, v14;
	v12 =	vmul.f32 v12, v17  }
0x1d1: {  	v15 =	vmul.f32 v19, v15;
	v17 =	vmul.bf16 v26, v31  }
0x1d2: {  	v13 =	vadd.f32 v13, v16;
	v12 =	vadd.f32 v14, v12  }
0x1d3: {  	v14 =	vadd.f32 v18, v15;
	v15 =	vunpack.i.u.bf16.f32 v17;
	v16 =	vunpack.i.l.bf16.f32 v17  }
0x1d4: {  	v17 =	vunpack.i.l.bf16.f32 v20;
	v12 =	vadd.f32 v12, v13;
	v13 =	vunpack.i.u.bf16.f32 v20  }
0x1d5: {  	v16 =	vmul.f32 v17, v16;
	v13 =	vmul.f32 v13, v15  }
0x1d6: {  	v12 =	vadd.f32 v14, v12  }
0x1d7: {  	v13 =	vadd.f32 v16, v13;
	_ =	sdelay $0x1  }
0x1d8: {  	v12 =	vadd.f32 v13, v12;
	_ =	sdelay $0x1  }
0x1d9: {  	(xrf2) =	vadd.scan.msk.f32 $0xffff, v12;
	_ =	sdelay $0x4  }
0x1da: {  	s0 =	sadd.s32 s7, s6;
	s7 =	smov.u32 s12  }
0x1db: {  	v12 =	vmov s0;
	_ =	sdelay $0x3  }
0x1dc: {  	v13, _, _ =	vpop (xrf2)  }
0x1dd: {  	[tilespmem:v12+s28+$0x0] =	vst.idx.msk vm9, v13;
	_ =	sdelay $0x3  }
0x1de: {  	v12 =	vmov s7  }
0x1df: {  	s16 =	sadd.s32 s5, s9;
	v12 =	vperm.xlane v10, v12  }
0x1e0: {  	s12 =	sadd.s32 s5, s11;
	v13 =	vld [tilespmem:s16+$0xFFFFFFD0]  }
0x1e1: {  	v14 =	vadd.s32 v1, v12;
	v16 =	vadd.s32 v3, v12;
	v17 =	vadd.s32 v4, v12;
	v15 =	vld [tilespmem:s12+$0xFFFFFFD0]  }
0x1e2: {  	v19 =	vadd.s32 v5, v12;
	v20 =	vadd.s32 v6, v12;
	v21 =	vadd.s32 v7, v12;
	v18 =	vld [tilespmem:s16+$0xFFFFFFC0]  }
0x1e3: {  	v23 =	vadd.s32 v8, v12;
	v12 =	vadd.s32 v9, v12;
	v22 =	vld [tilespmem:s12+$0xFFFFFFC0]  }
0x1e4: {  	v24 =	vld [tilespmem:s16+$0xFFFFFFE0]  }
0x1e5: {  	v25 =	vld [tilespmem:s12+$0xFFFFFFE0]  }
0x1e6: {  	v13 =	vmul.bf16 v13, v15;
	v15 =	vld.idx.msk [tilespmem:v17+s2+$0x0], $0xffff  }
0x1e7: {  	v14 =	vld.idx.msk [tilespmem:v14+s2+$0x0], $0xffff  }
0x1e8: {  	v17 =	vmul.bf16 v18, v22;
	v16 =	vld.idx.msk [tilespmem:v16+s2+$0x0], $0xffff;
	_ =	sdelay $0x1  }
0x1e9: {  	v18 =	vmul.bf16 v24, v25;
	v22 =	vld [tilespmem:s16+$0x20]  }
0x1ea: {  	v24 =	vunpack.i.u.bf16.f32 v17;
	v25 =	vunpack.i.u.bf16.f32 v13;
	v26 =	vld [tilespmem:s16+$0x0]  }
0x1eb: {  	v28 =	vunpack.i.u.bf16.f32 v15;
	v27 =	vunpack.i.u.bf16.f32 v18;
	v18 =	vunpack.i.l.bf16.f32 v18;
	v29 =	vld [tilespmem:s16+$0xFFFFFFF0]  }
0x1ec: {  	v30 =	vunpack.i.u.bf16.f32 v14;
	v14 =	vunpack.i.l.bf16.f32 v14;
	v27 =	vmul.f32 v28, v27;
	v28 =	vld [tilespmem:s12+$0xFFFFFFF0]  }
0x1ed: {  	v15 =	vunpack.i.l.bf16.f32 v15;
	v24 =	vmul.f32 v30, v24;
	v30 =	vunpack.i.u.bf16.f32 v16;
	v19 =	vld.idx.msk [tilespmem:v19+s2+$0x0], $0xffff  }
0x1ee: {  	v17 =	vunpack.i.l.bf16.f32 v17;
	v16 =	vunpack.i.l.bf16.f32 v16;
	v15 =	vmul.f32 v15, v18;
	v18 =	vld [tilespmem:s12+$0x0]  }
0x1ef: {  	v13 =	vunpack.i.l.bf16.f32 v13;
	v14 =	vmul.f32 v14, v17;
	v17 =	vmul.f32 v30, v25;
	v20 =	vld.idx.msk [tilespmem:v20+s2+$0x0], $0xffff  }
0x1f0: {  	v13 =	vmul.f32 v16, v13;
	v15 =	vadd.f32 v15, v27;
	v16 =	vld [tilespmem:s16+$0x10]  }
0x1f1: {  	v14 =	vadd.f32 v14, v24;
	v24 =	vmul.bf16 v29, v28;
	v25 =	vld [tilespmem:s12+$0x10]  }
0x1f2: {  	v13 =	vadd.f32 v13, v17;
	v17 =	vld.idx.msk [tilespmem:v21+s2+$0x0], $0xffff  }
0x1f3: {  	v21 =	vunpack.i.u.bf16.f32 v19;
	v19 =	vunpack.i.l.bf16.f32 v19;
	v18 =	vmul.bf16 v26, v18;
	v26 =	vld [tilespmem:s12+$0x20]  }
0x1f4: {  	v13 =	vadd.f32 v13, v14;
	v14 =	vunpack.i.u.bf16.f32 v24;
	v24 =	vunpack.i.l.bf16.f32 v24;
	v23 =	vld.idx.msk [tilespmem:v23+s2+$0x0], $0xffff  }
0x1f5: {  	v14 =	vmul.f32 v21, v14;
	v21 =	vunpack.i.u.bf16.f32 v20;
	v20 =	vunpack.i.l.bf16.f32 v20;
	v27 =	vld [tilespmem:s16+$0x30]  }
0x1f6: {  	v13 =	vadd.f32 v15, v13;
	v15 =	vunpack.i.l.bf16.f32 v18;
	v16 =	vmul.bf16 v16, v25;
	v25 =	vld [tilespmem:s12+$0x30]  }
0x1f7: {  	v19 =	vmul.f32 v19, v24;
	v18 =	vunpack.i.u.bf16.f32 v18;
	v15 =	vmul.f32 v20, v15;
	v12 =	vld.idx.msk [tilespmem:v12+s2+$0x0], $0xffff  }
0x1f8: {  	v20 =	vunpack.i.u.bf16.f32 v17;
	v17 =	vunpack.i.l.bf16.f32 v17;
	v22 =	vmul.bf16 v22, v26  }
0x1f9: {  	v14 =	vadd.f32 v19, v14;
	v19 =	vunpack.i.u.bf16.f32 v16;
	v16 =	vunpack.i.l.bf16.f32 v16  }
0x1fa: {  	v18 =	vmul.f32 v21, v18;
	v21 =	vunpack.i.u.bf16.f32 v23;
	v23 =	vunpack.i.l.bf16.f32 v23  }
0x1fb: {  	v13 =	vadd.f32 v14, v13;
	v14 =	vunpack.i.l.bf16.f32 v22;
	v24 =	vmul.bf16 v27, v25  }
0x1fc: {  	v16 =	vmul.f32 v17, v16;
	v17 =	vmul.f32 v20, v19;
	v19 =	vunpack.i.u.bf16.f32 v22  }
0x1fd: {  	v15 =	vadd.f32 v15, v18;
	v18 =	vunpack.i.u.bf16.f32 v12;
	v12 =	vunpack.i.l.bf16.f32 v12  }
0x1fe: {  	v16 =	vadd.f32 v16, v17;
	v17 =	vunpack.i.u.bf16.f32 v24;
	v20 =	vunpack.i.l.bf16.f32 v24  }
0x1ff: {  	v13 =	vadd.f32 v15, v13;
	v15 =	vmul.f32 v21, v19;
	v17 =	vmul.f32 v18, v17  }
0x200: {  	v14 =	vmul.f32 v23, v14;
	v12 =	vmul.f32 v12, v20  }
0x201: {  	v13 =	vadd.f32 v16, v13  }
0x202: {  	v14 =	vadd.f32 v14, v15;
	v12 =	vadd.f32 v12, v17;
	_ =	sdelay $0x1  }
0x203: {  	v13 =	vadd.f32 v14, v13;
	_ =	sdelay $0x1  }
0x204: {  	v12 =	vadd.f32 v12, v13;
	_ =	sdelay $0x1  }
0x205: {  	(xrf2) =	vadd.scan.msk.f32 $0xffff, v12;
	_ =	sdelay $0x2  }
0x206: {  	s0 =	sadd.s32 s7, s14  }
0x207: {  	v12 =	vmov s0  }
0x208: {  	s0 =	sadd.s32 s7, s18;
	v23 =	vperm.xlane v10, v12  }
0x209: {  	v12 =	vmov s0  }
0x20a: {  	v13 =	vadd.s32 v4, v23;
	_ =	sdelay $0x2  }
0x20b: {  	v14, _, _ =	vpop (xrf2)  }
0x20c: {  	[tilespmem:v12+s28+$0x0] =	vst.idx.msk vm9, v14;
	v12 =	vadd.s32 v1, v23  }
0x20d: {  	v13 =	vld.idx.msk [tilespmem:v13+s2+$0x0], $0xffff  }
0x20e: {  	v14 =	vld.idx.msk [tilespmem:v11+s9+$0xFFFFFFB0 ss:$0x1], $0xffff  }
0x20f: {  	v15 =	vld.idx.msk [tilespmem:v11+s9+$0xFFFFFFD0 ss:$0x1], $0xffff  }
0x210: {  	v17 =	vadd.s32 v6, v23;
	v16 =	vld.idx.msk [tilespmem:v11+s11+$0xFFFFFF90 ss:$0x1], $0xffff  }
0x211: {  	v18 =	vld.idx.msk [tilespmem:v12+s2+$0x0], $0xffff;
	v12 =	vadd.s32 v7, v23  }
0x212: {  	v19 =	vld.idx.msk [tilespmem:v11+s11+$0xFFFFFFB0 ss:$0x1], $0xffff  }
0x213: {  	v20 =	vld.idx.msk [tilespmem:v11+s11+$0xFFFFFFD0 ss:$0x1], $0xffff  }
0x214: {  	v21 =	vld.idx.msk [tilespmem:v11+s9+$0xFFFFFF90 ss:$0x1], $0xffff  }
0x215: {  	v17 =	vld.idx.msk [tilespmem:v17+s2+$0x0], $0xffff  }
0x216: {  	v22 =	vadd.s32 v3, v23;
	v12 =	vld.idx.msk [tilespmem:v12+s2+$0x0], $0xffff  }
0x217: {  	v24 =	vunpack.i.u.bf16.f32 v13;
	v25 =	vunpack.i.l.bf16.f32 v13;
	v26 =	vld.idx.msk [tilespmem:v11+s11+$0xFFFFFFF0 ss:$0x1], $0xffff  }
0x218: {  	v14 =	vmul.bf16 v14, v19;
	v19 =	vadd.s32 v8, v23;
	v27 =	vld.idx.msk [tilespmem:v11+s9+$0xFFFFFFA0 ss:$0x1], $0xffff  }
0x219: {  	v13 =	vmul.bf16 v15, v20;
	v28 =	vld.idx.msk [tilespmem:v11+s11+$0xFFFFFFA0 ss:$0x1], $0xffff  }
0x21a: {  	v15 =	vmul.bf16 v21, v16;
	v16 =	vunpack.i.u.bf16.f32 v14;
	v14 =	vunpack.i.l.bf16.f32 v14;
	v20 =	vld.idx.msk [tilespmem:v11+s9+$0xFFFFFFF0 ss:$0x1], $0xffff  }
0x21b: {  	v21 =	vld.idx.msk [tilespmem:v22+s2+$0x0], $0xffff;
	v22 =	vmul.f32 v25, v14;
	v14 =	vunpack.i.u.bf16.f32 v17;
	v17 =	vunpack.i.l.bf16.f32 v17  }
0x21c: {  	v29 =	vunpack.i.u.bf16.f32 v18;
	v25 =	vunpack.i.u.bf16.f32 v15;
	v15 =	vunpack.i.l.bf16.f32 v15  }
0x21d: {  	v16 =	vmul.f32 v24, v16;
	v25 =	vmul.f32 v29, v25;
	v19 =	vld.idx.msk [tilespmem:v19+s2+$0x0], $0xffff;
	_ =	sdelay $0x1  }
0x21e: {  	v16 =	vadd.f32 v22, v16;
	v22 =	vadd.s32 v5, v23;
	v24 =	vmul.bf16 v27, v28  }
0x21f: {  	v18 =	vunpack.i.l.bf16.f32 v18;
	v20 =	vmul.bf16 v20, v26  }
0x220: {  	v26 =	vunpack.i.u.bf16.f32 v24;
	v24 =	vunpack.i.l.bf16.f32 v24;
	v27 =	vunpack.i.u.bf16.f32 v21;
	v28 =	vld.idx.msk [tilespmem:v11+s9+$0xFFFFFFC0 ss:$0x1], $0xffff  }
0x221: {  	v29 =	vmul.f32 v18, v15;
	v15 =	vunpack.i.l.bf16.f32 v21;
	v26 =	vmul.f32 v27, v26;
	v27 =	vld.idx.msk [tilespmem:v11+s11+$0xFFFFFFC0 ss:$0x1], $0xffff  }
0x222: {  	v24 =	vmul.f32 v15, v24;
	v15 =	vunpack.i.u.bf16.f32 v20;
	v18 =	vunpack.i.l.bf16.f32 v20  }
.Ltmp5:
0x223: {  	v25 =	vadd.f32 v29, v25;
	v21 =	vld.idx.msk [tilespmem:v22+s2+$0x0], $0xffff;
	(pc) =	sbr.rel @p0 .LBB2_9-.Ltmp5, $4  }
0x224: {  	v22 =	vadd.f32 v24, v26  }
0x225: {  	v20 =	vld.idx.msk [tilespmem:v11+s9+$0xFFFFFFE0 ss:$0x1], $0xffff  }
0x226: {  	v24 =	vadd.f32 v22, v25;
	v22 =	vld.idx.msk [tilespmem:v11+s11+$0xFFFFFFE0 ss:$0x1], $0xffff  }
0x227: {  	v23 =	vadd.s32 v9, v23;
	v25 =	vmul.bf16 v28, v27  }
.LBB2_10:
0x228: {  	_ = 	snop  }
0x229: {  	v10 =	vunpack.i.l.bf16.f32 v13  }
0x22a: {  	v26 =	vunpack.i.l.bf16.f32 v12;
	v53 =	vunpack.i.u.bf16.f32 v13;
	v56 =	vunpack.i.u.bf16.f32 v12  }
0x22b: {  	v27 =	vunpack.i.l.bf16.f32 v19;
	v28 =	vunpack.i.u.bf16.f32 v25;
	v10 =	vmul.f32 v17, v10  }
0x22c: {  	v49 =	vld.idx.msk [tilespmem:v11+s24+$0x0 ss:$0x1], $0xffff;
	v50 =	vunpack.i.l.bf16.f32 v25;
	v29 =	vunpack.i.u.bf16.f32 v21;
	v51 =	vunpack.i.l.bf16.f32 v21  }
0x22d: {  	v11 =	vld.idx.msk [tilespmem:v11+s15+$0x0 ss:$0x1], $0xffff;
	v48 =	vunpack.i.u.bf16.f32 v19;
	v21 =	vmul.f32 v51, v50;
	v52 =	vmul.f32 v29, v28  }
0x22e: {  	v57 =	vld.idx.msk [tilespmem:v23+s2+$0x0], $0xffff;
	v16 =	vadd.f32 v16, v24;
	v13 =	vmul.f32 v14, v53;
	v54 =	vmul.bf16 v20, v22  }
0x22f: {  	v18 =	vmul.f32 v27, v18;
	v59 =	vmul.f32 v48, v15;
	v55 =	vadd.f32 v21, v52  }
0x230: {  	v10 =	vadd.f32 v10, v13;
	v58 =	vunpack.i.u.bf16.f32 v54;
	v14 =	vunpack.i.l.bf16.f32 v54  }
0x231: {  	v16 =	vadd.f32 v55, v16;
	v14 =	vmul.f32 v26, v14;
	v12 =	vmul.f32 v56, v58  }
0x232: {  	v13 =	vadd.f32 v18, v59;
	v11 =	vmul.bf16 v49, v11  }
0x233: {  	v61 =	vunpack.i.u.bf16.f32 v57;
	v10 =	vadd.f32 v10, v16;
	v12 =	vadd.f32 v14, v12  }
0x234: {  	v62 =	vunpack.i.l.bf16.f32 v57;
	v60 =	vunpack.i.u.bf16.f32 v11;
	v11 =	vunpack.i.l.bf16.f32 v11  }
0x235: {  	v11 =	vmul.f32 v62, v11;
	v63 =	vmul.f32 v61, v60;
	v10 =	vadd.f32 v12, v10;
	_ =	sdelay $0x1  }
0x236: {  	v11 =	vadd.f32 v11, v63;
	v10 =	vadd.f32 v13, v10;
	_ =	sdelay $0x1  }
0x237: {  	v10 =	vadd.f32 v11, v10;
	_ =	sdelay $0x1  }
0x238: {  	(xrf2) =	vadd.scan.msk.f32 $0xffff, v10;
	_ =	sdelay $0x4  }
0x239: {  	s0 =	sadd.s32 s7, s6;
	s22 =	sadd.s32 $0x1, s22  }
0x23a: {  	p0 =	sne.s32 s22, $0x3;
	v10 =	vmov s0  }
.Ltmp6:
0x23b: {  	_ = 	snop;
	(pc) =	sbr.rel @p0 .LBB2_8-.Ltmp6, $3  }
0x23c: {  	_ =	sdelay $0x1  }
0x23d: {  	v11, _, _ =	vpop (xrf2)  }
0x23e: {  	s18 =	sadd.s32 $0x10, s18;
	s23 =	sadd.s32 $0x10, s23;
	s3 =	sadd.s32 $0x2000, s3;
	[tilespmem:v10+s28+$0x0] =	vst.idx.msk vm9, v11  }
0x23f: {  	s0 =	simm.s32 $0x2  }
0x240: {  	_ =	swait.ge [sflag:s0], $0x1400  }
0x241: {  	[sflag:s0] =	ssyncset.done $0x0  }
0x242: {  	s29 =	simm.s32 $0x6;
	[sflag:s0] =	ssyncadd.s32 $0xFFFFEC00  }
0x243: {  	_ =	swait.ge [sflag:s29], $0x1400  }
0x244: {  	[sflag:s29] =	ssyncset.done $0x0  }
0x245: {  	s1 =	simm.s32 $0xD;
	s30 =	rddreg [dreg:$0xb];
	[sflag:s29] =	ssyncadd.s32 $0xFFFFEC00  }
0x246: {  	[hbm4b:s30+s2] =	stream.linear.scatter [tilespmem:s28], [sflag:$0xD], $0x1388, $0x38;
	[tilespmem:$0x11968] =	vst v63  }
0x247: {  	_ =	swait.ge [sflag:s1], $0x1388  }
0x248: {  	s3 =	rddreg [dreg:$0xd]  }
0x249: {  	s31 =	rddreg [dreg:$0xc];
	s3 =	sadd.s32 $0x1, s3  }
0x24a: {  	p0 =	sne.s32 s3, s31  }
.Ltmp7:
0x24b: {  	_ = 	snop;
	(pc) =	sbr.rel @p0 .LBB2_1-.Ltmp7, $3  }
0x24c: {  	_ =	sdelay $0x1  }
0x24d: {  	[sflag:s1] =	ssyncset.done $0x0  }
0x24e: {  	[sflag:s1] =	ssyncadd.s32 $0xFFFFEC78  }
0x24f: {  	_ =	sfence.sel $0x180000  }
0x250: {  	[bflag:$0x0] =	sbarrier.arrive $0xFFFF  }
0x251: {  	_ =	strace $0x90000047  }
0x252: {  	s0 =	stileid.u32;
	[bflag:$0x2] =	sbarrier.arrive $0xFFFF  }
0x253: {  	p0 =	sne.s32 s0, $0x0;
	s0 =	rddreg [dreg:$0x2]  }
0x254: {  	s0 =	sadd.s32 @!p0 $0x100000, s0  }
0x255: {  	[sflag:s0] =	ssyncadd.tile.s32 @!p0 $0x1;
	_ =	shalt  }
.Lfunc_end2:
_tile_overlayer_lowered:
.L_overlay_start_2:
0x256: {  	(tag) =	ssettag $0x2  }
0x257: {  	s0 =	rddreg [dreg:$0x0];
	s2 =	stileid.u32  }
0x258: {  	s1 =	rddreg [dreg:$0x1];
	p0 =	sne.s32 s2, $0x0  }
0x259: {  	s3 =	rddreg [dreg:$0x2];
	[bflag:$0x3] =	sbarrier.arrive $0xFFFF;
	s2 =	simm.s32 @!p0 $0x1C0D  }
0x25a: {  	[timem:s3], [sflag:s2] =	dma.local @!p0 [hbm:s0], s1  }
0x25b: {  	s0 =	simm.s32 @!p0 $0xD  }
0x25c: {  	_ =	swait.ge @!p0 [sflag:s0], s1  }
0x25d: {  	s1 =	ssub.s32 @!p0 $0x0, s1;
	[sflag:s0] =	ssyncset.done @!p0 $0x0  }
0x25e: {  	[sflag:s0] =	ssyncadd.s32 @!p0 s1  }
0x25f: {  	[bflag:$0x3] =	sbarrier.arrive $0xFFFF  }
0x260: {  	_ =	shalt  }

</sc_bundles>
